<compile_context>
chip_gen: v7x
topology: tpu7x:2x2x1
jax: 0.10.2.dev20260603
libtpu: 0.0.44.dev20260713+nightly
codegen_flags: <defaults>
</compile_context>

<pallas_src>
import functools

import jax
import jax.numpy as jnp
from jax import lax
from jax.experimental import pallas as pl
from jax.experimental.pallas import tpu as pltpu
from jax.experimental.pallas import tpu_sc as plsc

NC, NS, L = 2, 16, 16
NW = NC * NS
CH = 16
NBUF = 4


def kernel(x, pos_table):
    B, S, D = x.shape
    seq_per_w = S // NW
    n_chunks = seq_per_w // CH
    n_items = n_chunks * B
    chw = CH * D

    xf = x.reshape(B * S * D)
    pf = pos_table.reshape(-1)

    mesh = plsc.VectorSubcoreMesh(core_axis_name="c", subcore_axis_name="s")

    @functools.partial(
        pl.kernel,
        out_type=jax.ShapeDtypeStruct((B * S * D,), jnp.float32),
        mesh=mesh,
        scratch_types=(
            [pltpu.VMEM((chw,), jnp.float32) for _ in range(NBUF)]
            + [pltpu.VMEM((chw,), jnp.float32) for _ in range(2)]
            + [pltpu.SemaphoreType.DMA for _ in range(NBUF)]
            + [pltpu.SemaphoreType.DMA for _ in range(NBUF)]
            + [pltpu.SemaphoreType.DMA for _ in range(2)]
        ),
    )
    def sc_add(x_hbm, p_hbm, o_hbm, *refs):
        xb = refs[0:NBUF]
        pb = refs[NBUF:NBUF + 2]
        lsem = refs[NBUF + 2:2 * NBUF + 2]
        ssem = refs[2 * NBUF + 2:3 * NBUF + 2]
        psem = refs[3 * NBUF + 2:3 * NBUF + 4]

        wid = lax.axis_index("s") * NC + lax.axis_index("c")
        s_base = wid * seq_per_w

        def x_base(t):
            c, b = divmod(t, B)
            return (b * S + s_base + c * CH) * D

        def load_x(t):
            p = t % NBUF
            return pltpu.async_copy(
                x_hbm.at[pl.ds(x_base(t), chw)], xb[p], lsem[p])

        def load_pos(c):
            q = c % 2
            return pltpu.async_copy(
                p_hbm.at[pl.ds((s_base + c * CH) * D, chw)], pb[q], psem[q])

        loads = {}
        stores = {}
        posloads = {}

        posloads[0] = load_pos(0)
        if n_chunks > 1:
            posloads[1] = load_pos(1)
        loads[0] = load_x(0)
        loads[1] = load_x(1)

        for t in range(n_items):
            p = t % NBUF
            c, b = divmod(t, B)

            tf = t + 2
            if tf < n_items:
                if tf >= NBUF:
                    stores[tf - NBUF].wait()
                loads[tf] = load_x(tf)
            if b == 0 and c >= 1 and c + 1 < n_chunks:
                posloads[c + 1] = load_pos(c + 1)

            loads[t].wait()
            if b == 0:
                posloads[c].wait()
            xref = xb[p]
            pref = pb[c % 2]

            def add_body(i, xref=xref, pref=pref):
                plsc.addupdate(xref.at[pl.ds(i, L)], pref[pl.ds(i, L)])

            plsc.parallel_loop(0, chw, L, unroll=8)(add_body)

            stores[t] = pltpu.async_copy(
                xb[p], o_hbm.at[pl.ds(x_base(t), chw)], ssem[p])

        for t in range(max(0, n_items - NBUF), n_items):
            stores[t].wait()

    return sc_add(xf, pf).reshape(B, S, D)

# --- scband reference (transcript-rebuilt; emitter-appended) ---
"""Pipeline reference for scband-positional-encoding-17446157157096 (READ-ONLY COPY).

The authoritative reference and input builder live on the scoring server;
editing this copy changes nothing except your own understanding.
"""

import jax, jax.numpy as jnp
import numpy as np

D_MODEL = 1024
MAX_LEN = 8192

def setup_inputs(seed: int = 0) -> dict:
    key = jax.random.key(seed)
    k1, k2 = jax.random.split(key)
    x = jax.random.normal(k1, (4, 4096, D_MODEL), dtype=jnp.float32)
    pos_table = jax.random.normal(k2, (MAX_LEN, D_MODEL), dtype=jnp.float32) * 0.02
    return {"x": x, "pos_table": pos_table}

def reference(x, pos_table):
    seq_length = x.shape[1]
    position_ids = jnp.arange(seq_length, dtype=jnp.int32)
    position_embeddings = jnp.take(pos_table, position_ids, axis=0)[None, :, :]
    return x + position_embeddings

if __name__ == "__main__":
    import jax
    _d = setup_inputs()
    print(jax.jit(kernel)(*tuple(_d.values())))

</pallas_src>

<mosaic_0001>
#map = affine_map<(d0, d1) -> (0)>
module attributes {stable_mosaic.version = 14 : i64} {
  func.func @sc_add(%arg0: i32, %arg1: i32, %arg2: memref<16777216xf32, #tpu.memory_space<hbm>>, %arg3: memref<8388608xf32, #tpu.memory_space<hbm>>, %arg4: memref<16777216xf32, #tpu.memory_space<hbm>>, %arg5: memref<16384xf32, #tpu.memory_space<vmem>>, %arg6: memref<16384xf32, #tpu.memory_space<vmem>>, %arg7: memref<16384xf32, #tpu.memory_space<vmem>>, %arg8: memref<16384xf32, #tpu.memory_space<vmem>>, %arg9: memref<16384xf32, #tpu.memory_space<vmem>>, %arg10: memref<16384xf32, #tpu.memory_space<vmem>>, %arg11: memref<!tpu.dma_semaphore, #tpu.memory_space<semaphore_mem>>, %arg12: memref<!tpu.dma_semaphore, #tpu.memory_space<semaphore_mem>>, %arg13: memref<!tpu.dma_semaphore, #tpu.memory_space<semaphore_mem>>, %arg14: memref<!tpu.dma_semaphore, #tpu.memory_space<semaphore_mem>>, %arg15: memref<!tpu.dma_semaphore, #tpu.memory_space<semaphore_mem>>, %arg16: memref<!tpu.dma_semaphore, #tpu.memory_space<semaphore_mem>>, %arg17: memref<!tpu.dma_semaphore, #tpu.memory_space<semaphore_mem>>, %arg18: memref<!tpu.dma_semaphore, #tpu.memory_space<semaphore_mem>>, %arg19: memref<!tpu.dma_semaphore, #tpu.memory_space<semaphore_mem>>, %arg20: memref<!tpu.dma_semaphore, #tpu.memory_space<semaphore_mem>>) attributes {dimension_semantics = [#tpu.dimension_semantics<core_parallel>, #tpu.dimension_semantics<subcore_parallel>], iteration_bounds = array<i64: 2, 16>, scalar_prefetch = 0 : i64, scratch_operands = 16 : i64, tpu.core_type = #tpu.core_type<sc_vector_subcore>, window_params = [{transform_indices = #map}, {transform_indices = #map}, {transform_indices = #map}]} {
    %mul3A = arith.constant 2 : i32
    %mul3A_0 = arith.muli %arg1, %mul3A : i32
    %add3A = arith.addi %mul3A_0, %arg0 : i32
    %mul3A_1 = arith.constant 128 : i32
    %mul3A_2 = arith.muli %add3A, %mul3A_1 : i32
    %add3A_3 = arith.constant 0 : i32
    %add3A_4 = arith.addi %mul3A_2, %add3A_3 : i32
    %mul3A_5 = arith.constant 1024 : i32
    %mul3A_6 = arith.muli %add3A_4, %mul3A_5 : i32
    %dma_start3A = tpu.memref_slice %arg3[%mul3A_6] : memref<8388608xf32, #tpu.memory_space<hbm>> -> memref<16384xf32, #tpu.memory_space<hbm>>
    %dma_start3A_7 = tpu.memref_slice %arg3[%mul3A_6] : memref<8388608xf32, #tpu.memory_space<hbm>> -> memref<16384xf32, #tpu.memory_space<hbm>>
    tpu.enqueue_dma source(%dma_start3A_7 : memref<16384xf32, #tpu.memory_space<hbm>>) target(%arg9 : memref<16384xf32, #tpu.memory_space<vmem>>) target_semaphore(%arg19 : memref<!tpu.dma_semaphore, #tpu.memory_space<semaphore_mem>>)
    %add3A_8 = arith.constant 16 : i32
    %add3A_9 = arith.addi %mul3A_2, %add3A_8 : i32
    %mul3A_10 = arith.constant 1024 : i32
    %mul3A_11 = arith.muli %add3A_9, %mul3A_10 : i32
    %dma_start3A_12 = tpu.memref_slice %arg3[%mul3A_11] : memref<8388608xf32, #tpu.memory_space<hbm>> -> memref<16384xf32, #tpu.memory_space<hbm>>
    %dma_start3A_13 = tpu.memref_slice %arg3[%mul3A_11] : memref<8388608xf32, #tpu.memory_space<hbm>> -> memref<16384xf32, #tpu.memory_space<hbm>>
    tpu.enqueue_dma source(%dma_start3A_13 : memref<16384xf32, #tpu.memory_space<hbm>>) target(%arg10 : memref<16384xf32, #tpu.memory_space<vmem>>) target_semaphore(%arg20 : memref<!tpu.dma_semaphore, #tpu.memory_space<semaphore_mem>>)
    %add3A_14 = arith.constant 0 : i32
    %add3A_15 = arith.addi %add3A_14, %mul3A_2 : i32
    %add3A_16 = arith.constant 0 : i32
    %add3A_17 = arith.addi %add3A_15, %add3A_16 : i32
    %mul3A_18 = arith.constant 1024 : i32
    %mul3A_19 = arith.muli %add3A_17, %mul3A_18 : i32
    %dma_start3A_20 = tpu.memref_slice %arg2[%mul3A_19] : memref<16777216xf32, #tpu.memory_space<hbm>> -> memref<16384xf32, #tpu.memory_space<hbm>>
    %dma_start3A_21 = tpu.memref_slice %arg2[%mul3A_19] : memref<16777216xf32, #tpu.memory_space<hbm>> -> memref<16384xf32, #tpu.memory_space<hbm>>
    tpu.enqueue_dma source(%dma_start3A_21 : memref<16384xf32, #tpu.memory_space<hbm>>) target(%arg5 : memref<16384xf32, #tpu.memory_space<vmem>>) target_semaphore(%arg11 : memref<!tpu.dma_semaphore, #tpu.memory_space<semaphore_mem>>)
    %add3A_22 = arith.constant 4096 : i32
    %add3A_23 = arith.addi %add3A_22, %mul3A_2 : i32
    %add3A_24 = arith.constant 0 : i32
    %add3A_25 = arith.addi %add3A_23, %add3A_24 : i32
    %mul3A_26 = arith.constant 1024 : i32
    %mul3A_27 = arith.muli %add3A_25, %mul3A_26 : i32
    %dma_start3A_28 = tpu.memref_slice %arg2[%mul3A_27] : memref<16777216xf32, #tpu.memory_space<hbm>> -> memref<16384xf32, #tpu.memory_space<hbm>>
    %dma_start3A_29 = tpu.memref_slice %arg2[%mul3A_27] : memref<16777216xf32, #tpu.memory_space<hbm>> -> memref<16384xf32, #tpu.memory_space<hbm>>
    tpu.enqueue_dma source(%dma_start3A_29 : memref<16384xf32, #tpu.memory_space<hbm>>) target(%arg6 : memref<16384xf32, #tpu.memory_space<vmem>>) target_semaphore(%arg12 : memref<!tpu.dma_semaphore, #tpu.memory_space<semaphore_mem>>)
    %add3A_30 = arith.constant 8192 : i32
    %add3A_31 = arith.addi %add3A_30, %mul3A_2 : i32
    %add3A_32 = arith.constant 0 : i32
    %add3A_33 = arith.addi %add3A_31, %add3A_32 : i32
    %mul3A_34 = arith.constant 1024 : i32
    %mul3A_35 = arith.muli %add3A_33, %mul3A_34 : i32
    %dma_start3A_36 = tpu.memref_slice %arg2[%mul3A_35] : memref<16777216xf32, #tpu.memory_space<hbm>> -> memref<16384xf32, #tpu.memory_space<hbm>>
    %dma_start3A_37 = tpu.memref_slice %arg2[%mul3A_35] : memref<16777216xf32, #tpu.memory_space<hbm>> -> memref<16384xf32, #tpu.memory_space<hbm>>
    tpu.enqueue_dma source(%dma_start3A_37 : memref<16384xf32, #tpu.memory_space<hbm>>) target(%arg7 : memref<16384xf32, #tpu.memory_space<vmem>>) target_semaphore(%arg13 : memref<!tpu.dma_semaphore, #tpu.memory_space<semaphore_mem>>)
    %dma_wait3A = tpu.memref_slice %arg2[%mul3A_19] : memref<16777216xf32, #tpu.memory_space<hbm>> -> memref<16384xf32, #tpu.memory_space<hbm>>
    %dma_wait3A_38 = tpu.memref_slice %arg2[%mul3A_19] : memref<16777216xf32, #tpu.memory_space<hbm>> -> memref<16384xf32, #tpu.memory_space<hbm>>
    tpu.wait_dma2 semaphore(%arg11 : memref<!tpu.dma_semaphore, #tpu.memory_space<semaphore_mem>>) src(%dma_wait3A_38 : memref<16384xf32, #tpu.memory_space<hbm>>) dst(%arg5 : memref<16384xf32, #tpu.memory_space<vmem>>)
    %dma_wait3A_39 = tpu.memref_slice %arg3[%mul3A_6] : memref<8388608xf32, #tpu.memory_space<hbm>> -> memref<16384xf32, #tpu.memory_space<hbm>>
    %dma_wait3A_40 = tpu.memref_slice %arg3[%mul3A_6] : memref<8388608xf32, #tpu.memory_space<hbm>> -> memref<16384xf32, #tpu.memory_space<hbm>>
    tpu.wait_dma2 semaphore(%arg19 : memref<!tpu.dma_semaphore, #tpu.memory_space<semaphore_mem>>) src(%dma_wait3A_40 : memref<16384xf32, #tpu.memory_space<hbm>>) dst(%arg9 : memref<16384xf32, #tpu.memory_space<vmem>>)
    %parallel_loop3A = arith.constant 0 : i32
    %parallel_loop3A_41 = arith.constant 16384 : i32
    %parallel_loop3A_42 = arith.constant 16 : i32
    scf.for %parallel_loop3A_800 = %parallel_loop3A to %parallel_loop3A_41 step %parallel_loop3A_42  : i32 {
      %parallel_loop3A_801 = arith.index_cast %parallel_loop3A_800 : i32 to index
      %parallel_loop3A_802 = tpu.vector_load %arg9[%parallel_loop3A_801] {strides = array<i32>} : memref<16384xf32, #tpu.memory_space<vmem>>, vector<16xf32>,
      %parallel_loop3A_803 = vector.shape_cast %parallel_loop3A_802 : vector<16xf32> to vector<16xf32>
      %parallel_loop3A_804 = arith.index_cast %parallel_loop3A_800 : i32 to index
      %parallel_loop3A_805 = tpu.vector_load %arg5[%parallel_loop3A_804] {strides = array<i32>} : memref<16384xf32, #tpu.memory_space<vmem>>, vector<16xf32>,
      %parallel_loop3A_806 = vector.shape_cast %parallel_loop3A_805 : vector<16xf32> to vector<16xf32>
      %parallel_loop3A_807 = vector.shape_cast %parallel_loop3A_803 : vector<16xf32> to vector<16xf32>
      tpu.vector_store %arg5[%parallel_loop3A_804], %parallel_loop3A_807 {add = true, strides = array<i32>} : memref<16384xf32, #tpu.memory_space<vmem>>, vector<16xf32>,
    } {sc.loop_unroll_factor = 8 : i64, sc.parallel_access}
    %add3A_43 = arith.constant 0 : i32
    %add3A_44 = arith.addi %add3A_43, %mul3A_2 : i32
    %add3A_45 = arith.constant 0 : i32
    %add3A_46 = arith.addi %add3A_44, %add3A_45 : i32
    %mul3A_47 = arith.constant 1024 : i32
    %mul3A_48 = arith.muli %add3A_46, %mul3A_47 : i32
    %dma_start3A_49 = tpu.memref_slice %arg4[%mul3A_48] : memref<16777216xf32, #tpu.memory_space<hbm>> -> memref<16384xf32, #tpu.memory_space<hbm>>
    %dma_start3A_50 = tpu.memref_slice %arg4[%mul3A_48] : memref<16777216xf32, #tpu.memory_space<hbm>> -> memref<16384xf32, #tpu.memory_space<hbm>>
    tpu.enqueue_dma source(%arg5 : memref<16384xf32, #tpu.memory_space<vmem>>) target(%dma_start3A_50 : memref<16384xf32, #tpu.memory_space<hbm>>) target_semaphore(%arg15 : memref<!tpu.dma_semaphore, #tpu.memory_space<semaphore_mem>>)
    %add3A_51 = arith.constant 12288 : i32
    %add3A_52 = arith.addi %add3A_51, %mul3A_2 : i32
    %add3A_53 = arith.constant 0 : i32
    %add3A_54 = arith.addi %add3A_52, %add3A_53 : i32
    %mul3A_55 = arith.constant 1024 : i32
    %mul3A_56 = arith.muli %add3A_54, %mul3A_55 : i32
    %dma_start3A_57 = tpu.memref_slice %arg2[%mul3A_56] : memref<16777216xf32, #tpu.memory_space<hbm>> -> memref<16384xf32, #tpu.memory_space<hbm>>
    %dma_start3A_58 = tpu.memref_slice %arg2[%mul3A_56] : memref<16777216xf32, #tpu.memory_space<hbm>> -> memref<16384xf32, #tpu.memory_space<hbm>>
    tpu.enqueue_dma source(%dma_start3A_58 : memref<16384xf32, #tpu.memory_space<hbm>>) target(%arg8 : memref<16384xf32, #tpu.memory_space<vmem>>) target_semaphore(%arg14 : memref<!tpu.dma_semaphore, #tpu.memory_space<semaphore_mem>>)
    %dma_wait3A_59 = tpu.memref_slice %arg2[%mul3A_27] : memref<16777216xf32, #tpu.memory_space<hbm>> -> memref<16384xf32, #tpu.memory_space<hbm>>
    %dma_wait3A_60 = tpu.memref_slice %arg2[%mul3A_27] : memref<16777216xf32, #tpu.memory_space<hbm>> -> memref<16384xf32, #tpu.memory_space<hbm>>
    tpu.wait_dma2 semaphore(%arg12 : memref<!tpu.dma_semaphore, #tpu.memory_space<semaphore_mem>>) src(%dma_wait3A_60 : memref<16384xf32, #tpu.memory_space<hbm>>) dst(%arg6 : memref<16384xf32, #tpu.memory_space<vmem>>)
    %parallel_loop3A_61 = arith.constant 0 : i32
    %parallel_loop3A_62 = arith.constant 16384 : i32
    %parallel_loop3A_63 = arith.constant 16 : i32
    scf.for %parallel_loop3A_800 = %parallel_loop3A_61 to %parallel_loop3A_62 step %parallel_loop3A_63  : i32 {
      %parallel_loop3A_801 = arith.index_cast %parallel_loop3A_800 : i32 to index
      %parallel_loop3A_802 = tpu.vector_load %arg9[%parallel_loop3A_801] {strides = array<i32>} : memref<16384xf32, #tpu.memory_space<vmem>>, vector<16xf32>,
      %parallel_loop3A_803 = vector.shape_cast %parallel_loop3A_802 : vector<16xf32> to vector<16xf32>
      %parallel_loop3A_804 = arith.index_cast %parallel_loop3A_800 : i32 to index
      %parallel_loop3A_805 = tpu.vector_load %arg6[%parallel_loop3A_804] {strides = array<i32>} : memref<16384xf32, #tpu.memory_space<vmem>>, vector<16xf32>,
      %parallel_loop3A_806 = vector.shape_cast %parallel_loop3A_805 : vector<16xf32> to vector<16xf32>
      %parallel_loop3A_807 = vector.shape_cast %parallel_loop3A_803 : vector<16xf32> to vector<16xf32>
      tpu.vector_store %arg6[%parallel_loop3A_804], %parallel_loop3A_807 {add = true, strides = array<i32>} : memref<16384xf32, #tpu.memory_space<vmem>>, vector<16xf32>,
    } {sc.loop_unroll_factor = 8 : i64, sc.parallel_access}
    %add3A_64 = arith.constant 4096 : i32
    %add3A_65 = arith.addi %add3A_64, %mul3A_2 : i32
    %add3A_66 = arith.constant 0 : i32
    %add3A_67 = arith.addi %add3A_65, %add3A_66 : i32
    %mul3A_68 = arith.constant 1024 : i32
    %mul3A_69 = arith.muli %add3A_67, %mul3A_68 : i32
    %dma_start3A_70 = tpu.memref_slice %arg4[%mul3A_69] : memref<16777216xf32, #tpu.memory_space<hbm>> -> memref<16384xf32, #tpu.memory_space<hbm>>
    %dma_start3A_71 = tpu.memref_slice %arg4[%mul3A_69] : memref<16777216xf32, #tpu.memory_space<hbm>> -> memref<16384xf32, #tpu.memory_space<hbm>>
    tpu.enqueue_dma source(%arg6 : memref<16384xf32, #tpu.memory_space<vmem>>) target(%dma_start3A_71 : memref<16384xf32, #tpu.memory_space<hbm>>) target_semaphore(%arg16 : memref<!tpu.dma_semaphore, #tpu.memory_space<semaphore_mem>>)
    %dma_wait3A_72 = tpu.memref_slice %arg4[%mul3A_48] : memref<16777216xf32, #tpu.memory_space<hbm>> -> memref<16384xf32, #tpu.memory_space<hbm>>
    %dma_wait3A_73 = tpu.memref_slice %arg4[%mul3A_48] : memref<16777216xf32, #tpu.memory_space<hbm>> -> memref<16384xf32, #tpu.memory_space<hbm>>
    tpu.wait_dma2 semaphore(%arg15 : memref<!tpu.dma_semaphore, #tpu.memory_space<semaphore_mem>>) src(%arg5 : memref<16384xf32, #tpu.memory_space<vmem>>) dst(%dma_wait3A_73 : memref<16384xf32, #tpu.memory_space<hbm>>)
    %add3A_74 = arith.constant 0 : i32
    %add3A_75 = arith.addi %add3A_74, %mul3A_2 : i32
    %add3A_76 = arith.constant 16 : i32
    %add3A_77 = arith.addi %add3A_75, %add3A_76 : i32
    %mul3A_78 = arith.constant 1024 : i32
    %mul3A_79 = arith.muli %add3A_77, %mul3A_78 : i32
    %dma_start3A_80 = tpu.memref_slice %arg2[%mul3A_79] : memref<16777216xf32, #tpu.memory_space<hbm>> -> memref<16384xf32, #tpu.memory_space<hbm>>
    %dma_start3A_81 = tpu.memref_slice %arg2[%mul3A_79] : memref<16777216xf32, #tpu.memory_space<hbm>> -> memref<16384xf32, #tpu.memory_space<hbm>>
    tpu.enqueue_dma source(%dma_start3A_81 : memref<16384xf32, #tpu.memory_space<hbm>>) target(%arg5 : memref<16384xf32, #tpu.memory_space<vmem>>) target_semaphore(%arg11 : memref<!tpu.dma_semaphore, #tpu.memory_space<semaphore_mem>>)
    %dma_wait3A_82 = tpu.memref_slice %arg2[%mul3A_35] : memref<16777216xf32, #tpu.memory_space<hbm>> -> memref<16384xf32, #tpu.memory_space<hbm>>
    %dma_wait3A_83 = tpu.memref_slice %arg2[%mul3A_35] : memref<16777216xf32, #tpu.memory_space<hbm>> -> memref<16384xf32, #tpu.memory_space<hbm>>
    tpu.wait_dma2 semaphore(%arg13 : memref<!tpu.dma_semaphore, #tpu.memory_space<semaphore_mem>>) src(%dma_wait3A_83 : memref<16384xf32, #tpu.memory_space<hbm>>) dst(%arg7 : memref<16384xf32, #tpu.memory_space<vmem>>)
    %parallel_loop3A_84 = arith.constant 0 : i32
    %parallel_loop3A_85 = arith.constant 16384 : i32
    %parallel_loop3A_86 = arith.constant 16 : i32
    scf.for %parallel_loop3A_800 = %parallel_loop3A_84 to %parallel_loop3A_85 step %parallel_loop3A_86  : i32 {
      %parallel_loop3A_801 = arith.index_cast %parallel_loop3A_800 : i32 to index
      %parallel_loop3A_802 = tpu.vector_load %arg9[%parallel_loop3A_801] {strides = array<i32>} : memref<16384xf32, #tpu.memory_space<vmem>>, vector<16xf32>,
      %parallel_loop3A_803 = vector.shape_cast %parallel_loop3A_802 : vector<16xf32> to vector<16xf32>
      %parallel_loop3A_804 = arith.index_cast %parallel_loop3A_800 : i32 to index
      %parallel_loop3A_805 = tpu.vector_load %arg7[%parallel_loop3A_804] {strides = array<i32>} : memref<16384xf32, #tpu.memory_space<vmem>>, vector<16xf32>,
      %parallel_loop3A_806 = vector.shape_cast %parallel_loop3A_805 : vector<16xf32> to vector<16xf32>
      %parallel_loop3A_807 = vector.shape_cast %parallel_loop3A_803 : vector<16xf32> to vector<16xf32>
      tpu.vector_store %arg7[%parallel_loop3A_804], %parallel_loop3A_807 {add = true, strides = array<i32>} : memref<16384xf32, #tpu.memory_space<vmem>>, vector<16xf32>,
    } {sc.loop_unroll_factor = 8 : i64, sc.parallel_access}
    %add3A_87 = arith.constant 8192 : i32
    %add3A_88 = arith.addi %add3A_87, %mul3A_2 : i32
    %add3A_89 = arith.constant 0 : i32
    %add3A_90 = arith.addi %add3A_88, %add3A_89 : i32
    %mul3A_91 = arith.constant 1024 : i32
    %mul3A_92 = arith.muli %add3A_90, %mul3A_91 : i32
    %dma_start3A_93 = tpu.memref_slice %arg4[%mul3A_92] : memref<16777216xf32, #tpu.memory_space<hbm>> -> memref<16384xf32, #tpu.memory_space<hbm>>
    %dma_start3A_94 = tpu.memref_slice %arg4[%mul3A_92] : memref<16777216xf32, #tpu.memory_space<hbm>> -> memref<16384xf32, #tpu.memory_space<hbm>>
    tpu.enqueue_dma source(%arg7 : memref<16384xf32, #tpu.memory_space<vmem>>) target(%dma_start3A_94 : memref<16384xf32, #tpu.memory_space<hbm>>) target_semaphore(%arg17 : memref<!tpu.dma_semaphore, #tpu.memory_space<semaphore_mem>>)
    %dma_wait3A_95 = tpu.memref_slice %arg4[%mul3A_69] : memref<16777216xf32, #tpu.memory_space<hbm>> -> memref<16384xf32, #tpu.memory_space<hbm>>
    %dma_wait3A_96 = tpu.memref_slice %arg4[%mul3A_69] : memref<16777216xf32, #tpu.memory_space<hbm>> -> memref<16384xf32, #tpu.memory_space<hbm>>
    tpu.wait_dma2 semaphore(%arg16 : memref<!tpu.dma_semaphore, #tpu.memory_space<semaphore_mem>>) src(%arg6 : memref<16384xf32, #tpu.memory_space<vmem>>) dst(%dma_wait3A_96 : memref<16384xf32, #tpu.memory_space<hbm>>)
    %add3A_97 = arith.constant 4096 : i32
    %add3A_98 = arith.addi %add3A_97, %mul3A_2 : i32
    %add3A_99 = arith.constant 16 : i32
    %add3A_100 = arith.addi %add3A_98, %add3A_99 : i32
    %mul3A_101 = arith.constant 1024 : i32
    %mul3A_102 = arith.muli %add3A_100, %mul3A_101 : i32
    %dma_start3A_103 = tpu.memref_slice %arg2[%mul3A_102] : memref<16777216xf32, #tpu.memory_space<hbm>> -> memref<16384xf32, #tpu.memory_space<hbm>>
    %dma_start3A_104 = tpu.memref_slice %arg2[%mul3A_102] : memref<16777216xf32, #tpu.memory_space<hbm>> -> memref<16384xf32, #tpu.memory_space<hbm>>
    tpu.enqueue_dma source(%dma_start3A_104 : memref<16384xf32, #tpu.memory_space<hbm>>) target(%arg6 : memref<16384xf32, #tpu.memory_space<vmem>>) target_semaphore(%arg12 : memref<!tpu.dma_semaphore, #tpu.memory_space<semaphore_mem>>)
    %dma_wait3A_105 = tpu.memref_slice %arg2[%mul3A_56] : memref<16777216xf32, #tpu.memory_space<hbm>> -> memref<16384xf32, #tpu.memory_space<hbm>>
    %dma_wait3A_106 = tpu.memref_slice %arg2[%mul3A_56] : memref<16777216xf32, #tpu.memory_space<hbm>> -> memref<16384xf32, #tpu.memory_space<hbm>>
    tpu.wait_dma2 semaphore(%arg14 : memref<!tpu.dma_semaphore, #tpu.memory_space<semaphore_mem>>) src(%dma_wait3A_106 : memref<16384xf32, #tpu.memory_space<hbm>>) dst(%arg8 : memref<16384xf32, #tpu.memory_space<vmem>>)
    %parallel_loop3A_107 = arith.constant 0 : i32
    %parallel_loop3A_108 = arith.constant 16384 : i32
    %parallel_loop3A_109 = arith.constant 16 : i32
    scf.for %parallel_loop3A_800 = %parallel_loop3A_107 to %parallel_loop3A_108 step %parallel_loop3A_109  : i32 {
      %parallel_loop3A_801 = arith.index_cast %parallel_loop3A_800 : i32 to index
      %parallel_loop3A_802 = tpu.vector_load %arg9[%parallel_loop3A_801] {strides = array<i32>} : memref<16384xf32, #tpu.memory_space<vmem>>, vector<16xf32>,
      %parallel_loop3A_803 = vector.shape_cast %parallel_loop3A_802 : vector<16xf32> to vector<16xf32>
      %parallel_loop3A_804 = arith.index_cast %parallel_loop3A_800 : i32 to index
      %parallel_loop3A_805 = tpu.vector_load %arg8[%parallel_loop3A_804] {strides = array<i32>} : memref<16384xf32, #tpu.memory_space<vmem>>, vector<16xf32>,
      %parallel_loop3A_806 = vector.shape_cast %parallel_loop3A_805 : vector<16xf32> to vector<16xf32>
      %parallel_loop3A_807 = vector.shape_cast %parallel_loop3A_803 : vector<16xf32> to vector<16xf32>
      tpu.vector_store %arg8[%parallel_loop3A_804], %parallel_loop3A_807 {add = true, strides = array<i32>} : memref<16384xf32, #tpu.memory_space<vmem>>, vector<16xf32>,
    } {sc.loop_unroll_factor = 8 : i64, sc.parallel_access}
    %add3A_110 = arith.constant 12288 : i32
    %add3A_111 = arith.addi %add3A_110, %mul3A_2 : i32
    %add3A_112 = arith.constant 0 : i32
    %add3A_113 = arith.addi %add3A_111, %add3A_112 : i32
    %mul3A_114 = arith.constant 1024 : i32
    %mul3A_115 = arith.muli %add3A_113, %mul3A_114 : i32
    %dma_start3A_116 = tpu.memref_slice %arg4[%mul3A_115] : memref<16777216xf32, #tpu.memory_space<hbm>> -> memref<16384xf32, #tpu.memory_space<hbm>>
    %dma_start3A_117 = tpu.memref_slice %arg4[%mul3A_115] : memref<16777216xf32, #tpu.memory_space<hbm>> -> memref<16384xf32, #tpu.memory_space<hbm>>
    tpu.enqueue_dma source(%arg8 : memref<16384xf32, #tpu.memory_space<vmem>>) target(%dma_start3A_117 : memref<16384xf32, #tpu.memory_space<hbm>>) target_semaphore(%arg18 : memref<!tpu.dma_semaphore, #tpu.memory_space<semaphore_mem>>)
    %dma_wait3A_118 = tpu.memref_slice %arg4[%mul3A_92] : memref<16777216xf32, #tpu.memory_space<hbm>> -> memref<16384xf32, #tpu.memory_space<hbm>>
    %dma_wait3A_119 = tpu.memref_slice %arg4[%mul3A_92] : memref<16777216xf32, #tpu.memory_space<hbm>> -> memref<16384xf32, #tpu.memory_space<hbm>>
    tpu.wait_dma2 semaphore(%arg17 : memref<!tpu.dma_semaphore, #tpu.memory_space<semaphore_mem>>) src(%arg7 : memref<16384xf32, #tpu.memory_space<vmem>>) dst(%dma_wait3A_119 : memref<16384xf32, #tpu.memory_space<hbm>>)
    %add3A_120 = arith.constant 8192 : i32
    %add3A_121 = arith.addi %add3A_120, %mul3A_2 : i32
    %add3A_122 = arith.constant 16 : i32
    %add3A_123 = arith.addi %add3A_121, %add3A_122 : i32
    %mul3A_124 = arith.constant 1024 : i32
    %mul3A_125 = arith.muli %add3A_123, %mul3A_124 : i32
    %dma_start3A_126 = tpu.memref_slice %arg2[%mul3A_125] : memref<16777216xf32, #tpu.memory_space<hbm>> -> memref<16384xf32, #tpu.memory_space<hbm>>
    %dma_start3A_127 = tpu.memref_slice %arg2[%mul3A_125] : memref<16777216xf32, #tpu.memory_space<hbm>> -> memref<16384xf32, #tpu.memory_space<hbm>>
    tpu.enqueue_dma source(%dma_start3A_127 : memref<16384xf32, #tpu.memory_space<hbm>>) target(%arg7 : memref<16384xf32, #tpu.memory_space<vmem>>) target_semaphore(%arg13 : memref<!tpu.dma_semaphore, #tpu.memory_space<semaphore_mem>>)
    %add3A_128 = arith.constant 32 : i32
    %add3A_129 = arith.addi %mul3A_2, %add3A_128 : i32
    %mul3A_130 = arith.constant 1024 : i32
    %mul3A_131 = arith.muli %add3A_129, %mul3A_130 : i32
    %dma_start3A_132 = tpu.memref_slice %arg3[%mul3A_131] : memref<8388608xf32, #tpu.memory_space<hbm>> -> memref<16384xf32, #tpu.memory_space<hbm>>
    %dma_start3A_133 = tpu.memref_slice %arg3[%mul3A_131] : memref<8388608xf32, #tpu.memory_space<hbm>> -> memref<16384xf32, #tpu.memory_space<hbm>>
    tpu.enqueue_dma source(%dma_start3A_133 : memref<16384xf32, #tpu.memory_space<hbm>>) target(%arg9 : memref<16384xf32, #tpu.memory_space<vmem>>) target_semaphore(%arg19 : memref<!tpu.dma_semaphore, #tpu.memory_space<semaphore_mem>>)
    %dma_wait3A_134 = tpu.memref_slice %arg2[%mul3A_79] : memref<16777216xf32, #tpu.memory_space<hbm>> -> memref<16384xf32, #tpu.memory_space<hbm>>
    %dma_wait3A_135 = tpu.memref_slice %arg2[%mul3A_79] : memref<16777216xf32, #tpu.memory_space<hbm>> -> memref<16384xf32, #tpu.memory_space<hbm>>
    tpu.wait_dma2 semaphore(%arg11 : memref<!tpu.dma_semaphore, #tpu.memory_space<semaphore_mem>>) src(%dma_wait3A_135 : memref<16384xf32, #tpu.memory_space<hbm>>) dst(%arg5 : memref<16384xf32, #tpu.memory_space<vmem>>)
    %dma_wait3A_136 = tpu.memref_slice %arg3[%mul3A_11] : memref<8388608xf32, #tpu.memory_space<hbm>> -> memref<16384xf32, #tpu.memory_space<hbm>>
    %dma_wait3A_137 = tpu.memref_slice %arg3[%mul3A_11] : memref<8388608xf32, #tpu.memory_space<hbm>> -> memref<16384xf32, #tpu.memory_space<hbm>>
    tpu.wait_dma2 semaphore(%arg20 : memref<!tpu.dma_semaphore, #tpu.memory_space<semaphore_mem>>) src(%dma_wait3A_137 : memref<16384xf32, #tpu.memory_space<hbm>>) dst(%arg10 : memref<16384xf32, #tpu.memory_space<vmem>>)
    %parallel_loop3A_138 = arith.constant 0 : i32
    %parallel_loop3A_139 = arith.constant 16384 : i32
    %parallel_loop3A_140 = arith.constant 16 : i32
    scf.for %parallel_loop3A_800 = %parallel_loop3A_138 to %parallel_loop3A_139 step %parallel_loop3A_140  : i32 {
      %parallel_loop3A_801 = arith.index_cast %parallel_loop3A_800 : i32 to index
      %parallel_loop3A_802 = tpu.vector_load %arg10[%parallel_loop3A_801] {strides = array<i32>} : memref<16384xf32, #tpu.memory_space<vmem>>, vector<16xf32>,
      %parallel_loop3A_803 = vector.shape_cast %parallel_loop3A_802 : vector<16xf32> to vector<16xf32>
      %parallel_loop3A_804 = arith.index_cast %parallel_loop3A_800 : i32 to index
      %parallel_loop3A_805 = tpu.vector_load %arg5[%parallel_loop3A_804] {strides = array<i32>} : memref<16384xf32, #tpu.memory_space<vmem>>, vector<16xf32>,
      %parallel_loop3A_806 = vector.shape_cast %parallel_loop3A_805 : vector<16xf32> to vector<16xf32>
      %parallel_loop3A_807 = vector.shape_cast %parallel_loop3A_803 : vector<16xf32> to vector<16xf32>
      tpu.vector_store %arg5[%parallel_loop3A_804], %parallel_loop3A_807 {add = true, strides = array<i32>} : memref<16384xf32, #tpu.memory_space<vmem>>, vector<16xf32>,
    } {sc.loop_unroll_factor = 8 : i64, sc.parallel_access}
    %add3A_141 = arith.constant 0 : i32
    %add3A_142 = arith.addi %add3A_141, %mul3A_2 : i32
    %add3A_143 = arith.constant 16 : i32
    %add3A_144 = arith.addi %add3A_142, %add3A_143 : i32
    %mul3A_145 = arith.constant 1024 : i32
    %mul3A_146 = arith.muli %add3A_144, %mul3A_145 : i32
    %dma_start3A_147 = tpu.memref_slice %arg4[%mul3A_146] : memref<16777216xf32, #tpu.memory_space<hbm>> -> memref<16384xf32, #tpu.memory_space<hbm>>
    %dma_start3A_148 = tpu.memref_slice %arg4[%mul3A_146] : memref<16777216xf32, #tpu.memory_space<hbm>> -> memref<16384xf32, #tpu.memory_space<hbm>>
    tpu.enqueue_dma source(%arg5 : memref<16384xf32, #tpu.memory_space<vmem>>) target(%dma_start3A_148 : memref<16384xf32, #tpu.memory_space<hbm>>) target_semaphore(%arg15 : memref<!tpu.dma_semaphore, #tpu.memory_space<semaphore_mem>>)
    %dma_wait3A_149 = tpu.memref_slice %arg4[%mul3A_115] : memref<16777216xf32, #tpu.memory_space<hbm>> -> memref<16384xf32, #tpu.memory_space<hbm>>
    %dma_wait3A_150 = tpu.memref_slice %arg4[%mul3A_115] : memref<16777216xf32, #tpu.memory_space<hbm>> -> memref<16384xf32, #tpu.memory_space<hbm>>
    tpu.wait_dma2 semaphore(%arg18 : memref<!tpu.dma_semaphore, #tpu.memory_space<semaphore_mem>>) src(%arg8 : memref<16384xf32, #tpu.memory_space<vmem>>) dst(%dma_wait3A_150 : memref<16384xf32, #tpu.memory_space<hbm>>)
    %add3A_151 = arith.constant 12288 : i32
    %add3A_152 = arith.addi %add3A_151, %mul3A_2 : i32
    %add3A_153 = arith.constant 16 : i32
    %add3A_154 = arith.addi %add3A_152, %add3A_153 : i32
    %mul3A_155 = arith.constant 1024 : i32
    %mul3A_156 = arith.muli %add3A_154, %mul3A_155 : i32
    %dma_start3A_157 = tpu.memref_slice %arg2[%mul3A_156] : memref<16777216xf32, #tpu.memory_space<hbm>> -> memref<16384xf32, #tpu.memory_space<hbm>>
    %dma_start3A_158 = tpu.memref_slice %arg2[%mul3A_156] : memref<16777216xf32, #tpu.memory_space<hbm>> -> memref<16384xf32, #tpu.memory_space<hbm>>
    tpu.enqueue_dma source(%dma_start3A_158 : memref<16384xf32, #tpu.memory_space<hbm>>) target(%arg8 : memref<16384xf32, #tpu.memory_space<vmem>>) target_semaphore(%arg14 : memref<!tpu.dma_semaphore, #tpu.memory_space<semaphore_mem>>)
    %dma_wait3A_159 = tpu.memref_slice %arg2[%mul3A_102] : memref<16777216xf32, #tpu.memory_space<hbm>> -> memref<16384xf32, #tpu.memory_space<hbm>>
    %dma_wait3A_160 = tpu.memref_slice %arg2[%mul3A_102] : memref<16777216xf32, #tpu.memory_space<hbm>> -> memref<16384xf32, #tpu.memory_space<hbm>>
    tpu.wait_dma2 semaphore(%arg12 : memref<!tpu.dma_semaphore, #tpu.memory_space<semaphore_mem>>) src(%dma_wait3A_160 : memref<16384xf32, #tpu.memory_space<hbm>>) dst(%arg6 : memref<16384xf32, #tpu.memory_space<vmem>>)
    %parallel_loop3A_161 = arith.constant 0 : i32
    %parallel_loop3A_162 = arith.constant 16384 : i32
    %parallel_loop3A_163 = arith.constant 16 : i32
    scf.for %parallel_loop3A_800 = %parallel_loop3A_161 to %parallel_loop3A_162 step %parallel_loop3A_163  : i32 {
      %parallel_loop3A_801 = arith.index_cast %parallel_loop3A_800 : i32 to index
      %parallel_loop3A_802 = tpu.vector_load %arg10[%parallel_loop3A_801] {strides = array<i32>} : memref<16384xf32, #tpu.memory_space<vmem>>, vector<16xf32>,
      %parallel_loop3A_803 = vector.shape_cast %parallel_loop3A_802 : vector<16xf32> to vector<16xf32>
      %parallel_loop3A_804 = arith.index_cast %parallel_loop3A_800 : i32 to index
      %parallel_loop3A_805 = tpu.vector_load %arg6[%parallel_loop3A_804] {strides = array<i32>} : memref<16384xf32, #tpu.memory_space<vmem>>, vector<16xf32>,
      %parallel_loop3A_806 = vector.shape_cast %parallel_loop3A_805 : vector<16xf32> to vector<16xf32>
      %parallel_loop3A_807 = vector.shape_cast %parallel_loop3A_803 : vector<16xf32> to vector<16xf32>
      tpu.vector_store %arg6[%parallel_loop3A_804], %parallel_loop3A_807 {add = true, strides = array<i32>} : memref<16384xf32, #tpu.memory_space<vmem>>, vector<16xf32>,
    } {sc.loop_unroll_factor = 8 : i64, sc.parallel_access}
    %add3A_164 = arith.constant 4096 : i32
    %add3A_165 = arith.addi %add3A_164, %mul3A_2 : i32
    %add3A_166 = arith.constant 16 : i32
    %add3A_167 = arith.addi %add3A_165, %add3A_166 : i32
    %mul3A_168 = arith.constant 1024 : i32
    %mul3A_169 = arith.muli %add3A_167, %mul3A_168 : i32
    %dma_start3A_170 = tpu.memref_slice %arg4[%mul3A_169] : memref<16777216xf32, #tpu.memory_space<hbm>> -> memref<16384xf32, #tpu.memory_space<hbm>>
    %dma_start3A_171 = tpu.memref_slice %arg4[%mul3A_169] : memref<16777216xf32, #tpu.memory_space<hbm>> -> memref<16384xf32, #tpu.memory_space<hbm>>
    tpu.enqueue_dma source(%arg6 : memref<16384xf32, #tpu.memory_space<vmem>>) target(%dma_start3A_171 : memref<16384xf32, #tpu.memory_space<hbm>>) target_semaphore(%arg16 : memref<!tpu.dma_semaphore, #tpu.memory_space<semaphore_mem>>)
    %dma_wait3A_172 = tpu.memref_slice %arg4[%mul3A_146] : memref<16777216xf32, #tpu.memory_space<hbm>> -> memref<16384xf32, #tpu.memory_space<hbm>>
    %dma_wait3A_173 = tpu.memref_slice %arg4[%mul3A_146] : memref<16777216xf32, #tpu.memory_space<hbm>> -> memref<16384xf32, #tpu.memory_space<hbm>>
    tpu.wait_dma2 semaphore(%arg15 : memref<!tpu.dma_semaphore, #tpu.memory_space<semaphore_mem>>) src(%arg5 : memref<16384xf32, #tpu.memory_space<vmem>>) dst(%dma_wait3A_173 : memref<16384xf32, #tpu.memory_space<hbm>>)
    %add3A_174 = arith.constant 0 : i32
    %add3A_175 = arith.addi %add3A_174, %mul3A_2 : i32
    %add3A_176 = arith.constant 32 : i32
    %add3A_177 = arith.addi %add3A_175, %add3A_176 : i32
    %mul3A_178 = arith.constant 1024 : i32
    %mul3A_179 = arith.muli %add3A_177, %mul3A_178 : i32
    %dma_start3A_180 = tpu.memref_slice %arg2[%mul3A_179] : memref<16777216xf32, #tpu.memory_space<hbm>> -> memref<16384xf32, #tpu.memory_space<hbm>>
    %dma_start3A_181 = tpu.memref_slice %arg2[%mul3A_179] : memref<16777216xf32, #tpu.memory_space<hbm>> -> memref<16384xf32, #tpu.memory_space<hbm>>
    tpu.enqueue_dma source(%dma_start3A_181 : memref<16384xf32, #tpu.memory_space<hbm>>) target(%arg5 : memref<16384xf32, #tpu.memory_space<vmem>>) target_semaphore(%arg11 : memref<!tpu.dma_semaphore, #tpu.memory_space<semaphore_mem>>)
    %dma_wait3A_182 = tpu.memref_slice %arg2[%mul3A_125] : memref<16777216xf32, #tpu.memory_space<hbm>> -> memref<16384xf32, #tpu.memory_space<hbm>>
    %dma_wait3A_183 = tpu.memref_slice %arg2[%mul3A_125] : memref<16777216xf32, #tpu.memory_space<hbm>> -> memref<16384xf32, #tpu.memory_space<hbm>>
    tpu.wait_dma2 semaphore(%arg13 : memref<!tpu.dma_semaphore, #tpu.memory_space<semaphore_mem>>) src(%dma_wait3A_183 : memref<16384xf32, #tpu.memory_space<hbm>>) dst(%arg7 : memref<16384xf32, #tpu.memory_space<vmem>>)
    %parallel_loop3A_184 = arith.constant 0 : i32
    %parallel_loop3A_185 = arith.constant 16384 : i32
    %parallel_loop3A_186 = arith.constant 16 : i32
    scf.for %parallel_loop3A_800 = %parallel_loop3A_184 to %parallel_loop3A_185 step %parallel_loop3A_186  : i32 {
      %parallel_loop3A_801 = arith.index_cast %parallel_loop3A_800 : i32 to index
      %parallel_loop3A_802 = tpu.vector_load %arg10[%parallel_loop3A_801] {strides = array<i32>} : memref<16384xf32, #tpu.memory_space<vmem>>, vector<16xf32>,
      %parallel_loop3A_803 = vector.shape_cast %parallel_loop3A_802 : vector<16xf32> to vector<16xf32>
      %parallel_loop3A_804 = arith.index_cast %parallel_loop3A_800 : i32 to index
      %parallel_loop3A_805 = tpu.vector_load %arg7[%parallel_loop3A_804] {strides = array<i32>} : memref<16384xf32, #tpu.memory_space<vmem>>, vector<16xf32>,
      %parallel_loop3A_806 = vector.shape_cast %parallel_loop3A_805 : vector<16xf32> to vector<16xf32>
      %parallel_loop3A_807 = vector.shape_cast %parallel_loop3A_803 : vector<16xf32> to vector<16xf32>
      tpu.vector_store %arg7[%parallel_loop3A_804], %parallel_loop3A_807 {add = true, strides = array<i32>} : memref<16384xf32, #tpu.memory_space<vmem>>, vector<16xf32>,
    } {sc.loop_unroll_factor = 8 : i64, sc.parallel_access}
    %add3A_187 = arith.constant 8192 : i32
    %add3A_188 = arith.addi %add3A_187, %mul3A_2 : i32
    %add3A_189 = arith.constant 16 : i32
    %add3A_190 = arith.addi %add3A_188, %add3A_189 : i32
    %mul3A_191 = arith.constant 1024 : i32
    %mul3A_192 = arith.muli %add3A_190, %mul3A_191 : i32
    %dma_start3A_193 = tpu.memref_slice %arg4[%mul3A_192] : memref<16777216xf32, #tpu.memory_space<hbm>> -> memref<16384xf32, #tpu.memory_space<hbm>>
    %dma_start3A_194 = tpu.memref_slice %arg4[%mul3A_192] : memref<16777216xf32, #tpu.memory_space<hbm>> -> memref<16384xf32, #tpu.memory_space<hbm>>
    tpu.enqueue_dma source(%arg7 : memref<16384xf32, #tpu.memory_space<vmem>>) target(%dma_start3A_194 : memref<16384xf32, #tpu.memory_space<hbm>>) target_semaphore(%arg17 : memref<!tpu.dma_semaphore, #tpu.memory_space<semaphore_mem>>)
    %dma_wait3A_195 = tpu.memref_slice %arg4[%mul3A_169] : memref<16777216xf32, #tpu.memory_space<hbm>> -> memref<16384xf32, #tpu.memory_space<hbm>>
    %dma_wait3A_196 = tpu.memref_slice %arg4[%mul3A_169] : memref<16777216xf32, #tpu.memory_space<hbm>> -> memref<16384xf32, #tpu.memory_space<hbm>>
    tpu.wait_dma2 semaphore(%arg16 : memref<!tpu.dma_semaphore, #tpu.memory_space<semaphore_mem>>) src(%arg6 : memref<16384xf32, #tpu.memory_space<vmem>>) dst(%dma_wait3A_196 : memref<16384xf32, #tpu.memory_space<hbm>>)
    %add3A_197 = arith.constant 4096 : i32
    %add3A_198 = arith.addi %add3A_197, %mul3A_2 : i32
    %add3A_199 = arith.constant 32 : i32
    %add3A_200 = arith.addi %add3A_198, %add3A_199 : i32
    %mul3A_201 = arith.constant 1024 : i32
    %mul3A_202 = arith.muli %add3A_200, %mul3A_201 : i32
    %dma_start3A_203 = tpu.memref_slice %arg2[%mul3A_202] : memref<16777216xf32, #tpu.memory_space<hbm>> -> memref<16384xf32, #tpu.memory_space<hbm>>
    %dma_start3A_204 = tpu.memref_slice %arg2[%mul3A_202] : memref<16777216xf32, #tpu.memory_space<hbm>> -> memref<16384xf32, #tpu.memory_space<hbm>>
    tpu.enqueue_dma source(%dma_start3A_204 : memref<16384xf32, #tpu.memory_space<hbm>>) target(%arg6 : memref<16384xf32, #tpu.memory_space<vmem>>) target_semaphore(%arg12 : memref<!tpu.dma_semaphore, #tpu.memory_space<semaphore_mem>>)
    %dma_wait3A_205 = tpu.memref_slice %arg2[%mul3A_156] : memref<16777216xf32, #tpu.memory_space<hbm>> -> memref<16384xf32, #tpu.memory_space<hbm>>
    %dma_wait3A_206 = tpu.memref_slice %arg2[%mul3A_156] : memref<16777216xf32, #tpu.memory_space<hbm>> -> memref<16384xf32, #tpu.memory_space<hbm>>
    tpu.wait_dma2 semaphore(%arg14 : memref<!tpu.dma_semaphore, #tpu.memory_space<semaphore_mem>>) src(%dma_wait3A_206 : memref<16384xf32, #tpu.memory_space<hbm>>) dst(%arg8 : memref<16384xf32, #tpu.memory_space<vmem>>)
    %parallel_loop3A_207 = arith.constant 0 : i32
    %parallel_loop3A_208 = arith.constant 16384 : i32
    %parallel_loop3A_209 = arith.constant 16 : i32
    scf.for %parallel_loop3A_800 = %parallel_loop3A_207 to %parallel_loop3A_208 step %parallel_loop3A_209  : i32 {
      %parallel_loop3A_801 = arith.index_cast %parallel_loop3A_800 : i32 to index
      %parallel_loop3A_802 = tpu.vector_load %arg10[%parallel_loop3A_801] {strides = array<i32>} : memref<16384xf32, #tpu.memory_space<vmem>>, vector<16xf32>,
      %parallel_loop3A_803 = vector.shape_cast %parallel_loop3A_802 : vector<16xf32> to vector<16xf32>
      %parallel_loop3A_804 = arith.index_cast %parallel_loop3A_800 : i32 to index
      %parallel_loop3A_805 = tpu.vector_load %arg8[%parallel_loop3A_804] {strides = array<i32>} : memref<16384xf32, #tpu.memory_space<vmem>>, vector<16xf32>,
      %parallel_loop3A_806 = vector.shape_cast %parallel_loop3A_805 : vector<16xf32> to vector<16xf32>
      %parallel_loop3A_807 = vector.shape_cast %parallel_loop3A_803 : vector<16xf32> to vector<16xf32>
      tpu.vector_store %arg8[%parallel_loop3A_804], %parallel_loop3A_807 {add = true, strides = array<i32>} : memref<16384xf32, #tpu.memory_space<vmem>>, vector<16xf32>,
    } {sc.loop_unroll_factor = 8 : i64, sc.parallel_access}
    %add3A_210 = arith.constant 12288 : i32
    %add3A_211 = arith.addi %add3A_210, %mul3A_2 : i32
    %add3A_212 = arith.constant 16 : i32
    %add3A_213 = arith.addi %add3A_211, %add3A_212 : i32
    %mul3A_214 = arith.constant 1024 : i32
    %mul3A_215 = arith.muli %add3A_213, %mul3A_214 : i32
    %dma_start3A_216 = tpu.memref_slice %arg4[%mul3A_215] : memref<16777216xf32, #tpu.memory_space<hbm>> -> memref<16384xf32, #tpu.memory_space<hbm>>
    %dma_start3A_217 = tpu.memref_slice %arg4[%mul3A_215] : memref<16777216xf32, #tpu.memory_space<hbm>> -> memref<16384xf32, #tpu.memory_space<hbm>>
    tpu.enqueue_dma source(%arg8 : memref<16384xf32, #tpu.memory_space<vmem>>) target(%dma_start3A_217 : memref<16384xf32, #tpu.memory_space<hbm>>) target_semaphore(%arg18 : memref<!tpu.dma_semaphore, #tpu.memory_space<semaphore_mem>>)
    %dma_wait3A_218 = tpu.memref_slice %arg4[%mul3A_192] : memref<16777216xf32, #tpu.memory_space<hbm>> -> memref<16384xf32, #tpu.memory_space<hbm>>
    %dma_wait3A_219 = tpu.memref_slice %arg4[%mul3A_192] : memref<16777216xf32, #tpu.memory_space<hbm>> -> memref<16384xf32, #tpu.memory_space<hbm>>
    tpu.wait_dma2 semaphore(%arg17 : memref<!tpu.dma_semaphore, #tpu.memory_space<semaphore_mem>>) src(%arg7 : memref<16384xf32, #tpu.memory_space<vmem>>) dst(%dma_wait3A_219 : memref<16384xf32, #tpu.memory_space<hbm>>)
    %add3A_220 = arith.constant 8192 : i32
    %add3A_221 = arith.addi %add3A_220, %mul3A_2 : i32
    %add3A_222 = arith.constant 32 : i32
    %add3A_223 = arith.addi %add3A_221, %add3A_222 : i32
    %mul3A_224 = arith.constant 1024 : i32
    %mul3A_225 = arith.muli %add3A_223, %mul3A_224 : i32
    %dma_start3A_226 = tpu.memref_slice %arg2[%mul3A_225] : memref<16777216xf32, #tpu.memory_space<hbm>> -> memref<16384xf32, #tpu.memory_space<hbm>>
    %dma_start3A_227 = tpu.memref_slice %arg2[%mul3A_225] : memref<16777216xf32, #tpu.memory_space<hbm>> -> memref<16384xf32, #tpu.memory_space<hbm>>
    tpu.enqueue_dma source(%dma_start3A_227 : memref<16384xf32, #tpu.memory_space<hbm>>) target(%arg7 : memref<16384xf32, #tpu.memory_space<vmem>>) target_semaphore(%arg13 : memref<!tpu.dma_semaphore, #tpu.memory_space<semaphore_mem>>)
    %add3A_228 = arith.constant 48 : i32
    %add3A_229 = arith.addi %mul3A_2, %add3A_228 : i32
    %mul3A_230 = arith.constant 1024 : i32
    %mul3A_231 = arith.muli %add3A_229, %mul3A_230 : i32
    %dma_start3A_232 = tpu.memref_slice %arg3[%mul3A_231] : memref<8388608xf32, #tpu.memory_space<hbm>> -> memref<16384xf32, #tpu.memory_space<hbm>>
    %dma_start3A_233 = tpu.memref_slice %arg3[%mul3A_231] : memref<8388608xf32, #tpu.memory_space<hbm>> -> memref<16384xf32, #tpu.memory_space<hbm>>
    tpu.enqueue_dma source(%dma_start3A_233 : memref<16384xf32, #tpu.memory_space<hbm>>) target(%arg10 : memref<16384xf32, #tpu.memory_space<vmem>>) target_semaphore(%arg20 : memref<!tpu.dma_semaphore, #tpu.memory_space<semaphore_mem>>)
    %dma_wait3A_234 = tpu.memref_slice %arg2[%mul3A_179] : memref<16777216xf32, #tpu.memory_space<hbm>> -> memref<16384xf32, #tpu.memory_space<hbm>>
    %dma_wait3A_235 = tpu.memref_slice %arg2[%mul3A_179] : memref<16777216xf32, #tpu.memory_space<hbm>> -> memref<16384xf32, #tpu.memory_space<hbm>>
    tpu.wait_dma2 semaphore(%arg11 : memref<!tpu.dma_semaphore, #tpu.memory_space<semaphore_mem>>) src(%dma_wait3A_235 : memref<16384xf32, #tpu.memory_space<hbm>>) dst(%arg5 : memref<16384xf32, #tpu.memory_space<vmem>>)
    %dma_wait3A_236 = tpu.memref_slice %arg3[%mul3A_131] : memref<8388608xf32, #tpu.memory_space<hbm>> -> memref<16384xf32, #tpu.memory_space<hbm>>
    %dma_wait3A_237 = tpu.memref_slice %arg3[%mul3A_131] : memref<8388608xf32, #tpu.memory_space<hbm>> -> memref<16384xf32, #tpu.memory_space<hbm>>
    tpu.wait_dma2 semaphore(%arg19 : memref<!tpu.dma_semaphore, #tpu.memory_space<semaphore_mem>>) src(%dma_wait3A_237 : memref<16384xf32, #tpu.memory_space<hbm>>) dst(%arg9 : memref<16384xf32, #tpu.memory_space<vmem>>)
    %parallel_loop3A_238 = arith.constant 0 : i32
    %parallel_loop3A_239 = arith.constant 16384 : i32
    %parallel_loop3A_240 = arith.constant 16 : i32
    scf.for %parallel_loop3A_800 = %parallel_loop3A_238 to %parallel_loop3A_239 step %parallel_loop3A_240  : i32 {
      %parallel_loop3A_801 = arith.index_cast %parallel_loop3A_800 : i32 to index
      %parallel_loop3A_802 = tpu.vector_load %arg9[%parallel_loop3A_801] {strides = array<i32>} : memref<16384xf32, #tpu.memory_space<vmem>>, vector<16xf32>,
      %parallel_loop3A_803 = vector.shape_cast %parallel_loop3A_802 : vector<16xf32> to vector<16xf32>
      %parallel_loop3A_804 = arith.index_cast %parallel_loop3A_800 : i32 to index
      %parallel_loop3A_805 = tpu.vector_load %arg5[%parallel_loop3A_804] {strides = array<i32>} : memref<16384xf32, #tpu.memory_space<vmem>>, vector<16xf32>,
      %parallel_loop3A_806 = vector.shape_cast %parallel_loop3A_805 : vector<16xf32> to vector<16xf32>
      %parallel_loop3A_807 = vector.shape_cast %parallel_loop3A_803 : vector<16xf32> to vector<16xf32>
      tpu.vector_store %arg5[%parallel_loop3A_804], %parallel_loop3A_807 {add = true, strides = array<i32>} : memref<16384xf32, #tpu.memory_space<vmem>>, vector<16xf32>,
    } {sc.loop_unroll_factor = 8 : i64, sc.parallel_access}
    %add3A_241 = arith.constant 0 : i32
    %add3A_242 = arith.addi %add3A_241, %mul3A_2 : i32
    %add3A_243 = arith.constant 32 : i32
    %add3A_244 = arith.addi %add3A_242, %add3A_243 : i32
    %mul3A_245 = arith.constant 1024 : i32
    %mul3A_246 = arith.muli %add3A_244, %mul3A_245 : i32
    %dma_start3A_247 = tpu.memref_slice %arg4[%mul3A_246] : memref<16777216xf32, #tpu.memory_space<hbm>> -> memref<16384xf32, #tpu.memory_space<hbm>>
    %dma_start3A_248 = tpu.memref_slice %arg4[%mul3A_246] : memref<16777216xf32, #tpu.memory_space<hbm>> -> memref<16384xf32, #tpu.memory_space<hbm>>
    tpu.enqueue_dma source(%arg5 : memref<16384xf32, #tpu.memory_space<vmem>>) target(%dma_start3A_248 : memref<16384xf32, #tpu.memory_space<hbm>>) target_semaphore(%arg15 : memref<!tpu.dma_semaphore, #tpu.memory_space<semaphore_mem>>)
    %dma_wait3A_249 = tpu.memref_slice %arg4[%mul3A_215] : memref<16777216xf32, #tpu.memory_space<hbm>> -> memref<16384xf32, #tpu.memory_space<hbm>>
    %dma_wait3A_250 = tpu.memref_slice %arg4[%mul3A_215] : memref<16777216xf32, #tpu.memory_space<hbm>> -> memref<16384xf32, #tpu.memory_space<hbm>>
    tpu.wait_dma2 semaphore(%arg18 : memref<!tpu.dma_semaphore, #tpu.memory_space<semaphore_mem>>) src(%arg8 : memref<16384xf32, #tpu.memory_space<vmem>>) dst(%dma_wait3A_250 : memref<16384xf32, #tpu.memory_space<hbm>>)
    %add3A_251 = arith.constant 12288 : i32
    %add3A_252 = arith.addi %add3A_251, %mul3A_2 : i32
    %add3A_253 = arith.constant 32 : i32
    %add3A_254 = arith.addi %add3A_252, %add3A_253 : i32
    %mul3A_255 = arith.constant 1024 : i32
    %mul3A_256 = arith.muli %add3A_254, %mul3A_255 : i32
    %dma_start3A_257 = tpu.memref_slice %arg2[%mul3A_256] : memref<16777216xf32, #tpu.memory_space<hbm>> -> memref<16384xf32, #tpu.memory_space<hbm>>
    %dma_start3A_258 = tpu.memref_slice %arg2[%mul3A_256] : memref<16777216xf32, #tpu.memory_space<hbm>> -> memref<16384xf32, #tpu.memory_space<hbm>>
    tpu.enqueue_dma source(%dma_start3A_258 : memref<16384xf32, #tpu.memory_space<hbm>>) target(%arg8 : memref<16384xf32, #tpu.memory_space<vmem>>) target_semaphore(%arg14 : memref<!tpu.dma_semaphore, #tpu.memory_space<semaphore_mem>>)
    %dma_wait3A_259 = tpu.memref_slice %arg2[%mul3A_202] : memref<16777216xf32, #tpu.memory_space<hbm>> -> memref<16384xf32, #tpu.memory_space<hbm>>
    %dma_wait3A_260 = tpu.memref_slice %arg2[%mul3A_202] : memref<16777216xf32, #tpu.memory_space<hbm>> -> memref<16384xf32, #tpu.memory_space<hbm>>
    tpu.wait_dma2 semaphore(%arg12 : memref<!tpu.dma_semaphore, #tpu.memory_space<semaphore_mem>>) src(%dma_wait3A_260 : memref<16384xf32, #tpu.memory_space<hbm>>) dst(%arg6 : memref<16384xf32, #tpu.memory_space<vmem>>)
    %parallel_loop3A_261 = arith.constant 0 : i32
    %parallel_loop3A_262 = arith.constant 16384 : i32
    %parallel_loop3A_263 = arith.constant 16 : i32
    scf.for %parallel_loop3A_800 = %parallel_loop3A_261 to %parallel_loop3A_262 step %parallel_loop3A_263  : i32 {
      %parallel_loop3A_801 = arith.index_cast %parallel_loop3A_800 : i32 to index
      %parallel_loop3A_802 = tpu.vector_load %arg9[%parallel_loop3A_801] {strides = array<i32>} : memref<16384xf32, #tpu.memory_space<vmem>>, vector<16xf32>,
      %parallel_loop3A_803 = vector.shape_cast %parallel_loop3A_802 : vector<16xf32> to vector<16xf32>
      %parallel_loop3A_804 = arith.index_cast %parallel_loop3A_800 : i32 to index
      %parallel_loop3A_805 = tpu.vector_load %arg6[%parallel_loop3A_804] {strides = array<i32>} : memref<16384xf32, #tpu.memory_space<vmem>>, vector<16xf32>,
      %parallel_loop3A_806 = vector.shape_cast %parallel_loop3A_805 : vector<16xf32> to vector<16xf32>
      %parallel_loop3A_807 = vector.shape_cast %parallel_loop3A_803 : vector<16xf32> to vector<16xf32>
      tpu.vector_store %arg6[%parallel_loop3A_804], %parallel_loop3A_807 {add = true, strides = array<i32>} : memref<16384xf32, #tpu.memory_space<vmem>>, vector<16xf32>,
    } {sc.loop_unroll_factor = 8 : i64, sc.parallel_access}
    %add3A_264 = arith.constant 4096 : i32
    %add3A_265 = arith.addi %add3A_264, %mul3A_2 : i32
    %add3A_266 = arith.constant 32 : i32
    %add3A_267 = arith.addi %add3A_265, %add3A_266 : i32
    %mul3A_268 = arith.constant 1024 : i32
    %mul3A_269 = arith.muli %add3A_267, %mul3A_268 : i32
    %dma_start3A_270 = tpu.memref_slice %arg4[%mul3A_269] : memref<16777216xf32, #tpu.memory_space<hbm>> -> memref<16384xf32, #tpu.memory_space<hbm>>
    %dma_start3A_271 = tpu.memref_slice %arg4[%mul3A_269] : memref<16777216xf32, #tpu.memory_space<hbm>> -> memref<16384xf32, #tpu.memory_space<hbm>>
    tpu.enqueue_dma source(%arg6 : memref<16384xf32, #tpu.memory_space<vmem>>) target(%dma_start3A_271 : memref<16384xf32, #tpu.memory_space<hbm>>) target_semaphore(%arg16 : memref<!tpu.dma_semaphore, #tpu.memory_space<semaphore_mem>>)
    %dma_wait3A_272 = tpu.memref_slice %arg4[%mul3A_246] : memref<16777216xf32, #tpu.memory_space<hbm>> -> memref<16384xf32, #tpu.memory_space<hbm>>
    %dma_wait3A_273 = tpu.memref_slice %arg4[%mul3A_246] : memref<16777216xf32, #tpu.memory_space<hbm>> -> memref<16384xf32, #tpu.memory_space<hbm>>
    tpu.wait_dma2 semaphore(%arg15 : memref<!tpu.dma_semaphore, #tpu.memory_space<semaphore_mem>>) src(%arg5 : memref<16384xf32, #tpu.memory_space<vmem>>) dst(%dma_wait3A_273 : memref<16384xf32, #tpu.memory_space<hbm>>)
    %add3A_274 = arith.constant 0 : i32
    %add3A_275 = arith.addi %add3A_274, %mul3A_2 : i32
    %add3A_276 = arith.constant 48 : i32
    %add3A_277 = arith.addi %add3A_275, %add3A_276 : i32
    %mul3A_278 = arith.constant 1024 : i32
    %mul3A_279 = arith.muli %add3A_277, %mul3A_278 : i32
    %dma_start3A_280 = tpu.memref_slice %arg2[%mul3A_279] : memref<16777216xf32, #tpu.memory_space<hbm>> -> memref<16384xf32, #tpu.memory_space<hbm>>
    %dma_start3A_281 = tpu.memref_slice %arg2[%mul3A_279] : memref<16777216xf32, #tpu.memory_space<hbm>> -> memref<16384xf32, #tpu.memory_space<hbm>>
    tpu.enqueue_dma source(%dma_start3A_281 : memref<16384xf32, #tpu.memory_space<hbm>>) target(%arg5 : memref<16384xf32, #tpu.memory_space<vmem>>) target_semaphore(%arg11 : memref<!tpu.dma_semaphore, #tpu.memory_space<semaphore_mem>>)
    %dma_wait3A_282 = tpu.memref_slice %arg2[%mul3A_225] : memref<16777216xf32, #tpu.memory_space<hbm>> -> memref<16384xf32, #tpu.memory_space<hbm>>
    %dma_wait3A_283 = tpu.memref_slice %arg2[%mul3A_225] : memref<16777216xf32, #tpu.memory_space<hbm>> -> memref<16384xf32, #tpu.memory_space<hbm>>
    tpu.wait_dma2 semaphore(%arg13 : memref<!tpu.dma_semaphore, #tpu.memory_space<semaphore_mem>>) src(%dma_wait3A_283 : memref<16384xf32, #tpu.memory_space<hbm>>) dst(%arg7 : memref<16384xf32, #tpu.memory_space<vmem>>)
    %parallel_loop3A_284 = arith.constant 0 : i32
    %parallel_loop3A_285 = arith.constant 16384 : i32
    %parallel_loop3A_286 = arith.constant 16 : i32
    scf.for %parallel_loop3A_800 = %parallel_loop3A_284 to %parallel_loop3A_285 step %parallel_loop3A_286  : i32 {
      %parallel_loop3A_801 = arith.index_cast %parallel_loop3A_800 : i32 to index
      %parallel_loop3A_802 = tpu.vector_load %arg9[%parallel_loop3A_801] {strides = array<i32>} : memref<16384xf32, #tpu.memory_space<vmem>>, vector<16xf32>,
      %parallel_loop3A_803 = vector.shape_cast %parallel_loop3A_802 : vector<16xf32> to vector<16xf32>
      %parallel_loop3A_804 = arith.index_cast %parallel_loop3A_800 : i32 to index
      %parallel_loop3A_805 = tpu.vector_load %arg7[%parallel_loop3A_804] {strides = array<i32>} : memref<16384xf32, #tpu.memory_space<vmem>>, vector<16xf32>,
      %parallel_loop3A_806 = vector.shape_cast %parallel_loop3A_805 : vector<16xf32> to vector<16xf32>
      %parallel_loop3A_807 = vector.shape_cast %parallel_loop3A_803 : vector<16xf32> to vector<16xf32>
      tpu.vector_store %arg7[%parallel_loop3A_804], %parallel_loop3A_807 {add = true, strides = array<i32>} : memref<16384xf32, #tpu.memory_space<vmem>>, vector<16xf32>,
    } {sc.loop_unroll_factor = 8 : i64, sc.parallel_access}
    %add3A_287 = arith.constant 8192 : i32
    %add3A_288 = arith.addi %add3A_287, %mul3A_2 : i32
    %add3A_289 = arith.constant 32 : i32
    %add3A_290 = arith.addi %add3A_288, %add3A_289 : i32
    %mul3A_291 = arith.constant 1024 : i32
    %mul3A_292 = arith.muli %add3A_290, %mul3A_291 : i32
    %dma_start3A_293 = tpu.memref_slice %arg4[%mul3A_292] : memref<16777216xf32, #tpu.memory_space<hbm>> -> memref<16384xf32, #tpu.memory_space<hbm>>
    %dma_start3A_294 = tpu.memref_slice %arg4[%mul3A_292] : memref<16777216xf32, #tpu.memory_space<hbm>> -> memref<16384xf32, #tpu.memory_space<hbm>>
    tpu.enqueue_dma source(%arg7 : memref<16384xf32, #tpu.memory_space<vmem>>) target(%dma_start3A_294 : memref<16384xf32, #tpu.memory_space<hbm>>) target_semaphore(%arg17 : memref<!tpu.dma_semaphore, #tpu.memory_space<semaphore_mem>>)
    %dma_wait3A_295 = tpu.memref_slice %arg4[%mul3A_269] : memref<16777216xf32, #tpu.memory_space<hbm>> -> memref<16384xf32, #tpu.memory_space<hbm>>
    %dma_wait3A_296 = tpu.memref_slice %arg4[%mul3A_269] : memref<16777216xf32, #tpu.memory_space<hbm>> -> memref<16384xf32, #tpu.memory_space<hbm>>
    tpu.wait_dma2 semaphore(%arg16 : memref<!tpu.dma_semaphore, #tpu.memory_space<semaphore_mem>>) src(%arg6 : memref<16384xf32, #tpu.memory_space<vmem>>) dst(%dma_wait3A_296 : memref<16384xf32, #tpu.memory_space<hbm>>)
    %add3A_297 = arith.constant 4096 : i32
    %add3A_298 = arith.addi %add3A_297, %mul3A_2 : i32
    %add3A_299 = arith.constant 48 : i32
    %add3A_300 = arith.addi %add3A_298, %add3A_299 : i32
    %mul3A_301 = arith.constant 1024 : i32
    %mul3A_302 = arith.muli %add3A_300, %mul3A_301 : i32
    %dma_start3A_303 = tpu.memref_slice %arg2[%mul3A_302] : memref<16777216xf32, #tpu.memory_space<hbm>> -> memref<16384xf32, #tpu.memory_space<hbm>>
    %dma_start3A_304 = tpu.memref_slice %arg2[%mul3A_302] : memref<16777216xf32, #tpu.memory_space<hbm>> -> memref<16384xf32, #tpu.memory_space<hbm>>
    tpu.enqueue_dma source(%dma_start3A_304 : memref<16384xf32, #tpu.memory_space<hbm>>) target(%arg6 : memref<16384xf32, #tpu.memory_space<vmem>>) target_semaphore(%arg12 : memref<!tpu.dma_semaphore, #tpu.memory_space<semaphore_mem>>)
    %dma_wait3A_305 = tpu.memref_slice %arg2[%mul3A_256] : memref<16777216xf32, #tpu.memory_space<hbm>> -> memref<16384xf32, #tpu.memory_space<hbm>>
    %dma_wait3A_306 = tpu.memref_slice %arg2[%mul3A_256] : memref<16777216xf32, #tpu.memory_space<hbm>> -> memref<16384xf32, #tpu.memory_space<hbm>>
    tpu.wait_dma2 semaphore(%arg14 : memref<!tpu.dma_semaphore, #tpu.memory_space<semaphore_mem>>) src(%dma_wait3A_306 : memref<16384xf32, #tpu.memory_space<hbm>>) dst(%arg8 : memref<16384xf32, #tpu.memory_space<vmem>>)
    %parallel_loop3A_307 = arith.constant 0 : i32
    %parallel_loop3A_308 = arith.constant 16384 : i32
    %parallel_loop3A_309 = arith.constant 16 : i32
    scf.for %parallel_loop3A_800 = %parallel_loop3A_307 to %parallel_loop3A_308 step %parallel_loop3A_309  : i32 {
      %parallel_loop3A_801 = arith.index_cast %parallel_loop3A_800 : i32 to index
      %parallel_loop3A_802 = tpu.vector_load %arg9[%parallel_loop3A_801] {strides = array<i32>} : memref<16384xf32, #tpu.memory_space<vmem>>, vector<16xf32>,
      %parallel_loop3A_803 = vector.shape_cast %parallel_loop3A_802 : vector<16xf32> to vector<16xf32>
      %parallel_loop3A_804 = arith.index_cast %parallel_loop3A_800 : i32 to index
      %parallel_loop3A_805 = tpu.vector_load %arg8[%parallel_loop3A_804] {strides = array<i32>} : memref<16384xf32, #tpu.memory_space<vmem>>, vector<16xf32>,
      %parallel_loop3A_806 = vector.shape_cast %parallel_loop3A_805 : vector<16xf32> to vector<16xf32>
      %parallel_loop3A_807 = vector.shape_cast %parallel_loop3A_803 : vector<16xf32> to vector<16xf32>
      tpu.vector_store %arg8[%parallel_loop3A_804], %parallel_loop3A_807 {add = true, strides = array<i32>} : memref<16384xf32, #tpu.memory_space<vmem>>, vector<16xf32>,
    } {sc.loop_unroll_factor = 8 : i64, sc.parallel_access}
    %add3A_310 = arith.constant 12288 : i32
    %add3A_311 = arith.addi %add3A_310, %mul3A_2 : i32
    %add3A_312 = arith.constant 32 : i32
    %add3A_313 = arith.addi %add3A_311, %add3A_312 : i32
    %mul3A_314 = arith.constant 1024 : i32
    %mul3A_315 = arith.muli %add3A_313, %mul3A_314 : i32
    %dma_start3A_316 = tpu.memref_slice %arg4[%mul3A_315] : memref<16777216xf32, #tpu.memory_space<hbm>> -> memref<16384xf32, #tpu.memory_space<hbm>>
    %dma_start3A_317 = tpu.memref_slice %arg4[%mul3A_315] : memref<16777216xf32, #tpu.memory_space<hbm>> -> memref<16384xf32, #tpu.memory_space<hbm>>
    tpu.enqueue_dma source(%arg8 : memref<16384xf32, #tpu.memory_space<vmem>>) target(%dma_start3A_317 : memref<16384xf32, #tpu.memory_space<hbm>>) target_semaphore(%arg18 : memref<!tpu.dma_semaphore, #tpu.memory_space<semaphore_mem>>)
    %dma_wait3A_318 = tpu.memref_slice %arg4[%mul3A_292] : memref<16777216xf32, #tpu.memory_space<hbm>> -> memref<16384xf32, #tpu.memory_space<hbm>>
    %dma_wait3A_319 = tpu.memref_slice %arg4[%mul3A_292] : memref<16777216xf32, #tpu.memory_space<hbm>> -> memref<16384xf32, #tpu.memory_space<hbm>>
    tpu.wait_dma2 semaphore(%arg17 : memref<!tpu.dma_semaphore, #tpu.memory_space<semaphore_mem>>) src(%arg7 : memref<16384xf32, #tpu.memory_space<vmem>>) dst(%dma_wait3A_319 : memref<16384xf32, #tpu.memory_space<hbm>>)
    %add3A_320 = arith.constant 8192 : i32
    %add3A_321 = arith.addi %add3A_320, %mul3A_2 : i32
    %add3A_322 = arith.constant 48 : i32
    %add3A_323 = arith.addi %add3A_321, %add3A_322 : i32
    %mul3A_324 = arith.constant 1024 : i32
    %mul3A_325 = arith.muli %add3A_323, %mul3A_324 : i32
    %dma_start3A_326 = tpu.memref_slice %arg2[%mul3A_325] : memref<16777216xf32, #tpu.memory_space<hbm>> -> memref<16384xf32, #tpu.memory_space<hbm>>
    %dma_start3A_327 = tpu.memref_slice %arg2[%mul3A_325] : memref<16777216xf32, #tpu.memory_space<hbm>> -> memref<16384xf32, #tpu.memory_space<hbm>>
    tpu.enqueue_dma source(%dma_start3A_327 : memref<16384xf32, #tpu.memory_space<hbm>>) target(%arg7 : memref<16384xf32, #tpu.memory_space<vmem>>) target_semaphore(%arg13 : memref<!tpu.dma_semaphore, #tpu.memory_space<semaphore_mem>>)
    %add3A_328 = arith.constant 64 : i32
    %add3A_329 = arith.addi %mul3A_2, %add3A_328 : i32
    %mul3A_330 = arith.constant 1024 : i32
    %mul3A_331 = arith.muli %add3A_329, %mul3A_330 : i32
    %dma_start3A_332 = tpu.memref_slice %arg3[%mul3A_331] : memref<8388608xf32, #tpu.memory_space<hbm>> -> memref<16384xf32, #tpu.memory_space<hbm>>
    %dma_start3A_333 = tpu.memref_slice %arg3[%mul3A_331] : memref<8388608xf32, #tpu.memory_space<hbm>> -> memref<16384xf32, #tpu.memory_space<hbm>>
    tpu.enqueue_dma source(%dma_start3A_333 : memref<16384xf32, #tpu.memory_space<hbm>>) target(%arg9 : memref<16384xf32, #tpu.memory_space<vmem>>) target_semaphore(%arg19 : memref<!tpu.dma_semaphore, #tpu.memory_space<semaphore_mem>>)
    %dma_wait3A_334 = tpu.memref_slice %arg2[%mul3A_279] : memref<16777216xf32, #tpu.memory_space<hbm>> -> memref<16384xf32, #tpu.memory_space<hbm>>
    %dma_wait3A_335 = tpu.memref_slice %arg2[%mul3A_279] : memref<16777216xf32, #tpu.memory_space<hbm>> -> memref<16384xf32, #tpu.memory_space<hbm>>
    tpu.wait_dma2 semaphore(%arg11 : memref<!tpu.dma_semaphore, #tpu.memory_space<semaphore_mem>>) src(%dma_wait3A_335 : memref<16384xf32, #tpu.memory_space<hbm>>) dst(%arg5 : memref<16384xf32, #tpu.memory_space<vmem>>)
    %dma_wait3A_336 = tpu.memref_slice %arg3[%mul3A_231] : memref<8388608xf32, #tpu.memory_space<hbm>> -> memref<16384xf32, #tpu.memory_space<hbm>>
    %dma_wait3A_337 = tpu.memref_slice %arg3[%mul3A_231] : memref<8388608xf32, #tpu.memory_space<hbm>> -> memref<16384xf32, #tpu.memory_space<hbm>>
    tpu.wait_dma2 semaphore(%arg20 : memref<!tpu.dma_semaphore, #tpu.memory_space<semaphore_mem>>) src(%dma_wait3A_337 : memref<16384xf32, #tpu.memory_space<hbm>>) dst(%arg10 : memref<16384xf32, #tpu.memory_space<vmem>>)
    %parallel_loop3A_338 = arith.constant 0 : i32
    %parallel_loop3A_339 = arith.constant 16384 : i32
    %parallel_loop3A_340 = arith.constant 16 : i32
    scf.for %parallel_loop3A_800 = %parallel_loop3A_338 to %parallel_loop3A_339 step %parallel_loop3A_340  : i32 {
      %parallel_loop3A_801 = arith.index_cast %parallel_loop3A_800 : i32 to index
      %parallel_loop3A_802 = tpu.vector_load %arg10[%parallel_loop3A_801] {strides = array<i32>} : memref<16384xf32, #tpu.memory_space<vmem>>, vector<16xf32>,
      %parallel_loop3A_803 = vector.shape_cast %parallel_loop3A_802 : vector<16xf32> to vector<16xf32>
      %parallel_loop3A_804 = arith.index_cast %parallel_loop3A_800 : i32 to index
      %parallel_loop3A_805 = tpu.vector_load %arg5[%parallel_loop3A_804] {strides = array<i32>} : memref<16384xf32, #tpu.memory_space<vmem>>, vector<16xf32>,
      %parallel_loop3A_806 = vector.shape_cast %parallel_loop3A_805 : vector<16xf32> to vector<16xf32>
      %parallel_loop3A_807 = vector.shape_cast %parallel_loop3A_803 : vector<16xf32> to vector<16xf32>
      tpu.vector_store %arg5[%parallel_loop3A_804], %parallel_loop3A_807 {add = true, strides = array<i32>} : memref<16384xf32, #tpu.memory_space<vmem>>, vector<16xf32>,
    } {sc.loop_unroll_factor = 8 : i64, sc.parallel_access}
    %add3A_341 = arith.constant 0 : i32
    %add3A_342 = arith.addi %add3A_341, %mul3A_2 : i32
    %add3A_343 = arith.constant 48 : i32
    %add3A_344 = arith.addi %add3A_342, %add3A_343 : i32
    %mul3A_345 = arith.constant 1024 : i32
    %mul3A_346 = arith.muli %add3A_344, %mul3A_345 : i32
    %dma_start3A_347 = tpu.memref_slice %arg4[%mul3A_346] : memref<16777216xf32, #tpu.memory_space<hbm>> -> memref<16384xf32, #tpu.memory_space<hbm>>
    %dma_start3A_348 = tpu.memref_slice %arg4[%mul3A_346] : memref<16777216xf32, #tpu.memory_space<hbm>> -> memref<16384xf32, #tpu.memory_space<hbm>>
    tpu.enqueue_dma source(%arg5 : memref<16384xf32, #tpu.memory_space<vmem>>) target(%dma_start3A_348 : memref<16384xf32, #tpu.memory_space<hbm>>) target_semaphore(%arg15 : memref<!tpu.dma_semaphore, #tpu.memory_space<semaphore_mem>>)
    %dma_wait3A_349 = tpu.memref_slice %arg4[%mul3A_315] : memref<16777216xf32, #tpu.memory_space<hbm>> -> memref<16384xf32, #tpu.memory_space<hbm>>
    %dma_wait3A_350 = tpu.memref_slice %arg4[%mul3A_315] : memref<16777216xf32, #tpu.memory_space<hbm>> -> memref<16384xf32, #tpu.memory_space<hbm>>
    tpu.wait_dma2 semaphore(%arg18 : memref<!tpu.dma_semaphore, #tpu.memory_space<semaphore_mem>>) src(%arg8 : memref<16384xf32, #tpu.memory_space<vmem>>) dst(%dma_wait3A_350 : memref<16384xf32, #tpu.memory_space<hbm>>)
    %add3A_351 = arith.constant 12288 : i32
    %add3A_352 = arith.addi %add3A_351, %mul3A_2 : i32
    %add3A_353 = arith.constant 48 : i32
    %add3A_354 = arith.addi %add3A_352, %add3A_353 : i32
    %mul3A_355 = arith.constant 1024 : i32
    %mul3A_356 = arith.muli %add3A_354, %mul3A_355 : i32
    %dma_start3A_357 = tpu.memref_slice %arg2[%mul3A_356] : memref<16777216xf32, #tpu.memory_space<hbm>> -> memref<16384xf32, #tpu.memory_space<hbm>>
    %dma_start3A_358 = tpu.memref_slice %arg2[%mul3A_356] : memref<16777216xf32, #tpu.memory_space<hbm>> -> memref<16384xf32, #tpu.memory_space<hbm>>
    tpu.enqueue_dma source(%dma_start3A_358 : memref<16384xf32, #tpu.memory_space<hbm>>) target(%arg8 : memref<16384xf32, #tpu.memory_space<vmem>>) target_semaphore(%arg14 : memref<!tpu.dma_semaphore, #tpu.memory_space<semaphore_mem>>)
    %dma_wait3A_359 = tpu.memref_slice %arg2[%mul3A_302] : memref<16777216xf32, #tpu.memory_space<hbm>> -> memref<16384xf32, #tpu.memory_space<hbm>>
    %dma_wait3A_360 = tpu.memref_slice %arg2[%mul3A_302] : memref<16777216xf32, #tpu.memory_space<hbm>> -> memref<16384xf32, #tpu.memory_space<hbm>>
    tpu.wait_dma2 semaphore(%arg12 : memref<!tpu.dma_semaphore, #tpu.memory_space<semaphore_mem>>) src(%dma_wait3A_360 : memref<16384xf32, #tpu.memory_space<hbm>>) dst(%arg6 : memref<16384xf32, #tpu.memory_space<vmem>>)
    %parallel_loop3A_361 = arith.constant 0 : i32
    %parallel_loop3A_362 = arith.constant 16384 : i32
    %parallel_loop3A_363 = arith.constant 16 : i32
    scf.for %parallel_loop3A_800 = %parallel_loop3A_361 to %parallel_loop3A_362 step %parallel_loop3A_363  : i32 {
      %parallel_loop3A_801 = arith.index_cast %parallel_loop3A_800 : i32 to index
      %parallel_loop3A_802 = tpu.vector_load %arg10[%parallel_loop3A_801] {strides = array<i32>} : memref<16384xf32, #tpu.memory_space<vmem>>, vector<16xf32>,
      %parallel_loop3A_803 = vector.shape_cast %parallel_loop3A_802 : vector<16xf32> to vector<16xf32>
      %parallel_loop3A_804 = arith.index_cast %parallel_loop3A_800 : i32 to index
      %parallel_loop3A_805 = tpu.vector_load %arg6[%parallel_loop3A_804] {strides = array<i32>} : memref<16384xf32, #tpu.memory_space<vmem>>, vector<16xf32>,
      %parallel_loop3A_806 = vector.shape_cast %parallel_loop3A_805 : vector<16xf32> to vector<16xf32>
      %parallel_loop3A_807 = vector.shape_cast %parallel_loop3A_803 : vector<16xf32> to vector<16xf32>
      tpu.vector_store %arg6[%parallel_loop3A_804], %parallel_loop3A_807 {add = true, strides = array<i32>} : memref<16384xf32, #tpu.memory_space<vmem>>, vector<16xf32>,
    } {sc.loop_unroll_factor = 8 : i64, sc.parallel_access}
    %add3A_364 = arith.constant 4096 : i32
    %add3A_365 = arith.addi %add3A_364, %mul3A_2 : i32
    %add3A_366 = arith.constant 48 : i32
    %add3A_367 = arith.addi %add3A_365, %add3A_366 : i32
    %mul3A_368 = arith.constant 1024 : i32
    %mul3A_369 = arith.muli %add3A_367, %mul3A_368 : i32
    %dma_start3A_370 = tpu.memref_slice %arg4[%mul3A_369] : memref<16777216xf32, #tpu.memory_space<hbm>> -> memref<16384xf32, #tpu.memory_space<hbm>>
    %dma_start3A_371 = tpu.memref_slice %arg4[%mul3A_369] : memref<16777216xf32, #tpu.memory_space<hbm>> -> memref<16384xf32, #tpu.memory_space<hbm>>
    tpu.enqueue_dma source(%arg6 : memref<16384xf32, #tpu.memory_space<vmem>>) target(%dma_start3A_371 : memref<16384xf32, #tpu.memory_space<hbm>>) target_semaphore(%arg16 : memref<!tpu.dma_semaphore, #tpu.memory_space<semaphore_mem>>)
    %dma_wait3A_372 = tpu.memref_slice %arg4[%mul3A_346] : memref<16777216xf32, #tpu.memory_space<hbm>> -> memref<16384xf32, #tpu.memory_space<hbm>>
    %dma_wait3A_373 = tpu.memref_slice %arg4[%mul3A_346] : memref<16777216xf32, #tpu.memory_space<hbm>> -> memref<16384xf32, #tpu.memory_space<hbm>>
    tpu.wait_dma2 semaphore(%arg15 : memref<!tpu.dma_semaphore, #tpu.memory_space<semaphore_mem>>) src(%arg5 : memref<16384xf32, #tpu.memory_space<vmem>>) dst(%dma_wait3A_373 : memref<16384xf32, #tpu.memory_space<hbm>>)
    %add3A_374 = arith.constant 0 : i32
    %add3A_375 = arith.addi %add3A_374, %mul3A_2 : i32
    %add3A_376 = arith.constant 64 : i32
    %add3A_377 = arith.addi %add3A_375, %add3A_376 : i32
    %mul3A_378 = arith.constant 1024 : i32
    %mul3A_379 = arith.muli %add3A_377, %mul3A_378 : i32
    %dma_start3A_380 = tpu.memref_slice %arg2[%mul3A_379] : memref<16777216xf32, #tpu.memory_space<hbm>> -> memref<16384xf32, #tpu.memory_space<hbm>>
    %dma_start3A_381 = tpu.memref_slice %arg2[%mul3A_379] : memref<16777216xf32, #tpu.memory_space<hbm>> -> memref<16384xf32, #tpu.memory_space<hbm>>
    tpu.enqueue_dma source(%dma_start3A_381 : memref<16384xf32, #tpu.memory_space<hbm>>) target(%arg5 : memref<16384xf32, #tpu.memory_space<vmem>>) target_semaphore(%arg11 : memref<!tpu.dma_semaphore, #tpu.memory_space<semaphore_mem>>)
    %dma_wait3A_382 = tpu.memref_slice %arg2[%mul3A_325] : memref<16777216xf32, #tpu.memory_space<hbm>> -> memref<16384xf32, #tpu.memory_space<hbm>>
    %dma_wait3A_383 = tpu.memref_slice %arg2[%mul3A_325] : memref<16777216xf32, #tpu.memory_space<hbm>> -> memref<16384xf32, #tpu.memory_space<hbm>>
    tpu.wait_dma2 semaphore(%arg13 : memref<!tpu.dma_semaphore, #tpu.memory_space<semaphore_mem>>) src(%dma_wait3A_383 : memref<16384xf32, #tpu.memory_space<hbm>>) dst(%arg7 : memref<16384xf32, #tpu.memory_space<vmem>>)
    %parallel_loop3A_384 = arith.constant 0 : i32
    %parallel_loop3A_385 = arith.constant 16384 : i32
    %parallel_loop3A_386 = arith.constant 16 : i32
    scf.for %parallel_loop3A_800 = %parallel_loop3A_384 to %parallel_loop3A_385 step %parallel_loop3A_386  : i32 {
      %parallel_loop3A_801 = arith.index_cast %parallel_loop3A_800 : i32 to index
      %parallel_loop3A_802 = tpu.vector_load %arg10[%parallel_loop3A_801] {strides = array<i32>} : memref<16384xf32, #tpu.memory_space<vmem>>, vector<16xf32>,
      %parallel_loop3A_803 = vector.shape_cast %parallel_loop3A_802 : vector<16xf32> to vector<16xf32>
      %parallel_loop3A_804 = arith.index_cast %parallel_loop3A_800 : i32 to index
      %parallel_loop3A_805 = tpu.vector_load %arg7[%parallel_loop3A_804] {strides = array<i32>} : memref<16384xf32, #tpu.memory_space<vmem>>, vector<16xf32>,
      %parallel_loop3A_806 = vector.shape_cast %parallel_loop3A_805 : vector<16xf32> to vector<16xf32>
      %parallel_loop3A_807 = vector.shape_cast %parallel_loop3A_803 : vector<16xf32> to vector<16xf32>
      tpu.vector_store %arg7[%parallel_loop3A_804], %parallel_loop3A_807 {add = true, strides = array<i32>} : memref<16384xf32, #tpu.memory_space<vmem>>, vector<16xf32>,
    } {sc.loop_unroll_factor = 8 : i64, sc.parallel_access}
    %add3A_387 = arith.constant 8192 : i32
    %add3A_388 = arith.addi %add3A_387, %mul3A_2 : i32
    %add3A_389 = arith.constant 48 : i32
    %add3A_390 = arith.addi %add3A_388, %add3A_389 : i32
    %mul3A_391 = arith.constant 1024 : i32
    %mul3A_392 = arith.muli %add3A_390, %mul3A_391 : i32
    %dma_start3A_393 = tpu.memref_slice %arg4[%mul3A_392] : memref<16777216xf32, #tpu.memory_space<hbm>> -> memref<16384xf32, #tpu.memory_space<hbm>>
    %dma_start3A_394 = tpu.memref_slice %arg4[%mul3A_392] : memref<16777216xf32, #tpu.memory_space<hbm>> -> memref<16384xf32, #tpu.memory_space<hbm>>
    tpu.enqueue_dma source(%arg7 : memref<16384xf32, #tpu.memory_space<vmem>>) target(%dma_start3A_394 : memref<16384xf32, #tpu.memory_space<hbm>>) target_semaphore(%arg17 : memref<!tpu.dma_semaphore, #tpu.memory_space<semaphore_mem>>)
    %dma_wait3A_395 = tpu.memref_slice %arg4[%mul3A_369] : memref<16777216xf32, #tpu.memory_space<hbm>> -> memref<16384xf32, #tpu.memory_space<hbm>>
    %dma_wait3A_396 = tpu.memref_slice %arg4[%mul3A_369] : memref<16777216xf32, #tpu.memory_space<hbm>> -> memref<16384xf32, #tpu.memory_space<hbm>>
    tpu.wait_dma2 semaphore(%arg16 : memref<!tpu.dma_semaphore, #tpu.memory_space<semaphore_mem>>) src(%arg6 : memref<16384xf32, #tpu.memory_space<vmem>>) dst(%dma_wait3A_396 : memref<16384xf32, #tpu.memory_space<hbm>>)
    %add3A_397 = arith.constant 4096 : i32
    %add3A_398 = arith.addi %add3A_397, %mul3A_2 : i32
    %add3A_399 = arith.constant 64 : i32
    %add3A_400 = arith.addi %add3A_398, %add3A_399 : i32
    %mul3A_401 = arith.constant 1024 : i32
    %mul3A_402 = arith.muli %add3A_400, %mul3A_401 : i32
    %dma_start3A_403 = tpu.memref_slice %arg2[%mul3A_402] : memref<16777216xf32, #tpu.memory_space<hbm>> -> memref<16384xf32, #tpu.memory_space<hbm>>
    %dma_start3A_404 = tpu.memref_slice %arg2[%mul3A_402] : memref<16777216xf32, #tpu.memory_space<hbm>> -> memref<16384xf32, #tpu.memory_space<hbm>>
    tpu.enqueue_dma source(%dma_start3A_404 : memref<16384xf32, #tpu.memory_space<hbm>>) target(%arg6 : memref<16384xf32, #tpu.memory_space<vmem>>) target_semaphore(%arg12 : memref<!tpu.dma_semaphore, #tpu.memory_space<semaphore_mem>>)
    %dma_wait3A_405 = tpu.memref_slice %arg2[%mul3A_356] : memref<16777216xf32, #tpu.memory_space<hbm>> -> memref<16384xf32, #tpu.memory_space<hbm>>
    %dma_wait3A_406 = tpu.memref_slice %arg2[%mul3A_356] : memref<16777216xf32, #tpu.memory_space<hbm>> -> memref<16384xf32, #tpu.memory_space<hbm>>
    tpu.wait_dma2 semaphore(%arg14 : memref<!tpu.dma_semaphore, #tpu.memory_space<semaphore_mem>>) src(%dma_wait3A_406 : memref<16384xf32, #tpu.memory_space<hbm>>) dst(%arg8 : memref<16384xf32, #tpu.memory_space<vmem>>)
    %parallel_loop3A_407 = arith.constant 0 : i32
    %parallel_loop3A_408 = arith.constant 16384 : i32
    %parallel_loop3A_409 = arith.constant 16 : i32
    scf.for %parallel_loop3A_800 = %parallel_loop3A_407 to %parallel_loop3A_408 step %parallel_loop3A_409  : i32 {
      %parallel_loop3A_801 = arith.index_cast %parallel_loop3A_800 : i32 to index
      %parallel_loop3A_802 = tpu.vector_load %arg10[%parallel_loop3A_801] {strides = array<i32>} : memref<16384xf32, #tpu.memory_space<vmem>>, vector<16xf32>,
      %parallel_loop3A_803 = vector.shape_cast %parallel_loop3A_802 : vector<16xf32> to vector<16xf32>
      %parallel_loop3A_804 = arith.index_cast %parallel_loop3A_800 : i32 to index
      %parallel_loop3A_805 = tpu.vector_load %arg8[%parallel_loop3A_804] {strides = array<i32>} : memref<16384xf32, #tpu.memory_space<vmem>>, vector<16xf32>,
      %parallel_loop3A_806 = vector.shape_cast %parallel_loop3A_805 : vector<16xf32> to vector<16xf32>
      %parallel_loop3A_807 = vector.shape_cast %parallel_loop3A_803 : vector<16xf32> to vector<16xf32>
      tpu.vector_store %arg8[%parallel_loop3A_804], %parallel_loop3A_807 {add = true, strides = array<i32>} : memref<16384xf32, #tpu.memory_space<vmem>>, vector<16xf32>,
    } {sc.loop_unroll_factor = 8 : i64, sc.parallel_access}
    %add3A_410 = arith.constant 12288 : i32
    %add3A_411 = arith.addi %add3A_410, %mul3A_2 : i32
    %add3A_412 = arith.constant 48 : i32
    %add3A_413 = arith.addi %add3A_411, %add3A_412 : i32
    %mul3A_414 = arith.constant 1024 : i32
    %mul3A_415 = arith.muli %add3A_413, %mul3A_414 : i32
    %dma_start3A_416 = tpu.memref_slice %arg4[%mul3A_415] : memref<16777216xf32, #tpu.memory_space<hbm>> -> memref<16384xf32, #tpu.memory_space<hbm>>
    %dma_start3A_417 = tpu.memref_slice %arg4[%mul3A_415] : memref<16777216xf32, #tpu.memory_space<hbm>> -> memref<16384xf32, #tpu.memory_space<hbm>>
    tpu.enqueue_dma source(%arg8 : memref<16384xf32, #tpu.memory_space<vmem>>) target(%dma_start3A_417 : memref<16384xf32, #tpu.memory_space<hbm>>) target_semaphore(%arg18 : memref<!tpu.dma_semaphore, #tpu.memory_space<semaphore_mem>>)
    %dma_wait3A_418 = tpu.memref_slice %arg4[%mul3A_392] : memref<16777216xf32, #tpu.memory_space<hbm>> -> memref<16384xf32, #tpu.memory_space<hbm>>
    %dma_wait3A_419 = tpu.memref_slice %arg4[%mul3A_392] : memref<16777216xf32, #tpu.memory_space<hbm>> -> memref<16384xf32, #tpu.memory_space<hbm>>
    tpu.wait_dma2 semaphore(%arg17 : memref<!tpu.dma_semaphore, #tpu.memory_space<semaphore_mem>>) src(%arg7 : memref<16384xf32, #tpu.memory_space<vmem>>) dst(%dma_wait3A_419 : memref<16384xf32, #tpu.memory_space<hbm>>)
    %add3A_420 = arith.constant 8192 : i32
    %add3A_421 = arith.addi %add3A_420, %mul3A_2 : i32
    %add3A_422 = arith.constant 64 : i32
    %add3A_423 = arith.addi %add3A_421, %add3A_422 : i32
    %mul3A_424 = arith.constant 1024 : i32
    %mul3A_425 = arith.muli %add3A_423, %mul3A_424 : i32
    %dma_start3A_426 = tpu.memref_slice %arg2[%mul3A_425] : memref<16777216xf32, #tpu.memory_space<hbm>> -> memref<16384xf32, #tpu.memory_space<hbm>>
    %dma_start3A_427 = tpu.memref_slice %arg2[%mul3A_425] : memref<16777216xf32, #tpu.memory_space<hbm>> -> memref<16384xf32, #tpu.memory_space<hbm>>
    tpu.enqueue_dma source(%dma_start3A_427 : memref<16384xf32, #tpu.memory_space<hbm>>) target(%arg7 : memref<16384xf32, #tpu.memory_space<vmem>>) target_semaphore(%arg13 : memref<!tpu.dma_semaphore, #tpu.memory_space<semaphore_mem>>)
    %add3A_428 = arith.constant 80 : i32
    %add3A_429 = arith.addi %mul3A_2, %add3A_428 : i32
    %mul3A_430 = arith.constant 1024 : i32
    %mul3A_431 = arith.muli %add3A_429, %mul3A_430 : i32
    %dma_start3A_432 = tpu.memref_slice %arg3[%mul3A_431] : memref<8388608xf32, #tpu.memory_space<hbm>> -> memref<16384xf32, #tpu.memory_space<hbm>>
    %dma_start3A_433 = tpu.memref_slice %arg3[%mul3A_431] : memref<8388608xf32, #tpu.memory_space<hbm>> -> memref<16384xf32, #tpu.memory_space<hbm>>
    tpu.enqueue_dma source(%dma_start3A_433 : memref<16384xf32, #tpu.memory_space<hbm>>) target(%arg10 : memref<16384xf32, #tpu.memory_space<vmem>>) target_semaphore(%arg20 : memref<!tpu.dma_semaphore, #tpu.memory_space<semaphore_mem>>)
    %dma_wait3A_434 = tpu.memref_slice %arg2[%mul3A_379] : memref<16777216xf32, #tpu.memory_space<hbm>> -> memref<16384xf32, #tpu.memory_space<hbm>>
    %dma_wait3A_435 = tpu.memref_slice %arg2[%mul3A_379] : memref<16777216xf32, #tpu.memory_space<hbm>> -> memref<16384xf32, #tpu.memory_space<hbm>>
    tpu.wait_dma2 semaphore(%arg11 : memref<!tpu.dma_semaphore, #tpu.memory_space<semaphore_mem>>) src(%dma_wait3A_435 : memref<16384xf32, #tpu.memory_space<hbm>>) dst(%arg5 : memref<16384xf32, #tpu.memory_space<vmem>>)
    %dma_wait3A_436 = tpu.memref_slice %arg3[%mul3A_331] : memref<8388608xf32, #tpu.memory_space<hbm>> -> memref<16384xf32, #tpu.memory_space<hbm>>
    %dma_wait3A_437 = tpu.memref_slice %arg3[%mul3A_331] : memref<8388608xf32, #tpu.memory_space<hbm>> -> memref<16384xf32, #tpu.memory_space<hbm>>
    tpu.wait_dma2 semaphore(%arg19 : memref<!tpu.dma_semaphore, #tpu.memory_space<semaphore_mem>>) src(%dma_wait3A_437 : memref<16384xf32, #tpu.memory_space<hbm>>) dst(%arg9 : memref<16384xf32, #tpu.memory_space<vmem>>)
    %parallel_loop3A_438 = arith.constant 0 : i32
    %parallel_loop3A_439 = arith.constant 16384 : i32
    %parallel_loop3A_440 = arith.constant 16 : i32
    scf.for %parallel_loop3A_800 = %parallel_loop3A_438 to %parallel_loop3A_439 step %parallel_loop3A_440  : i32 {
      %parallel_loop3A_801 = arith.index_cast %parallel_loop3A_800 : i32 to index
      %parallel_loop3A_802 = tpu.vector_load %arg9[%parallel_loop3A_801] {strides = array<i32>} : memref<16384xf32, #tpu.memory_space<vmem>>, vector<16xf32>,
      %parallel_loop3A_803 = vector.shape_cast %parallel_loop3A_802 : vector<16xf32> to vector<16xf32>
      %parallel_loop3A_804 = arith.index_cast %parallel_loop3A_800 : i32 to index
      %parallel_loop3A_805 = tpu.vector_load %arg5[%parallel_loop3A_804] {strides = array<i32>} : memref<16384xf32, #tpu.memory_space<vmem>>, vector<16xf32>,
      %parallel_loop3A_806 = vector.shape_cast %parallel_loop3A_805 : vector<16xf32> to vector<16xf32>
      %parallel_loop3A_807 = vector.shape_cast %parallel_loop3A_803 : vector<16xf32> to vector<16xf32>
      tpu.vector_store %arg5[%parallel_loop3A_804], %parallel_loop3A_807 {add = true, strides = array<i32>} : memref<16384xf32, #tpu.memory_space<vmem>>, vector<16xf32>,
    } {sc.loop_unroll_factor = 8 : i64, sc.parallel_access}
    %add3A_441 = arith.constant 0 : i32
    %add3A_442 = arith.addi %add3A_441, %mul3A_2 : i32
    %add3A_443 = arith.constant 64 : i32
    %add3A_444 = arith.addi %add3A_442, %add3A_443 : i32
    %mul3A_445 = arith.constant 1024 : i32
    %mul3A_446 = arith.muli %add3A_444, %mul3A_445 : i32
    %dma_start3A_447 = tpu.memref_slice %arg4[%mul3A_446] : memref<16777216xf32, #tpu.memory_space<hbm>> -> memref<16384xf32, #tpu.memory_space<hbm>>
    %dma_start3A_448 = tpu.memref_slice %arg4[%mul3A_446] : memref<16777216xf32, #tpu.memory_space<hbm>> -> memref<16384xf32, #tpu.memory_space<hbm>>
    tpu.enqueue_dma source(%arg5 : memref<16384xf32, #tpu.memory_space<vmem>>) target(%dma_start3A_448 : memref<16384xf32, #tpu.memory_space<hbm>>) target_semaphore(%arg15 : memref<!tpu.dma_semaphore, #tpu.memory_space<semaphore_mem>>)
    %dma_wait3A_449 = tpu.memref_slice %arg4[%mul3A_415] : memref<16777216xf32, #tpu.memory_space<hbm>> -> memref<16384xf32, #tpu.memory_space<hbm>>
    %dma_wait3A_450 = tpu.memref_slice %arg4[%mul3A_415] : memref<16777216xf32, #tpu.memory_space<hbm>> -> memref<16384xf32, #tpu.memory_space<hbm>>
    tpu.wait_dma2 semaphore(%arg18 : memref<!tpu.dma_semaphore, #tpu.memory_space<semaphore_mem>>) src(%arg8 : memref<16384xf32, #tpu.memory_space<vmem>>) dst(%dma_wait3A_450 : memref<16384xf32, #tpu.memory_space<hbm>>)
    %add3A_451 = arith.constant 12288 : i32
    %add3A_452 = arith.addi %add3A_451, %mul3A_2 : i32
    %add3A_453 = arith.constant 64 : i32
    %add3A_454 = arith.addi %add3A_452, %add3A_453 : i32
    %mul3A_455 = arith.constant 1024 : i32
    %mul3A_456 = arith.muli %add3A_454, %mul3A_455 : i32
    %dma_start3A_457 = tpu.memref_slice %arg2[%mul3A_456] : memref<16777216xf32, #tpu.memory_space<hbm>> -> memref<16384xf32, #tpu.memory_space<hbm>>
    %dma_start3A_458 = tpu.memref_slice %arg2[%mul3A_456] : memref<16777216xf32, #tpu.memory_space<hbm>> -> memref<16384xf32, #tpu.memory_space<hbm>>
    tpu.enqueue_dma source(%dma_start3A_458 : memref<16384xf32, #tpu.memory_space<hbm>>) target(%arg8 : memref<16384xf32, #tpu.memory_space<vmem>>) target_semaphore(%arg14 : memref<!tpu.dma_semaphore, #tpu.memory_space<semaphore_mem>>)
    %dma_wait3A_459 = tpu.memref_slice %arg2[%mul3A_402] : memref<16777216xf32, #tpu.memory_space<hbm>> -> memref<16384xf32, #tpu.memory_space<hbm>>
    %dma_wait3A_460 = tpu.memref_slice %arg2[%mul3A_402] : memref<16777216xf32, #tpu.memory_space<hbm>> -> memref<16384xf32, #tpu.memory_space<hbm>>
    tpu.wait_dma2 semaphore(%arg12 : memref<!tpu.dma_semaphore, #tpu.memory_space<semaphore_mem>>) src(%dma_wait3A_460 : memref<16384xf32, #tpu.memory_space<hbm>>) dst(%arg6 : memref<16384xf32, #tpu.memory_space<vmem>>)
    %parallel_loop3A_461 = arith.constant 0 : i32
    %parallel_loop3A_462 = arith.constant 16384 : i32
    %parallel_loop3A_463 = arith.constant 16 : i32
    scf.for %parallel_loop3A_800 = %parallel_loop3A_461 to %parallel_loop3A_462 step %parallel_loop3A_463  : i32 {
      %parallel_loop3A_801 = arith.index_cast %parallel_loop3A_800 : i32 to index
      %parallel_loop3A_802 = tpu.vector_load %arg9[%parallel_loop3A_801] {strides = array<i32>} : memref<16384xf32, #tpu.memory_space<vmem>>, vector<16xf32>,
      %parallel_loop3A_803 = vector.shape_cast %parallel_loop3A_802 : vector<16xf32> to vector<16xf32>
      %parallel_loop3A_804 = arith.index_cast %parallel_loop3A_800 : i32 to index
      %parallel_loop3A_805 = tpu.vector_load %arg6[%parallel_loop3A_804] {strides = array<i32>} : memref<16384xf32, #tpu.memory_space<vmem>>, vector<16xf32>,
      %parallel_loop3A_806 = vector.shape_cast %parallel_loop3A_805 : vector<16xf32> to vector<16xf32>
      %parallel_loop3A_807 = vector.shape_cast %parallel_loop3A_803 : vector<16xf32> to vector<16xf32>
      tpu.vector_store %arg6[%parallel_loop3A_804], %parallel_loop3A_807 {add = true, strides = array<i32>} : memref<16384xf32, #tpu.memory_space<vmem>>, vector<16xf32>,
    } {sc.loop_unroll_factor = 8 : i64, sc.parallel_access}
    %add3A_464 = arith.constant 4096 : i32
    %add3A_465 = arith.addi %add3A_464, %mul3A_2 : i32
    %add3A_466 = arith.constant 64 : i32
    %add3A_467 = arith.addi %add3A_465, %add3A_466 : i32
    %mul3A_468 = arith.constant 1024 : i32
    %mul3A_469 = arith.muli %add3A_467, %mul3A_468 : i32
    %dma_start3A_470 = tpu.memref_slice %arg4[%mul3A_469] : memref<16777216xf32, #tpu.memory_space<hbm>> -> memref<16384xf32, #tpu.memory_space<hbm>>
    %dma_start3A_471 = tpu.memref_slice %arg4[%mul3A_469] : memref<16777216xf32, #tpu.memory_space<hbm>> -> memref<16384xf32, #tpu.memory_space<hbm>>
    tpu.enqueue_dma source(%arg6 : memref<16384xf32, #tpu.memory_space<vmem>>) target(%dma_start3A_471 : memref<16384xf32, #tpu.memory_space<hbm>>) target_semaphore(%arg16 : memref<!tpu.dma_semaphore, #tpu.memory_space<semaphore_mem>>)
    %dma_wait3A_472 = tpu.memref_slice %arg4[%mul3A_446] : memref<16777216xf32, #tpu.memory_space<hbm>> -> memref<16384xf32, #tpu.memory_space<hbm>>
    %dma_wait3A_473 = tpu.memref_slice %arg4[%mul3A_446] : memref<16777216xf32, #tpu.memory_space<hbm>> -> memref<16384xf32, #tpu.memory_space<hbm>>
    tpu.wait_dma2 semaphore(%arg15 : memref<!tpu.dma_semaphore, #tpu.memory_space<semaphore_mem>>) src(%arg5 : memref<16384xf32, #tpu.memory_space<vmem>>) dst(%dma_wait3A_473 : memref<16384xf32, #tpu.memory_space<hbm>>)
    %add3A_474 = arith.constant 0 : i32
    %add3A_475 = arith.addi %add3A_474, %mul3A_2 : i32
    %add3A_476 = arith.constant 80 : i32
    %add3A_477 = arith.addi %add3A_475, %add3A_476 : i32
    %mul3A_478 = arith.constant 1024 : i32
    %mul3A_479 = arith.muli %add3A_477, %mul3A_478 : i32
    %dma_start3A_480 = tpu.memref_slice %arg2[%mul3A_479] : memref<16777216xf32, #tpu.memory_space<hbm>> -> memref<16384xf32, #tpu.memory_space<hbm>>
    %dma_start3A_481 = tpu.memref_slice %arg2[%mul3A_479] : memref<16777216xf32, #tpu.memory_space<hbm>> -> memref<16384xf32, #tpu.memory_space<hbm>>
    tpu.enqueue_dma source(%dma_start3A_481 : memref<16384xf32, #tpu.memory_space<hbm>>) target(%arg5 : memref<16384xf32, #tpu.memory_space<vmem>>) target_semaphore(%arg11 : memref<!tpu.dma_semaphore, #tpu.memory_space<semaphore_mem>>)
    %dma_wait3A_482 = tpu.memref_slice %arg2[%mul3A_425] : memref<16777216xf32, #tpu.memory_space<hbm>> -> memref<16384xf32, #tpu.memory_space<hbm>>
    %dma_wait3A_483 = tpu.memref_slice %arg2[%mul3A_425] : memref<16777216xf32, #tpu.memory_space<hbm>> -> memref<16384xf32, #tpu.memory_space<hbm>>
    tpu.wait_dma2 semaphore(%arg13 : memref<!tpu.dma_semaphore, #tpu.memory_space<semaphore_mem>>) src(%dma_wait3A_483 : memref<16384xf32, #tpu.memory_space<hbm>>) dst(%arg7 : memref<16384xf32, #tpu.memory_space<vmem>>)
    %parallel_loop3A_484 = arith.constant 0 : i32
    %parallel_loop3A_485 = arith.constant 16384 : i32
    %parallel_loop3A_486 = arith.constant 16 : i32
    scf.for %parallel_loop3A_800 = %parallel_loop3A_484 to %parallel_loop3A_485 step %parallel_loop3A_486  : i32 {
      %parallel_loop3A_801 = arith.index_cast %parallel_loop3A_800 : i32 to index
      %parallel_loop3A_802 = tpu.vector_load %arg9[%parallel_loop3A_801] {strides = array<i32>} : memref<16384xf32, #tpu.memory_space<vmem>>, vector<16xf32>,
      %parallel_loop3A_803 = vector.shape_cast %parallel_loop3A_802 : vector<16xf32> to vector<16xf32>
      %parallel_loop3A_804 = arith.index_cast %parallel_loop3A_800 : i32 to index
      %parallel_loop3A_805 = tpu.vector_load %arg7[%parallel_loop3A_804] {strides = array<i32>} : memref<16384xf32, #tpu.memory_space<vmem>>, vector<16xf32>,
      %parallel_loop3A_806 = vector.shape_cast %parallel_loop3A_805 : vector<16xf32> to vector<16xf32>
      %parallel_loop3A_807 = vector.shape_cast %parallel_loop3A_803 : vector<16xf32> to vector<16xf32>
      tpu.vector_store %arg7[%parallel_loop3A_804], %parallel_loop3A_807 {add = true, strides = array<i32>} : memref<16384xf32, #tpu.memory_space<vmem>>, vector<16xf32>,
    } {sc.loop_unroll_factor = 8 : i64, sc.parallel_access}
    %add3A_487 = arith.constant 8192 : i32
    %add3A_488 = arith.addi %add3A_487, %mul3A_2 : i32
    %add3A_489 = arith.constant 64 : i32
    %add3A_490 = arith.addi %add3A_488, %add3A_489 : i32
    %mul3A_491 = arith.constant 1024 : i32
    %mul3A_492 = arith.muli %add3A_490, %mul3A_491 : i32
    %dma_start3A_493 = tpu.memref_slice %arg4[%mul3A_492] : memref<16777216xf32, #tpu.memory_space<hbm>> -> memref<16384xf32, #tpu.memory_space<hbm>>
    %dma_start3A_494 = tpu.memref_slice %arg4[%mul3A_492] : memref<16777216xf32, #tpu.memory_space<hbm>> -> memref<16384xf32, #tpu.memory_space<hbm>>
    tpu.enqueue_dma source(%arg7 : memref<16384xf32, #tpu.memory_space<vmem>>) target(%dma_start3A_494 : memref<16384xf32, #tpu.memory_space<hbm>>) target_semaphore(%arg17 : memref<!tpu.dma_semaphore, #tpu.memory_space<semaphore_mem>>)
    %dma_wait3A_495 = tpu.memref_slice %arg4[%mul3A_469] : memref<16777216xf32, #tpu.memory_space<hbm>> -> memref<16384xf32, #tpu.memory_space<hbm>>
    %dma_wait3A_496 = tpu.memref_slice %arg4[%mul3A_469] : memref<16777216xf32, #tpu.memory_space<hbm>> -> memref<16384xf32, #tpu.memory_space<hbm>>
    tpu.wait_dma2 semaphore(%arg16 : memref<!tpu.dma_semaphore, #tpu.memory_space<semaphore_mem>>) src(%arg6 : memref<16384xf32, #tpu.memory_space<vmem>>) dst(%dma_wait3A_496 : memref<16384xf32, #tpu.memory_space<hbm>>)
    %add3A_497 = arith.constant 4096 : i32
    %add3A_498 = arith.addi %add3A_497, %mul3A_2 : i32
    %add3A_499 = arith.constant 80 : i32
    %add3A_500 = arith.addi %add3A_498, %add3A_499 : i32
    %mul3A_501 = arith.constant 1024 : i32
    %mul3A_502 = arith.muli %add3A_500, %mul3A_501 : i32
    %dma_start3A_503 = tpu.memref_slice %arg2[%mul3A_502] : memref<16777216xf32, #tpu.memory_space<hbm>> -> memref<16384xf32, #tpu.memory_space<hbm>>
    %dma_start3A_504 = tpu.memref_slice %arg2[%mul3A_502] : memref<16777216xf32, #tpu.memory_space<hbm>> -> memref<16384xf32, #tpu.memory_space<hbm>>
    tpu.enqueue_dma source(%dma_start3A_504 : memref<16384xf32, #tpu.memory_space<hbm>>) target(%arg6 : memref<16384xf32, #tpu.memory_space<vmem>>) target_semaphore(%arg12 : memref<!tpu.dma_semaphore, #tpu.memory_space<semaphore_mem>>)
    %dma_wait3A_505 = tpu.memref_slice %arg2[%mul3A_456] : memref<16777216xf32, #tpu.memory_space<hbm>> -> memref<16384xf32, #tpu.memory_space<hbm>>
    %dma_wait3A_506 = tpu.memref_slice %arg2[%mul3A_456] : memref<16777216xf32, #tpu.memory_space<hbm>> -> memref<16384xf32, #tpu.memory_space<hbm>>
    tpu.wait_dma2 semaphore(%arg14 : memref<!tpu.dma_semaphore, #tpu.memory_space<semaphore_mem>>) src(%dma_wait3A_506 : memref<16384xf32, #tpu.memory_space<hbm>>) dst(%arg8 : memref<16384xf32, #tpu.memory_space<vmem>>)
    %parallel_loop3A_507 = arith.constant 0 : i32
    %parallel_loop3A_508 = arith.constant 16384 : i32
    %parallel_loop3A_509 = arith.constant 16 : i32
    scf.for %parallel_loop3A_800 = %parallel_loop3A_507 to %parallel_loop3A_508 step %parallel_loop3A_509  : i32 {
      %parallel_loop3A_801 = arith.index_cast %parallel_loop3A_800 : i32 to index
      %parallel_loop3A_802 = tpu.vector_load %arg9[%parallel_loop3A_801] {strides = array<i32>} : memref<16384xf32, #tpu.memory_space<vmem>>, vector<16xf32>,
      %parallel_loop3A_803 = vector.shape_cast %parallel_loop3A_802 : vector<16xf32> to vector<16xf32>
      %parallel_loop3A_804 = arith.index_cast %parallel_loop3A_800 : i32 to index
      %parallel_loop3A_805 = tpu.vector_load %arg8[%parallel_loop3A_804] {strides = array<i32>} : memref<16384xf32, #tpu.memory_space<vmem>>, vector<16xf32>,
      %parallel_loop3A_806 = vector.shape_cast %parallel_loop3A_805 : vector<16xf32> to vector<16xf32>
      %parallel_loop3A_807 = vector.shape_cast %parallel_loop3A_803 : vector<16xf32> to vector<16xf32>
      tpu.vector_store %arg8[%parallel_loop3A_804], %parallel_loop3A_807 {add = true, strides = array<i32>} : memref<16384xf32, #tpu.memory_space<vmem>>, vector<16xf32>,
    } {sc.loop_unroll_factor = 8 : i64, sc.parallel_access}
    %add3A_510 = arith.constant 12288 : i32
    %add3A_511 = arith.addi %add3A_510, %mul3A_2 : i32
    %add3A_512 = arith.constant 64 : i32
    %add3A_513 = arith.addi %add3A_511, %add3A_512 : i32
    %mul3A_514 = arith.constant 1024 : i32
    %mul3A_515 = arith.muli %add3A_513, %mul3A_514 : i32
    %dma_start3A_516 = tpu.memref_slice %arg4[%mul3A_515] : memref<16777216xf32, #tpu.memory_space<hbm>> -> memref<16384xf32, #tpu.memory_space<hbm>>
    %dma_start3A_517 = tpu.memref_slice %arg4[%mul3A_515] : memref<16777216xf32, #tpu.memory_space<hbm>> -> memref<16384xf32, #tpu.memory_space<hbm>>
    tpu.enqueue_dma source(%arg8 : memref<16384xf32, #tpu.memory_space<vmem>>) target(%dma_start3A_517 : memref<16384xf32, #tpu.memory_space<hbm>>) target_semaphore(%arg18 : memref<!tpu.dma_semaphore, #tpu.memory_space<semaphore_mem>>)
    %dma_wait3A_518 = tpu.memref_slice %arg4[%mul3A_492] : memref<16777216xf32, #tpu.memory_space<hbm>> -> memref<16384xf32, #tpu.memory_space<hbm>>
    %dma_wait3A_519 = tpu.memref_slice %arg4[%mul3A_492] : memref<16777216xf32, #tpu.memory_space<hbm>> -> memref<16384xf32, #tpu.memory_space<hbm>>
    tpu.wait_dma2 semaphore(%arg17 : memref<!tpu.dma_semaphore, #tpu.memory_space<semaphore_mem>>) src(%arg7 : memref<16384xf32, #tpu.memory_space<vmem>>) dst(%dma_wait3A_519 : memref<16384xf32, #tpu.memory_space<hbm>>)
    %add3A_520 = arith.constant 8192 : i32
    %add3A_521 = arith.addi %add3A_520, %mul3A_2 : i32
    %add3A_522 = arith.constant 80 : i32
    %add3A_523 = arith.addi %add3A_521, %add3A_522 : i32
    %mul3A_524 = arith.constant 1024 : i32
    %mul3A_525 = arith.muli %add3A_523, %mul3A_524 : i32
    %dma_start3A_526 = tpu.memref_slice %arg2[%mul3A_525] : memref<16777216xf32, #tpu.memory_space<hbm>> -> memref<16384xf32, #tpu.memory_space<hbm>>
    %dma_start3A_527 = tpu.memref_slice %arg2[%mul3A_525] : memref<16777216xf32, #tpu.memory_space<hbm>> -> memref<16384xf32, #tpu.memory_space<hbm>>
    tpu.enqueue_dma source(%dma_start3A_527 : memref<16384xf32, #tpu.memory_space<hbm>>) target(%arg7 : memref<16384xf32, #tpu.memory_space<vmem>>) target_semaphore(%arg13 : memref<!tpu.dma_semaphore, #tpu.memory_space<semaphore_mem>>)
    %add3A_528 = arith.constant 96 : i32
    %add3A_529 = arith.addi %mul3A_2, %add3A_528 : i32
    %mul3A_530 = arith.constant 1024 : i32
    %mul3A_531 = arith.muli %add3A_529, %mul3A_530 : i32
    %dma_start3A_532 = tpu.memref_slice %arg3[%mul3A_531] : memref<8388608xf32, #tpu.memory_space<hbm>> -> memref<16384xf32, #tpu.memory_space<hbm>>
    %dma_start3A_533 = tpu.memref_slice %arg3[%mul3A_531] : memref<8388608xf32, #tpu.memory_space<hbm>> -> memref<16384xf32, #tpu.memory_space<hbm>>
    tpu.enqueue_dma source(%dma_start3A_533 : memref<16384xf32, #tpu.memory_space<hbm>>) target(%arg9 : memref<16384xf32, #tpu.memory_space<vmem>>) target_semaphore(%arg19 : memref<!tpu.dma_semaphore, #tpu.memory_space<semaphore_mem>>)
    %dma_wait3A_534 = tpu.memref_slice %arg2[%mul3A_479] : memref<16777216xf32, #tpu.memory_space<hbm>> -> memref<16384xf32, #tpu.memory_space<hbm>>
    %dma_wait3A_535 = tpu.memref_slice %arg2[%mul3A_479] : memref<16777216xf32, #tpu.memory_space<hbm>> -> memref<16384xf32, #tpu.memory_space<hbm>>
    tpu.wait_dma2 semaphore(%arg11 : memref<!tpu.dma_semaphore, #tpu.memory_space<semaphore_mem>>) src(%dma_wait3A_535 : memref<16384xf32, #tpu.memory_space<hbm>>) dst(%arg5 : memref<16384xf32, #tpu.memory_space<vmem>>)
    %dma_wait3A_536 = tpu.memref_slice %arg3[%mul3A_431] : memref<8388608xf32, #tpu.memory_space<hbm>> -> memref<16384xf32, #tpu.memory_space<hbm>>
    %dma_wait3A_537 = tpu.memref_slice %arg3[%mul3A_431] : memref<8388608xf32, #tpu.memory_space<hbm>> -> memref<16384xf32, #tpu.memory_space<hbm>>
    tpu.wait_dma2 semaphore(%arg20 : memref<!tpu.dma_semaphore, #tpu.memory_space<semaphore_mem>>) src(%dma_wait3A_537 : memref<16384xf32, #tpu.memory_space<hbm>>) dst(%arg10 : memref<16384xf32, #tpu.memory_space<vmem>>)
    %parallel_loop3A_538 = arith.constant 0 : i32
    %parallel_loop3A_539 = arith.constant 16384 : i32
    %parallel_loop3A_540 = arith.constant 16 : i32
    scf.for %parallel_loop3A_800 = %parallel_loop3A_538 to %parallel_loop3A_539 step %parallel_loop3A_540  : i32 {
      %parallel_loop3A_801 = arith.index_cast %parallel_loop3A_800 : i32 to index
      %parallel_loop3A_802 = tpu.vector_load %arg10[%parallel_loop3A_801] {strides = array<i32>} : memref<16384xf32, #tpu.memory_space<vmem>>, vector<16xf32>,
      %parallel_loop3A_803 = vector.shape_cast %parallel_loop3A_802 : vector<16xf32> to vector<16xf32>
      %parallel_loop3A_804 = arith.index_cast %parallel_loop3A_800 : i32 to index
      %parallel_loop3A_805 = tpu.vector_load %arg5[%parallel_loop3A_804] {strides = array<i32>} : memref<16384xf32, #tpu.memory_space<vmem>>, vector<16xf32>,
      %parallel_loop3A_806 = vector.shape_cast %parallel_loop3A_805 : vector<16xf32> to vector<16xf32>
      %parallel_loop3A_807 = vector.shape_cast %parallel_loop3A_803 : vector<16xf32> to vector<16xf32>
      tpu.vector_store %arg5[%parallel_loop3A_804], %parallel_loop3A_807 {add = true, strides = array<i32>} : memref<16384xf32, #tpu.memory_space<vmem>>, vector<16xf32>,
    } {sc.loop_unroll_factor = 8 : i64, sc.parallel_access}
    %add3A_541 = arith.constant 0 : i32
    %add3A_542 = arith.addi %add3A_541, %mul3A_2 : i32
    %add3A_543 = arith.constant 80 : i32
    %add3A_544 = arith.addi %add3A_542, %add3A_543 : i32
    %mul3A_545 = arith.constant 1024 : i32
    %mul3A_546 = arith.muli %add3A_544, %mul3A_545 : i32
    %dma_start3A_547 = tpu.memref_slice %arg4[%mul3A_546] : memref<16777216xf32, #tpu.memory_space<hbm>> -> memref<16384xf32, #tpu.memory_space<hbm>>
    %dma_start3A_548 = tpu.memref_slice %arg4[%mul3A_546] : memref<16777216xf32, #tpu.memory_space<hbm>> -> memref<16384xf32, #tpu.memory_space<hbm>>
    tpu.enqueue_dma source(%arg5 : memref<16384xf32, #tpu.memory_space<vmem>>) target(%dma_start3A_548 : memref<16384xf32, #tpu.memory_space<hbm>>) target_semaphore(%arg15 : memref<!tpu.dma_semaphore, #tpu.memory_space<semaphore_mem>>)
    %dma_wait3A_549 = tpu.memref_slice %arg4[%mul3A_515] : memref<16777216xf32, #tpu.memory_space<hbm>> -> memref<16384xf32, #tpu.memory_space<hbm>>
    %dma_wait3A_550 = tpu.memref_slice %arg4[%mul3A_515] : memref<16777216xf32, #tpu.memory_space<hbm>> -> memref<16384xf32, #tpu.memory_space<hbm>>
    tpu.wait_dma2 semaphore(%arg18 : memref<!tpu.dma_semaphore, #tpu.memory_space<semaphore_mem>>) src(%arg8 : memref<16384xf32, #tpu.memory_space<vmem>>) dst(%dma_wait3A_550 : memref<16384xf32, #tpu.memory_space<hbm>>)
    %add3A_551 = arith.constant 12288 : i32
    %add3A_552 = arith.addi %add3A_551, %mul3A_2 : i32
    %add3A_553 = arith.constant 80 : i32
    %add3A_554 = arith.addi %add3A_552, %add3A_553 : i32
    %mul3A_555 = arith.constant 1024 : i32
    %mul3A_556 = arith.muli %add3A_554, %mul3A_555 : i32
    %dma_start3A_557 = tpu.memref_slice %arg2[%mul3A_556] : memref<16777216xf32, #tpu.memory_space<hbm>> -> memref<16384xf32, #tpu.memory_space<hbm>>
    %dma_start3A_558 = tpu.memref_slice %arg2[%mul3A_556] : memref<16777216xf32, #tpu.memory_space<hbm>> -> memref<16384xf32, #tpu.memory_space<hbm>>
    tpu.enqueue_dma source(%dma_start3A_558 : memref<16384xf32, #tpu.memory_space<hbm>>) target(%arg8 : memref<16384xf32, #tpu.memory_space<vmem>>) target_semaphore(%arg14 : memref<!tpu.dma_semaphore, #tpu.memory_space<semaphore_mem>>)
    %dma_wait3A_559 = tpu.memref_slice %arg2[%mul3A_502] : memref<16777216xf32, #tpu.memory_space<hbm>> -> memref<16384xf32, #tpu.memory_space<hbm>>
    %dma_wait3A_560 = tpu.memref_slice %arg2[%mul3A_502] : memref<16777216xf32, #tpu.memory_space<hbm>> -> memref<16384xf32, #tpu.memory_space<hbm>>
    tpu.wait_dma2 semaphore(%arg12 : memref<!tpu.dma_semaphore, #tpu.memory_space<semaphore_mem>>) src(%dma_wait3A_560 : memref<16384xf32, #tpu.memory_space<hbm>>) dst(%arg6 : memref<16384xf32, #tpu.memory_space<vmem>>)
    %parallel_loop3A_561 = arith.constant 0 : i32
    %parallel_loop3A_562 = arith.constant 16384 : i32
    %parallel_loop3A_563 = arith.constant 16 : i32
    scf.for %parallel_loop3A_800 = %parallel_loop3A_561 to %parallel_loop3A_562 step %parallel_loop3A_563  : i32 {
      %parallel_loop3A_801 = arith.index_cast %parallel_loop3A_800 : i32 to index
      %parallel_loop3A_802 = tpu.vector_load %arg10[%parallel_loop3A_801] {strides = array<i32>} : memref<16384xf32, #tpu.memory_space<vmem>>, vector<16xf32>,
      %parallel_loop3A_803 = vector.shape_cast %parallel_loop3A_802 : vector<16xf32> to vector<16xf32>
      %parallel_loop3A_804 = arith.index_cast %parallel_loop3A_800 : i32 to index
      %parallel_loop3A_805 = tpu.vector_load %arg6[%parallel_loop3A_804] {strides = array<i32>} : memref<16384xf32, #tpu.memory_space<vmem>>, vector<16xf32>,
      %parallel_loop3A_806 = vector.shape_cast %parallel_loop3A_805 : vector<16xf32> to vector<16xf32>
      %parallel_loop3A_807 = vector.shape_cast %parallel_loop3A_803 : vector<16xf32> to vector<16xf32>
      tpu.vector_store %arg6[%parallel_loop3A_804], %parallel_loop3A_807 {add = true, strides = array<i32>} : memref<16384xf32, #tpu.memory_space<vmem>>, vector<16xf32>,
    } {sc.loop_unroll_factor = 8 : i64, sc.parallel_access}
    %add3A_564 = arith.constant 4096 : i32
    %add3A_565 = arith.addi %add3A_564, %mul3A_2 : i32
    %add3A_566 = arith.constant 80 : i32
    %add3A_567 = arith.addi %add3A_565, %add3A_566 : i32
    %mul3A_568 = arith.constant 1024 : i32
    %mul3A_569 = arith.muli %add3A_567, %mul3A_568 : i32
    %dma_start3A_570 = tpu.memref_slice %arg4[%mul3A_569] : memref<16777216xf32, #tpu.memory_space<hbm>> -> memref<16384xf32, #tpu.memory_space<hbm>>
    %dma_start3A_571 = tpu.memref_slice %arg4[%mul3A_569] : memref<16777216xf32, #tpu.memory_space<hbm>> -> memref<16384xf32, #tpu.memory_space<hbm>>
    tpu.enqueue_dma source(%arg6 : memref<16384xf32, #tpu.memory_space<vmem>>) target(%dma_start3A_571 : memref<16384xf32, #tpu.memory_space<hbm>>) target_semaphore(%arg16 : memref<!tpu.dma_semaphore, #tpu.memory_space<semaphore_mem>>)
    %dma_wait3A_572 = tpu.memref_slice %arg4[%mul3A_546] : memref<16777216xf32, #tpu.memory_space<hbm>> -> memref<16384xf32, #tpu.memory_space<hbm>>
    %dma_wait3A_573 = tpu.memref_slice %arg4[%mul3A_546] : memref<16777216xf32, #tpu.memory_space<hbm>> -> memref<16384xf32, #tpu.memory_space<hbm>>
    tpu.wait_dma2 semaphore(%arg15 : memref<!tpu.dma_semaphore, #tpu.memory_space<semaphore_mem>>) src(%arg5 : memref<16384xf32, #tpu.memory_space<vmem>>) dst(%dma_wait3A_573 : memref<16384xf32, #tpu.memory_space<hbm>>)
    %add3A_574 = arith.constant 0 : i32
    %add3A_575 = arith.addi %add3A_574, %mul3A_2 : i32
    %add3A_576 = arith.constant 96 : i32
    %add3A_577 = arith.addi %add3A_575, %add3A_576 : i32
    %mul3A_578 = arith.constant 1024 : i32
    %mul3A_579 = arith.muli %add3A_577, %mul3A_578 : i32
    %dma_start3A_580 = tpu.memref_slice %arg2[%mul3A_579] : memref<16777216xf32, #tpu.memory_space<hbm>> -> memref<16384xf32, #tpu.memory_space<hbm>>
    %dma_start3A_581 = tpu.memref_slice %arg2[%mul3A_579] : memref<16777216xf32, #tpu.memory_space<hbm>> -> memref<16384xf32, #tpu.memory_space<hbm>>
    tpu.enqueue_dma source(%dma_start3A_581 : memref<16384xf32, #tpu.memory_space<hbm>>) target(%arg5 : memref<16384xf32, #tpu.memory_space<vmem>>) target_semaphore(%arg11 : memref<!tpu.dma_semaphore, #tpu.memory_space<semaphore_mem>>)
    %dma_wait3A_582 = tpu.memref_slice %arg2[%mul3A_525] : memref<16777216xf32, #tpu.memory_space<hbm>> -> memref<16384xf32, #tpu.memory_space<hbm>>
    %dma_wait3A_583 = tpu.memref_slice %arg2[%mul3A_525] : memref<16777216xf32, #tpu.memory_space<hbm>> -> memref<16384xf32, #tpu.memory_space<hbm>>
    tpu.wait_dma2 semaphore(%arg13 : memref<!tpu.dma_semaphore, #tpu.memory_space<semaphore_mem>>) src(%dma_wait3A_583 : memref<16384xf32, #tpu.memory_space<hbm>>) dst(%arg7 : memref<16384xf32, #tpu.memory_space<vmem>>)
    %parallel_loop3A_584 = arith.constant 0 : i32
    %parallel_loop3A_585 = arith.constant 16384 : i32
    %parallel_loop3A_586 = arith.constant 16 : i32
    scf.for %parallel_loop3A_800 = %parallel_loop3A_584 to %parallel_loop3A_585 step %parallel_loop3A_586  : i32 {
      %parallel_loop3A_801 = arith.index_cast %parallel_loop3A_800 : i32 to index
      %parallel_loop3A_802 = tpu.vector_load %arg10[%parallel_loop3A_801] {strides = array<i32>} : memref<16384xf32, #tpu.memory_space<vmem>>, vector<16xf32>,
      %parallel_loop3A_803 = vector.shape_cast %parallel_loop3A_802 : vector<16xf32> to vector<16xf32>
      %parallel_loop3A_804 = arith.index_cast %parallel_loop3A_800 : i32 to index
      %parallel_loop3A_805 = tpu.vector_load %arg7[%parallel_loop3A_804] {strides = array<i32>} : memref<16384xf32, #tpu.memory_space<vmem>>, vector<16xf32>,
      %parallel_loop3A_806 = vector.shape_cast %parallel_loop3A_805 : vector<16xf32> to vector<16xf32>
      %parallel_loop3A_807 = vector.shape_cast %parallel_loop3A_803 : vector<16xf32> to vector<16xf32>
      tpu.vector_store %arg7[%parallel_loop3A_804], %parallel_loop3A_807 {add = true, strides = array<i32>} : memref<16384xf32, #tpu.memory_space<vmem>>, vector<16xf32>,
    } {sc.loop_unroll_factor = 8 : i64, sc.parallel_access}
    %add3A_587 = arith.constant 8192 : i32
    %add3A_588 = arith.addi %add3A_587, %mul3A_2 : i32
    %add3A_589 = arith.constant 80 : i32
    %add3A_590 = arith.addi %add3A_588, %add3A_589 : i32
    %mul3A_591 = arith.constant 1024 : i32
    %mul3A_592 = arith.muli %add3A_590, %mul3A_591 : i32
    %dma_start3A_593 = tpu.memref_slice %arg4[%mul3A_592] : memref<16777216xf32, #tpu.memory_space<hbm>> -> memref<16384xf32, #tpu.memory_space<hbm>>
    %dma_start3A_594 = tpu.memref_slice %arg4[%mul3A_592] : memref<16777216xf32, #tpu.memory_space<hbm>> -> memref<16384xf32, #tpu.memory_space<hbm>>
    tpu.enqueue_dma source(%arg7 : memref<16384xf32, #tpu.memory_space<vmem>>) target(%dma_start3A_594 : memref<16384xf32, #tpu.memory_space<hbm>>) target_semaphore(%arg17 : memref<!tpu.dma_semaphore, #tpu.memory_space<semaphore_mem>>)
    %dma_wait3A_595 = tpu.memref_slice %arg4[%mul3A_569] : memref<16777216xf32, #tpu.memory_space<hbm>> -> memref<16384xf32, #tpu.memory_space<hbm>>
    %dma_wait3A_596 = tpu.memref_slice %arg4[%mul3A_569] : memref<16777216xf32, #tpu.memory_space<hbm>> -> memref<16384xf32, #tpu.memory_space<hbm>>
    tpu.wait_dma2 semaphore(%arg16 : memref<!tpu.dma_semaphore, #tpu.memory_space<semaphore_mem>>) src(%arg6 : memref<16384xf32, #tpu.memory_space<vmem>>) dst(%dma_wait3A_596 : memref<16384xf32, #tpu.memory_space<hbm>>)
    %add3A_597 = arith.constant 4096 : i32
    %add3A_598 = arith.addi %add3A_597, %mul3A_2 : i32
    %add3A_599 = arith.constant 96 : i32
    %add3A_600 = arith.addi %add3A_598, %add3A_599 : i32
    %mul3A_601 = arith.constant 1024 : i32
    %mul3A_602 = arith.muli %add3A_600, %mul3A_601 : i32
    %dma_start3A_603 = tpu.memref_slice %arg2[%mul3A_602] : memref<16777216xf32, #tpu.memory_space<hbm>> -> memref<16384xf32, #tpu.memory_space<hbm>>
    %dma_start3A_604 = tpu.memref_slice %arg2[%mul3A_602] : memref<16777216xf32, #tpu.memory_space<hbm>> -> memref<16384xf32, #tpu.memory_space<hbm>>
    tpu.enqueue_dma source(%dma_start3A_604 : memref<16384xf32, #tpu.memory_space<hbm>>) target(%arg6 : memref<16384xf32, #tpu.memory_space<vmem>>) target_semaphore(%arg12 : memref<!tpu.dma_semaphore, #tpu.memory_space<semaphore_mem>>)
    %dma_wait3A_605 = tpu.memref_slice %arg2[%mul3A_556] : memref<16777216xf32, #tpu.memory_space<hbm>> -> memref<16384xf32, #tpu.memory_space<hbm>>
    %dma_wait3A_606 = tpu.memref_slice %arg2[%mul3A_556] : memref<16777216xf32, #tpu.memory_space<hbm>> -> memref<16384xf32, #tpu.memory_space<hbm>>
    tpu.wait_dma2 semaphore(%arg14 : memref<!tpu.dma_semaphore, #tpu.memory_space<semaphore_mem>>) src(%dma_wait3A_606 : memref<16384xf32, #tpu.memory_space<hbm>>) dst(%arg8 : memref<16384xf32, #tpu.memory_space<vmem>>)
    %parallel_loop3A_607 = arith.constant 0 : i32
    %parallel_loop3A_608 = arith.constant 16384 : i32
    %parallel_loop3A_609 = arith.constant 16 : i32
    scf.for %parallel_loop3A_800 = %parallel_loop3A_607 to %parallel_loop3A_608 step %parallel_loop3A_609  : i32 {
      %parallel_loop3A_801 = arith.index_cast %parallel_loop3A_800 : i32 to index
      %parallel_loop3A_802 = tpu.vector_load %arg10[%parallel_loop3A_801] {strides = array<i32>} : memref<16384xf32, #tpu.memory_space<vmem>>, vector<16xf32>,
      %parallel_loop3A_803 = vector.shape_cast %parallel_loop3A_802 : vector<16xf32> to vector<16xf32>
      %parallel_loop3A_804 = arith.index_cast %parallel_loop3A_800 : i32 to index
      %parallel_loop3A_805 = tpu.vector_load %arg8[%parallel_loop3A_804] {strides = array<i32>} : memref<16384xf32, #tpu.memory_space<vmem>>, vector<16xf32>,
      %parallel_loop3A_806 = vector.shape_cast %parallel_loop3A_805 : vector<16xf32> to vector<16xf32>
      %parallel_loop3A_807 = vector.shape_cast %parallel_loop3A_803 : vector<16xf32> to vector<16xf32>
      tpu.vector_store %arg8[%parallel_loop3A_804], %parallel_loop3A_807 {add = true, strides = array<i32>} : memref<16384xf32, #tpu.memory_space<vmem>>, vector<16xf32>,
    } {sc.loop_unroll_factor = 8 : i64, sc.parallel_access}
    %add3A_610 = arith.constant 12288 : i32
    %add3A_611 = arith.addi %add3A_610, %mul3A_2 : i32
    %add3A_612 = arith.constant 80 : i32
    %add3A_613 = arith.addi %add3A_611, %add3A_612 : i32
    %mul3A_614 = arith.constant 1024 : i32
    %mul3A_615 = arith.muli %add3A_613, %mul3A_614 : i32
    %dma_start3A_616 = tpu.memref_slice %arg4[%mul3A_615] : memref<16777216xf32, #tpu.memory_space<hbm>> -> memref<16384xf32, #tpu.memory_space<hbm>>
    %dma_start3A_617 = tpu.memref_slice %arg4[%mul3A_615] : memref<16777216xf32, #tpu.memory_space<hbm>> -> memref<16384xf32, #tpu.memory_space<hbm>>
    tpu.enqueue_dma source(%arg8 : memref<16384xf32, #tpu.memory_space<vmem>>) target(%dma_start3A_617 : memref<16384xf32, #tpu.memory_space<hbm>>) target_semaphore(%arg18 : memref<!tpu.dma_semaphore, #tpu.memory_space<semaphore_mem>>)
    %dma_wait3A_618 = tpu.memref_slice %arg4[%mul3A_592] : memref<16777216xf32, #tpu.memory_space<hbm>> -> memref<16384xf32, #tpu.memory_space<hbm>>
    %dma_wait3A_619 = tpu.memref_slice %arg4[%mul3A_592] : memref<16777216xf32, #tpu.memory_space<hbm>> -> memref<16384xf32, #tpu.memory_space<hbm>>
    tpu.wait_dma2 semaphore(%arg17 : memref<!tpu.dma_semaphore, #tpu.memory_space<semaphore_mem>>) src(%arg7 : memref<16384xf32, #tpu.memory_space<vmem>>) dst(%dma_wait3A_619 : memref<16384xf32, #tpu.memory_space<hbm>>)
    %add3A_620 = arith.constant 8192 : i32
    %add3A_621 = arith.addi %add3A_620, %mul3A_2 : i32
    %add3A_622 = arith.constant 96 : i32
    %add3A_623 = arith.addi %add3A_621, %add3A_622 : i32
    %mul3A_624 = arith.constant 1024 : i32
    %mul3A_625 = arith.muli %add3A_623, %mul3A_624 : i32
    %dma_start3A_626 = tpu.memref_slice %arg2[%mul3A_625] : memref<16777216xf32, #tpu.memory_space<hbm>> -> memref<16384xf32, #tpu.memory_space<hbm>>
    %dma_start3A_627 = tpu.memref_slice %arg2[%mul3A_625] : memref<16777216xf32, #tpu.memory_space<hbm>> -> memref<16384xf32, #tpu.memory_space<hbm>>
    tpu.enqueue_dma source(%dma_start3A_627 : memref<16384xf32, #tpu.memory_space<hbm>>) target(%arg7 : memref<16384xf32, #tpu.memory_space<vmem>>) target_semaphore(%arg13 : memref<!tpu.dma_semaphore, #tpu.memory_space<semaphore_mem>>)
    %add3A_628 = arith.constant 112 : i32
    %add3A_629 = arith.addi %mul3A_2, %add3A_628 : i32
    %mul3A_630 = arith.constant 1024 : i32
    %mul3A_631 = arith.muli %add3A_629, %mul3A_630 : i32
    %dma_start3A_632 = tpu.memref_slice %arg3[%mul3A_631] : memref<8388608xf32, #tpu.memory_space<hbm>> -> memref<16384xf32, #tpu.memory_space<hbm>>
    %dma_start3A_633 = tpu.memref_slice %arg3[%mul3A_631] : memref<8388608xf32, #tpu.memory_space<hbm>> -> memref<16384xf32, #tpu.memory_space<hbm>>
    tpu.enqueue_dma source(%dma_start3A_633 : memref<16384xf32, #tpu.memory_space<hbm>>) target(%arg10 : memref<16384xf32, #tpu.memory_space<vmem>>) target_semaphore(%arg20 : memref<!tpu.dma_semaphore, #tpu.memory_space<semaphore_mem>>)
    %dma_wait3A_634 = tpu.memref_slice %arg2[%mul3A_579] : memref<16777216xf32, #tpu.memory_space<hbm>> -> memref<16384xf32, #tpu.memory_space<hbm>>
    %dma_wait3A_635 = tpu.memref_slice %arg2[%mul3A_579] : memref<16777216xf32, #tpu.memory_space<hbm>> -> memref<16384xf32, #tpu.memory_space<hbm>>
    tpu.wait_dma2 semaphore(%arg11 : memref<!tpu.dma_semaphore, #tpu.memory_space<semaphore_mem>>) src(%dma_wait3A_635 : memref<16384xf32, #tpu.memory_space<hbm>>) dst(%arg5 : memref<16384xf32, #tpu.memory_space<vmem>>)
    %dma_wait3A_636 = tpu.memref_slice %arg3[%mul3A_531] : memref<8388608xf32, #tpu.memory_space<hbm>> -> memref<16384xf32, #tpu.memory_space<hbm>>
    %dma_wait3A_637 = tpu.memref_slice %arg3[%mul3A_531] : memref<8388608xf32, #tpu.memory_space<hbm>> -> memref<16384xf32, #tpu.memory_space<hbm>>
    tpu.wait_dma2 semaphore(%arg19 : memref<!tpu.dma_semaphore, #tpu.memory_space<semaphore_mem>>) src(%dma_wait3A_637 : memref<16384xf32, #tpu.memory_space<hbm>>) dst(%arg9 : memref<16384xf32, #tpu.memory_space<vmem>>)
    %parallel_loop3A_638 = arith.constant 0 : i32
    %parallel_loop3A_639 = arith.constant 16384 : i32
    %parallel_loop3A_640 = arith.constant 16 : i32
    scf.for %parallel_loop3A_800 = %parallel_loop3A_638 to %parallel_loop3A_639 step %parallel_loop3A_640  : i32 {
      %parallel_loop3A_801 = arith.index_cast %parallel_loop3A_800 : i32 to index
      %parallel_loop3A_802 = tpu.vector_load %arg9[%parallel_loop3A_801] {strides = array<i32>} : memref<16384xf32, #tpu.memory_space<vmem>>, vector<16xf32>,
      %parallel_loop3A_803 = vector.shape_cast %parallel_loop3A_802 : vector<16xf32> to vector<16xf32>
      %parallel_loop3A_804 = arith.index_cast %parallel_loop3A_800 : i32 to index
      %parallel_loop3A_805 = tpu.vector_load %arg5[%parallel_loop3A_804] {strides = array<i32>} : memref<16384xf32, #tpu.memory_space<vmem>>, vector<16xf32>,
      %parallel_loop3A_806 = vector.shape_cast %parallel_loop3A_805 : vector<16xf32> to vector<16xf32>
      %parallel_loop3A_807 = vector.shape_cast %parallel_loop3A_803 : vector<16xf32> to vector<16xf32>
      tpu.vector_store %arg5[%parallel_loop3A_804], %parallel_loop3A_807 {add = true, strides = array<i32>} : memref<16384xf32, #tpu.memory_space<vmem>>, vector<16xf32>,
    } {sc.loop_unroll_factor = 8 : i64, sc.parallel_access}
    %add3A_641 = arith.constant 0 : i32
    %add3A_642 = arith.addi %add3A_641, %mul3A_2 : i32
    %add3A_643 = arith.constant 96 : i32
    %add3A_644 = arith.addi %add3A_642, %add3A_643 : i32
    %mul3A_645 = arith.constant 1024 : i32
    %mul3A_646 = arith.muli %add3A_644, %mul3A_645 : i32
    %dma_start3A_647 = tpu.memref_slice %arg4[%mul3A_646] : memref<16777216xf32, #tpu.memory_space<hbm>> -> memref<16384xf32, #tpu.memory_space<hbm>>
    %dma_start3A_648 = tpu.memref_slice %arg4[%mul3A_646] : memref<16777216xf32, #tpu.memory_space<hbm>> -> memref<16384xf32, #tpu.memory_space<hbm>>
    tpu.enqueue_dma source(%arg5 : memref<16384xf32, #tpu.memory_space<vmem>>) target(%dma_start3A_648 : memref<16384xf32, #tpu.memory_space<hbm>>) target_semaphore(%arg15 : memref<!tpu.dma_semaphore, #tpu.memory_space<semaphore_mem>>)
    %dma_wait3A_649 = tpu.memref_slice %arg4[%mul3A_615] : memref<16777216xf32, #tpu.memory_space<hbm>> -> memref<16384xf32, #tpu.memory_space<hbm>>
    %dma_wait3A_650 = tpu.memref_slice %arg4[%mul3A_615] : memref<16777216xf32, #tpu.memory_space<hbm>> -> memref<16384xf32, #tpu.memory_space<hbm>>
    tpu.wait_dma2 semaphore(%arg18 : memref<!tpu.dma_semaphore, #tpu.memory_space<semaphore_mem>>) src(%arg8 : memref<16384xf32, #tpu.memory_space<vmem>>) dst(%dma_wait3A_650 : memref<16384xf32, #tpu.memory_space<hbm>>)
    %add3A_651 = arith.constant 12288 : i32
    %add3A_652 = arith.addi %add3A_651, %mul3A_2 : i32
    %add3A_653 = arith.constant 96 : i32
    %add3A_654 = arith.addi %add3A_652, %add3A_653 : i32
    %mul3A_655 = arith.constant 1024 : i32
    %mul3A_656 = arith.muli %add3A_654, %mul3A_655 : i32
    %dma_start3A_657 = tpu.memref_slice %arg2[%mul3A_656] : memref<16777216xf32, #tpu.memory_space<hbm>> -> memref<16384xf32, #tpu.memory_space<hbm>>
    %dma_start3A_658 = tpu.memref_slice %arg2[%mul3A_656] : memref<16777216xf32, #tpu.memory_space<hbm>> -> memref<16384xf32, #tpu.memory_space<hbm>>
    tpu.enqueue_dma source(%dma_start3A_658 : memref<16384xf32, #tpu.memory_space<hbm>>) target(%arg8 : memref<16384xf32, #tpu.memory_space<vmem>>) target_semaphore(%arg14 : memref<!tpu.dma_semaphore, #tpu.memory_space<semaphore_mem>>)
    %dma_wait3A_659 = tpu.memref_slice %arg2[%mul3A_602] : memref<16777216xf32, #tpu.memory_space<hbm>> -> memref<16384xf32, #tpu.memory_space<hbm>>
    %dma_wait3A_660 = tpu.memref_slice %arg2[%mul3A_602] : memref<16777216xf32, #tpu.memory_space<hbm>> -> memref<16384xf32, #tpu.memory_space<hbm>>
    tpu.wait_dma2 semaphore(%arg12 : memref<!tpu.dma_semaphore, #tpu.memory_space<semaphore_mem>>) src(%dma_wait3A_660 : memref<16384xf32, #tpu.memory_space<hbm>>) dst(%arg6 : memref<16384xf32, #tpu.memory_space<vmem>>)
    %parallel_loop3A_661 = arith.constant 0 : i32
    %parallel_loop3A_662 = arith.constant 16384 : i32
    %parallel_loop3A_663 = arith.constant 16 : i32
    scf.for %parallel_loop3A_800 = %parallel_loop3A_661 to %parallel_loop3A_662 step %parallel_loop3A_663  : i32 {
      %parallel_loop3A_801 = arith.index_cast %parallel_loop3A_800 : i32 to index
      %parallel_loop3A_802 = tpu.vector_load %arg9[%parallel_loop3A_801] {strides = array<i32>} : memref<16384xf32, #tpu.memory_space<vmem>>, vector<16xf32>,
      %parallel_loop3A_803 = vector.shape_cast %parallel_loop3A_802 : vector<16xf32> to vector<16xf32>
      %parallel_loop3A_804 = arith.index_cast %parallel_loop3A_800 : i32 to index
      %parallel_loop3A_805 = tpu.vector_load %arg6[%parallel_loop3A_804] {strides = array<i32>} : memref<16384xf32, #tpu.memory_space<vmem>>, vector<16xf32>,
      %parallel_loop3A_806 = vector.shape_cast %parallel_loop3A_805 : vector<16xf32> to vector<16xf32>
      %parallel_loop3A_807 = vector.shape_cast %parallel_loop3A_803 : vector<16xf32> to vector<16xf32>
      tpu.vector_store %arg6[%parallel_loop3A_804], %parallel_loop3A_807 {add = true, strides = array<i32>} : memref<16384xf32, #tpu.memory_space<vmem>>, vector<16xf32>,
    } {sc.loop_unroll_factor = 8 : i64, sc.parallel_access}
    %add3A_664 = arith.constant 4096 : i32
    %add3A_665 = arith.addi %add3A_664, %mul3A_2 : i32
    %add3A_666 = arith.constant 96 : i32
    %add3A_667 = arith.addi %add3A_665, %add3A_666 : i32
    %mul3A_668 = arith.constant 1024 : i32
    %mul3A_669 = arith.muli %add3A_667, %mul3A_668 : i32
    %dma_start3A_670 = tpu.memref_slice %arg4[%mul3A_669] : memref<16777216xf32, #tpu.memory_space<hbm>> -> memref<16384xf32, #tpu.memory_space<hbm>>
    %dma_start3A_671 = tpu.memref_slice %arg4[%mul3A_669] : memref<16777216xf32, #tpu.memory_space<hbm>> -> memref<16384xf32, #tpu.memory_space<hbm>>
    tpu.enqueue_dma source(%arg6 : memref<16384xf32, #tpu.memory_space<vmem>>) target(%dma_start3A_671 : memref<16384xf32, #tpu.memory_space<hbm>>) target_semaphore(%arg16 : memref<!tpu.dma_semaphore, #tpu.memory_space<semaphore_mem>>)
    %dma_wait3A_672 = tpu.memref_slice %arg4[%mul3A_646] : memref<16777216xf32, #tpu.memory_space<hbm>> -> memref<16384xf32, #tpu.memory_space<hbm>>
    %dma_wait3A_673 = tpu.memref_slice %arg4[%mul3A_646] : memref<16777216xf32, #tpu.memory_space<hbm>> -> memref<16384xf32, #tpu.memory_space<hbm>>
    tpu.wait_dma2 semaphore(%arg15 : memref<!tpu.dma_semaphore, #tpu.memory_space<semaphore_mem>>) src(%arg5 : memref<16384xf32, #tpu.memory_space<vmem>>) dst(%dma_wait3A_673 : memref<16384xf32, #tpu.memory_space<hbm>>)
    %add3A_674 = arith.constant 0 : i32
    %add3A_675 = arith.addi %add3A_674, %mul3A_2 : i32
    %add3A_676 = arith.constant 112 : i32
    %add3A_677 = arith.addi %add3A_675, %add3A_676 : i32
    %mul3A_678 = arith.constant 1024 : i32
    %mul3A_679 = arith.muli %add3A_677, %mul3A_678 : i32
    %dma_start3A_680 = tpu.memref_slice %arg2[%mul3A_679] : memref<16777216xf32, #tpu.memory_space<hbm>> -> memref<16384xf32, #tpu.memory_space<hbm>>
    %dma_start3A_681 = tpu.memref_slice %arg2[%mul3A_679] : memref<16777216xf32, #tpu.memory_space<hbm>> -> memref<16384xf32, #tpu.memory_space<hbm>>
    tpu.enqueue_dma source(%dma_start3A_681 : memref<16384xf32, #tpu.memory_space<hbm>>) target(%arg5 : memref<16384xf32, #tpu.memory_space<vmem>>) target_semaphore(%arg11 : memref<!tpu.dma_semaphore, #tpu.memory_space<semaphore_mem>>)
    %dma_wait3A_682 = tpu.memref_slice %arg2[%mul3A_625] : memref<16777216xf32, #tpu.memory_space<hbm>> -> memref<16384xf32, #tpu.memory_space<hbm>>
    %dma_wait3A_683 = tpu.memref_slice %arg2[%mul3A_625] : memref<16777216xf32, #tpu.memory_space<hbm>> -> memref<16384xf32, #tpu.memory_space<hbm>>
    tpu.wait_dma2 semaphore(%arg13 : memref<!tpu.dma_semaphore, #tpu.memory_space<semaphore_mem>>) src(%dma_wait3A_683 : memref<16384xf32, #tpu.memory_space<hbm>>) dst(%arg7 : memref<16384xf32, #tpu.memory_space<vmem>>)
    %parallel_loop3A_684 = arith.constant 0 : i32
    %parallel_loop3A_685 = arith.constant 16384 : i32
    %parallel_loop3A_686 = arith.constant 16 : i32
    scf.for %parallel_loop3A_800 = %parallel_loop3A_684 to %parallel_loop3A_685 step %parallel_loop3A_686  : i32 {
      %parallel_loop3A_801 = arith.index_cast %parallel_loop3A_800 : i32 to index
      %parallel_loop3A_802 = tpu.vector_load %arg9[%parallel_loop3A_801] {strides = array<i32>} : memref<16384xf32, #tpu.memory_space<vmem>>, vector<16xf32>,
      %parallel_loop3A_803 = vector.shape_cast %parallel_loop3A_802 : vector<16xf32> to vector<16xf32>
      %parallel_loop3A_804 = arith.index_cast %parallel_loop3A_800 : i32 to index
      %parallel_loop3A_805 = tpu.vector_load %arg7[%parallel_loop3A_804] {strides = array<i32>} : memref<16384xf32, #tpu.memory_space<vmem>>, vector<16xf32>,
      %parallel_loop3A_806 = vector.shape_cast %parallel_loop3A_805 : vector<16xf32> to vector<16xf32>
      %parallel_loop3A_807 = vector.shape_cast %parallel_loop3A_803 : vector<16xf32> to vector<16xf32>
      tpu.vector_store %arg7[%parallel_loop3A_804], %parallel_loop3A_807 {add = true, strides = array<i32>} : memref<16384xf32, #tpu.memory_space<vmem>>, vector<16xf32>,
    } {sc.loop_unroll_factor = 8 : i64, sc.parallel_access}
    %add3A_687 = arith.constant 8192 : i32
    %add3A_688 = arith.addi %add3A_687, %mul3A_2 : i32
    %add3A_689 = arith.constant 96 : i32
    %add3A_690 = arith.addi %add3A_688, %add3A_689 : i32
    %mul3A_691 = arith.constant 1024 : i32
    %mul3A_692 = arith.muli %add3A_690, %mul3A_691 : i32
    %dma_start3A_693 = tpu.memref_slice %arg4[%mul3A_692] : memref<16777216xf32, #tpu.memory_space<hbm>> -> memref<16384xf32, #tpu.memory_space<hbm>>
    %dma_start3A_694 = tpu.memref_slice %arg4[%mul3A_692] : memref<16777216xf32, #tpu.memory_space<hbm>> -> memref<16384xf32, #tpu.memory_space<hbm>>
    tpu.enqueue_dma source(%arg7 : memref<16384xf32, #tpu.memory_space<vmem>>) target(%dma_start3A_694 : memref<16384xf32, #tpu.memory_space<hbm>>) target_semaphore(%arg17 : memref<!tpu.dma_semaphore, #tpu.memory_space<semaphore_mem>>)
    %dma_wait3A_695 = tpu.memref_slice %arg4[%mul3A_669] : memref<16777216xf32, #tpu.memory_space<hbm>> -> memref<16384xf32, #tpu.memory_space<hbm>>
    %dma_wait3A_696 = tpu.memref_slice %arg4[%mul3A_669] : memref<16777216xf32, #tpu.memory_space<hbm>> -> memref<16384xf32, #tpu.memory_space<hbm>>
    tpu.wait_dma2 semaphore(%arg16 : memref<!tpu.dma_semaphore, #tpu.memory_space<semaphore_mem>>) src(%arg6 : memref<16384xf32, #tpu.memory_space<vmem>>) dst(%dma_wait3A_696 : memref<16384xf32, #tpu.memory_space<hbm>>)
    %add3A_697 = arith.constant 4096 : i32
    %add3A_698 = arith.addi %add3A_697, %mul3A_2 : i32
    %add3A_699 = arith.constant 112 : i32
    %add3A_700 = arith.addi %add3A_698, %add3A_699 : i32
    %mul3A_701 = arith.constant 1024 : i32
    %mul3A_702 = arith.muli %add3A_700, %mul3A_701 : i32
    %dma_start3A_703 = tpu.memref_slice %arg2[%mul3A_702] : memref<16777216xf32, #tpu.memory_space<hbm>> -> memref<16384xf32, #tpu.memory_space<hbm>>
    %dma_start3A_704 = tpu.memref_slice %arg2[%mul3A_702] : memref<16777216xf32, #tpu.memory_space<hbm>> -> memref<16384xf32, #tpu.memory_space<hbm>>
    tpu.enqueue_dma source(%dma_start3A_704 : memref<16384xf32, #tpu.memory_space<hbm>>) target(%arg6 : memref<16384xf32, #tpu.memory_space<vmem>>) target_semaphore(%arg12 : memref<!tpu.dma_semaphore, #tpu.memory_space<semaphore_mem>>)
    %dma_wait3A_705 = tpu.memref_slice %arg2[%mul3A_656] : memref<16777216xf32, #tpu.memory_space<hbm>> -> memref<16384xf32, #tpu.memory_space<hbm>>
    %dma_wait3A_706 = tpu.memref_slice %arg2[%mul3A_656] : memref<16777216xf32, #tpu.memory_space<hbm>> -> memref<16384xf32, #tpu.memory_space<hbm>>
    tpu.wait_dma2 semaphore(%arg14 : memref<!tpu.dma_semaphore, #tpu.memory_space<semaphore_mem>>) src(%dma_wait3A_706 : memref<16384xf32, #tpu.memory_space<hbm>>) dst(%arg8 : memref<16384xf32, #tpu.memory_space<vmem>>)
    %parallel_loop3A_707 = arith.constant 0 : i32
    %parallel_loop3A_708 = arith.constant 16384 : i32
    %parallel_loop3A_709 = arith.constant 16 : i32
    scf.for %parallel_loop3A_800 = %parallel_loop3A_707 to %parallel_loop3A_708 step %parallel_loop3A_709  : i32 {
      %parallel_loop3A_801 = arith.index_cast %parallel_loop3A_800 : i32 to index
      %parallel_loop3A_802 = tpu.vector_load %arg9[%parallel_loop3A_801] {strides = array<i32>} : memref<16384xf32, #tpu.memory_space<vmem>>, vector<16xf32>,
      %parallel_loop3A_803 = vector.shape_cast %parallel_loop3A_802 : vector<16xf32> to vector<16xf32>
      %parallel_loop3A_804 = arith.index_cast %parallel_loop3A_800 : i32 to index
      %parallel_loop3A_805 = tpu.vector_load %arg8[%parallel_loop3A_804] {strides = array<i32>} : memref<16384xf32, #tpu.memory_space<vmem>>, vector<16xf32>,
      %parallel_loop3A_806 = vector.shape_cast %parallel_loop3A_805 : vector<16xf32> to vector<16xf32>
      %parallel_loop3A_807 = vector.shape_cast %parallel_loop3A_803 : vector<16xf32> to vector<16xf32>
      tpu.vector_store %arg8[%parallel_loop3A_804], %parallel_loop3A_807 {add = true, strides = array<i32>} : memref<16384xf32, #tpu.memory_space<vmem>>, vector<16xf32>,
    } {sc.loop_unroll_factor = 8 : i64, sc.parallel_access}
    %add3A_710 = arith.constant 12288 : i32
    %add3A_711 = arith.addi %add3A_710, %mul3A_2 : i32
    %add3A_712 = arith.constant 96 : i32
    %add3A_713 = arith.addi %add3A_711, %add3A_712 : i32
    %mul3A_714 = arith.constant 1024 : i32
    %mul3A_715 = arith.muli %add3A_713, %mul3A_714 : i32
    %dma_start3A_716 = tpu.memref_slice %arg4[%mul3A_715] : memref<16777216xf32, #tpu.memory_space<hbm>> -> memref<16384xf32, #tpu.memory_space<hbm>>
    %dma_start3A_717 = tpu.memref_slice %arg4[%mul3A_715] : memref<16777216xf32, #tpu.memory_space<hbm>> -> memref<16384xf32, #tpu.memory_space<hbm>>
    tpu.enqueue_dma source(%arg8 : memref<16384xf32, #tpu.memory_space<vmem>>) target(%dma_start3A_717 : memref<16384xf32, #tpu.memory_space<hbm>>) target_semaphore(%arg18 : memref<!tpu.dma_semaphore, #tpu.memory_space<semaphore_mem>>)
    %dma_wait3A_718 = tpu.memref_slice %arg4[%mul3A_692] : memref<16777216xf32, #tpu.memory_space<hbm>> -> memref<16384xf32, #tpu.memory_space<hbm>>
    %dma_wait3A_719 = tpu.memref_slice %arg4[%mul3A_692] : memref<16777216xf32, #tpu.memory_space<hbm>> -> memref<16384xf32, #tpu.memory_space<hbm>>
    tpu.wait_dma2 semaphore(%arg17 : memref<!tpu.dma_semaphore, #tpu.memory_space<semaphore_mem>>) src(%arg7 : memref<16384xf32, #tpu.memory_space<vmem>>) dst(%dma_wait3A_719 : memref<16384xf32, #tpu.memory_space<hbm>>)
    %add3A_720 = arith.constant 8192 : i32
    %add3A_721 = arith.addi %add3A_720, %mul3A_2 : i32
    %add3A_722 = arith.constant 112 : i32
    %add3A_723 = arith.addi %add3A_721, %add3A_722 : i32
    %mul3A_724 = arith.constant 1024 : i32
    %mul3A_725 = arith.muli %add3A_723, %mul3A_724 : i32
    %dma_start3A_726 = tpu.memref_slice %arg2[%mul3A_725] : memref<16777216xf32, #tpu.memory_space<hbm>> -> memref<16384xf32, #tpu.memory_space<hbm>>
    %dma_start3A_727 = tpu.memref_slice %arg2[%mul3A_725] : memref<16777216xf32, #tpu.memory_space<hbm>> -> memref<16384xf32, #tpu.memory_space<hbm>>
    tpu.enqueue_dma source(%dma_start3A_727 : memref<16384xf32, #tpu.memory_space<hbm>>) target(%arg7 : memref<16384xf32, #tpu.memory_space<vmem>>) target_semaphore(%arg13 : memref<!tpu.dma_semaphore, #tpu.memory_space<semaphore_mem>>)
    %dma_wait3A_728 = tpu.memref_slice %arg2[%mul3A_679] : memref<16777216xf32, #tpu.memory_space<hbm>> -> memref<16384xf32, #tpu.memory_space<hbm>>
    %dma_wait3A_729 = tpu.memref_slice %arg2[%mul3A_679] : memref<16777216xf32, #tpu.memory_space<hbm>> -> memref<16384xf32, #tpu.memory_space<hbm>>
    tpu.wait_dma2 semaphore(%arg11 : memref<!tpu.dma_semaphore, #tpu.memory_space<semaphore_mem>>) src(%dma_wait3A_729 : memref<16384xf32, #tpu.memory_space<hbm>>) dst(%arg5 : memref<16384xf32, #tpu.memory_space<vmem>>)
    %dma_wait3A_730 = tpu.memref_slice %arg3[%mul3A_631] : memref<8388608xf32, #tpu.memory_space<hbm>> -> memref<16384xf32, #tpu.memory_space<hbm>>
    %dma_wait3A_731 = tpu.memref_slice %arg3[%mul3A_631] : memref<8388608xf32, #tpu.memory_space<hbm>> -> memref<16384xf32, #tpu.memory_space<hbm>>
    tpu.wait_dma2 semaphore(%arg20 : memref<!tpu.dma_semaphore, #tpu.memory_space<semaphore_mem>>) src(%dma_wait3A_731 : memref<16384xf32, #tpu.memory_space<hbm>>) dst(%arg10 : memref<16384xf32, #tpu.memory_space<vmem>>)
    %parallel_loop3A_732 = arith.constant 0 : i32
    %parallel_loop3A_733 = arith.constant 16384 : i32
    %parallel_loop3A_734 = arith.constant 16 : i32
    scf.for %parallel_loop3A_800 = %parallel_loop3A_732 to %parallel_loop3A_733 step %parallel_loop3A_734  : i32 {
      %parallel_loop3A_801 = arith.index_cast %parallel_loop3A_800 : i32 to index
      %parallel_loop3A_802 = tpu.vector_load %arg10[%parallel_loop3A_801] {strides = array<i32>} : memref<16384xf32, #tpu.memory_space<vmem>>, vector<16xf32>,
      %parallel_loop3A_803 = vector.shape_cast %parallel_loop3A_802 : vector<16xf32> to vector<16xf32>
      %parallel_loop3A_804 = arith.index_cast %parallel_loop3A_800 : i32 to index
      %parallel_loop3A_805 = tpu.vector_load %arg5[%parallel_loop3A_804] {strides = array<i32>} : memref<16384xf32, #tpu.memory_space<vmem>>, vector<16xf32>,
      %parallel_loop3A_806 = vector.shape_cast %parallel_loop3A_805 : vector<16xf32> to vector<16xf32>
      %parallel_loop3A_807 = vector.shape_cast %parallel_loop3A_803 : vector<16xf32> to vector<16xf32>
      tpu.vector_store %arg5[%parallel_loop3A_804], %parallel_loop3A_807 {add = true, strides = array<i32>} : memref<16384xf32, #tpu.memory_space<vmem>>, vector<16xf32>,
    } {sc.loop_unroll_factor = 8 : i64, sc.parallel_access}
    %add3A_735 = arith.constant 0 : i32
    %add3A_736 = arith.addi %add3A_735, %mul3A_2 : i32
    %add3A_737 = arith.constant 112 : i32
    %add3A_738 = arith.addi %add3A_736, %add3A_737 : i32
    %mul3A_739 = arith.constant 1024 : i32
    %mul3A_740 = arith.muli %add3A_738, %mul3A_739 : i32
    %dma_start3A_741 = tpu.memref_slice %arg4[%mul3A_740] : memref<16777216xf32, #tpu.memory_space<hbm>> -> memref<16384xf32, #tpu.memory_space<hbm>>
    %dma_start3A_742 = tpu.memref_slice %arg4[%mul3A_740] : memref<16777216xf32, #tpu.memory_space<hbm>> -> memref<16384xf32, #tpu.memory_space<hbm>>
    tpu.enqueue_dma source(%arg5 : memref<16384xf32, #tpu.memory_space<vmem>>) target(%dma_start3A_742 : memref<16384xf32, #tpu.memory_space<hbm>>) target_semaphore(%arg15 : memref<!tpu.dma_semaphore, #tpu.memory_space<semaphore_mem>>)
    %dma_wait3A_743 = tpu.memref_slice %arg4[%mul3A_715] : memref<16777216xf32, #tpu.memory_space<hbm>> -> memref<16384xf32, #tpu.memory_space<hbm>>
    %dma_wait3A_744 = tpu.memref_slice %arg4[%mul3A_715] : memref<16777216xf32, #tpu.memory_space<hbm>> -> memref<16384xf32, #tpu.memory_space<hbm>>
    tpu.wait_dma2 semaphore(%arg18 : memref<!tpu.dma_semaphore, #tpu.memory_space<semaphore_mem>>) src(%arg8 : memref<16384xf32, #tpu.memory_space<vmem>>) dst(%dma_wait3A_744 : memref<16384xf32, #tpu.memory_space<hbm>>)
    %add3A_745 = arith.constant 12288 : i32
    %add3A_746 = arith.addi %add3A_745, %mul3A_2 : i32
    %add3A_747 = arith.constant 112 : i32
    %add3A_748 = arith.addi %add3A_746, %add3A_747 : i32
    %mul3A_749 = arith.constant 1024 : i32
    %mul3A_750 = arith.muli %add3A_748, %mul3A_749 : i32
    %dma_start3A_751 = tpu.memref_slice %arg2[%mul3A_750] : memref<16777216xf32, #tpu.memory_space<hbm>> -> memref<16384xf32, #tpu.memory_space<hbm>>
    %dma_start3A_752 = tpu.memref_slice %arg2[%mul3A_750] : memref<16777216xf32, #tpu.memory_space<hbm>> -> memref<16384xf32, #tpu.memory_space<hbm>>
    tpu.enqueue_dma source(%dma_start3A_752 : memref<16384xf32, #tpu.memory_space<hbm>>) target(%arg8 : memref<16384xf32, #tpu.memory_space<vmem>>) target_semaphore(%arg14 : memref<!tpu.dma_semaphore, #tpu.memory_space<semaphore_mem>>)
    %dma_wait3A_753 = tpu.memref_slice %arg2[%mul3A_702] : memref<16777216xf32, #tpu.memory_space<hbm>> -> memref<16384xf32, #tpu.memory_space<hbm>>
    %dma_wait3A_754 = tpu.memref_slice %arg2[%mul3A_702] : memref<16777216xf32, #tpu.memory_space<hbm>> -> memref<16384xf32, #tpu.memory_space<hbm>>
    tpu.wait_dma2 semaphore(%arg12 : memref<!tpu.dma_semaphore, #tpu.memory_space<semaphore_mem>>) src(%dma_wait3A_754 : memref<16384xf32, #tpu.memory_space<hbm>>) dst(%arg6 : memref<16384xf32, #tpu.memory_space<vmem>>)
    %parallel_loop3A_755 = arith.constant 0 : i32
    %parallel_loop3A_756 = arith.constant 16384 : i32
    %parallel_loop3A_757 = arith.constant 16 : i32
    scf.for %parallel_loop3A_800 = %parallel_loop3A_755 to %parallel_loop3A_756 step %parallel_loop3A_757  : i32 {
      %parallel_loop3A_801 = arith.index_cast %parallel_loop3A_800 : i32 to index
      %parallel_loop3A_802 = tpu.vector_load %arg10[%parallel_loop3A_801] {strides = array<i32>} : memref<16384xf32, #tpu.memory_space<vmem>>, vector<16xf32>,
      %parallel_loop3A_803 = vector.shape_cast %parallel_loop3A_802 : vector<16xf32> to vector<16xf32>
      %parallel_loop3A_804 = arith.index_cast %parallel_loop3A_800 : i32 to index
      %parallel_loop3A_805 = tpu.vector_load %arg6[%parallel_loop3A_804] {strides = array<i32>} : memref<16384xf32, #tpu.memory_space<vmem>>, vector<16xf32>,
      %parallel_loop3A_806 = vector.shape_cast %parallel_loop3A_805 : vector<16xf32> to vector<16xf32>
      %parallel_loop3A_807 = vector.shape_cast %parallel_loop3A_803 : vector<16xf32> to vector<16xf32>
      tpu.vector_store %arg6[%parallel_loop3A_804], %parallel_loop3A_807 {add = true, strides = array<i32>} : memref<16384xf32, #tpu.memory_space<vmem>>, vector<16xf32>,
    } {sc.loop_unroll_factor = 8 : i64, sc.parallel_access}
    %add3A_758 = arith.constant 4096 : i32
    %add3A_759 = arith.addi %add3A_758, %mul3A_2 : i32
    %add3A_760 = arith.constant 112 : i32
    %add3A_761 = arith.addi %add3A_759, %add3A_760 : i32
    %mul3A_762 = arith.constant 1024 : i32
    %mul3A_763 = arith.muli %add3A_761, %mul3A_762 : i32
    %dma_start3A_764 = tpu.memref_slice %arg4[%mul3A_763] : memref<16777216xf32, #tpu.memory_space<hbm>> -> memref<16384xf32, #tpu.memory_space<hbm>>
    %dma_start3A_765 = tpu.memref_slice %arg4[%mul3A_763] : memref<16777216xf32, #tpu.memory_space<hbm>> -> memref<16384xf32, #tpu.memory_space<hbm>>
    tpu.enqueue_dma source(%arg6 : memref<16384xf32, #tpu.memory_space<vmem>>) target(%dma_start3A_765 : memref<16384xf32, #tpu.memory_space<hbm>>) target_semaphore(%arg16 : memref<!tpu.dma_semaphore, #tpu.memory_space<semaphore_mem>>)
    %dma_wait3A_766 = tpu.memref_slice %arg2[%mul3A_725] : memref<16777216xf32, #tpu.memory_space<hbm>> -> memref<16384xf32, #tpu.memory_space<hbm>>
    %dma_wait3A_767 = tpu.memref_slice %arg2[%mul3A_725] : memref<16777216xf32, #tpu.memory_space<hbm>> -> memref<16384xf32, #tpu.memory_space<hbm>>
    tpu.wait_dma2 semaphore(%arg13 : memref<!tpu.dma_semaphore, #tpu.memory_space<semaphore_mem>>) src(%dma_wait3A_767 : memref<16384xf32, #tpu.memory_space<hbm>>) dst(%arg7 : memref<16384xf32, #tpu.memory_space<vmem>>)
    %parallel_loop3A_768 = arith.constant 0 : i32
    %parallel_loop3A_769 = arith.constant 16384 : i32
    %parallel_loop3A_770 = arith.constant 16 : i32
    scf.for %parallel_loop3A_800 = %parallel_loop3A_768 to %parallel_loop3A_769 step %parallel_loop3A_770  : i32 {
      %parallel_loop3A_801 = arith.index_cast %parallel_loop3A_800 : i32 to index
      %parallel_loop3A_802 = tpu.vector_load %arg10[%parallel_loop3A_801] {strides = array<i32>} : memref<16384xf32, #tpu.memory_space<vmem>>, vector<16xf32>,
      %parallel_loop3A_803 = vector.shape_cast %parallel_loop3A_802 : vector<16xf32> to vector<16xf32>
      %parallel_loop3A_804 = arith.index_cast %parallel_loop3A_800 : i32 to index
      %parallel_loop3A_805 = tpu.vector_load %arg7[%parallel_loop3A_804] {strides = array<i32>} : memref<16384xf32, #tpu.memory_space<vmem>>, vector<16xf32>,
      %parallel_loop3A_806 = vector.shape_cast %parallel_loop3A_805 : vector<16xf32> to vector<16xf32>
      %parallel_loop3A_807 = vector.shape_cast %parallel_loop3A_803 : vector<16xf32> to vector<16xf32>
      tpu.vector_store %arg7[%parallel_loop3A_804], %parallel_loop3A_807 {add = true, strides = array<i32>} : memref<16384xf32, #tpu.memory_space<vmem>>, vector<16xf32>,
    } {sc.loop_unroll_factor = 8 : i64, sc.parallel_access}
    %add3A_771 = arith.constant 8192 : i32
    %add3A_772 = arith.addi %add3A_771, %mul3A_2 : i32
    %add3A_773 = arith.constant 112 : i32
    %add3A_774 = arith.addi %add3A_772, %add3A_773 : i32
    %mul3A_775 = arith.constant 1024 : i32
    %mul3A_776 = arith.muli %add3A_774, %mul3A_775 : i32
    %dma_start3A_777 = tpu.memref_slice %arg4[%mul3A_776] : memref<16777216xf32, #tpu.memory_space<hbm>> -> memref<16384xf32, #tpu.memory_space<hbm>>
    %dma_start3A_778 = tpu.memref_slice %arg4[%mul3A_776] : memref<16777216xf32, #tpu.memory_space<hbm>> -> memref<16384xf32, #tpu.memory_space<hbm>>
    tpu.enqueue_dma source(%arg7 : memref<16384xf32, #tpu.memory_space<vmem>>) target(%dma_start3A_778 : memref<16384xf32, #tpu.memory_space<hbm>>) target_semaphore(%arg17 : memref<!tpu.dma_semaphore, #tpu.memory_space<semaphore_mem>>)
    %dma_wait3A_779 = tpu.memref_slice %arg2[%mul3A_750] : memref<16777216xf32, #tpu.memory_space<hbm>> -> memref<16384xf32, #tpu.memory_space<hbm>>
    %dma_wait3A_780 = tpu.memref_slice %arg2[%mul3A_750] : memref<16777216xf32, #tpu.memory_space<hbm>> -> memref<16384xf32, #tpu.memory_space<hbm>>
    tpu.wait_dma2 semaphore(%arg14 : memref<!tpu.dma_semaphore, #tpu.memory_space<semaphore_mem>>) src(%dma_wait3A_780 : memref<16384xf32, #tpu.memory_space<hbm>>) dst(%arg8 : memref<16384xf32, #tpu.memory_space<vmem>>)
    %parallel_loop3A_781 = arith.constant 0 : i32
    %parallel_loop3A_782 = arith.constant 16384 : i32
    %parallel_loop3A_783 = arith.constant 16 : i32
    scf.for %parallel_loop3A_800 = %parallel_loop3A_781 to %parallel_loop3A_782 step %parallel_loop3A_783  : i32 {
      %parallel_loop3A_801 = arith.index_cast %parallel_loop3A_800 : i32 to index
      %parallel_loop3A_802 = tpu.vector_load %arg10[%parallel_loop3A_801] {strides = array<i32>} : memref<16384xf32, #tpu.memory_space<vmem>>, vector<16xf32>,
      %parallel_loop3A_803 = vector.shape_cast %parallel_loop3A_802 : vector<16xf32> to vector<16xf32>
      %parallel_loop3A_804 = arith.index_cast %parallel_loop3A_800 : i32 to index
      %parallel_loop3A_805 = tpu.vector_load %arg8[%parallel_loop3A_804] {strides = array<i32>} : memref<16384xf32, #tpu.memory_space<vmem>>, vector<16xf32>,
      %parallel_loop3A_806 = vector.shape_cast %parallel_loop3A_805 : vector<16xf32> to vector<16xf32>
      %parallel_loop3A_807 = vector.shape_cast %parallel_loop3A_803 : vector<16xf32> to vector<16xf32>
      tpu.vector_store %arg8[%parallel_loop3A_804], %parallel_loop3A_807 {add = true, strides = array<i32>} : memref<16384xf32, #tpu.memory_space<vmem>>, vector<16xf32>,
    } {sc.loop_unroll_factor = 8 : i64, sc.parallel_access}
    %add3A_784 = arith.constant 12288 : i32
    %add3A_785 = arith.addi %add3A_784, %mul3A_2 : i32
    %add3A_786 = arith.constant 112 : i32
    %add3A_787 = arith.addi %add3A_785, %add3A_786 : i32
    %mul3A_788 = arith.constant 1024 : i32
    %mul3A_789 = arith.muli %add3A_787, %mul3A_788 : i32
    %dma_start3A_790 = tpu.memref_slice %arg4[%mul3A_789] : memref<16777216xf32, #tpu.memory_space<hbm>> -> memref<16384xf32, #tpu.memory_space<hbm>>
    %dma_start3A_791 = tpu.memref_slice %arg4[%mul3A_789] : memref<16777216xf32, #tpu.memory_space<hbm>> -> memref<16384xf32, #tpu.memory_space<hbm>>
    tpu.enqueue_dma source(%arg8 : memref<16384xf32, #tpu.memory_space<vmem>>) target(%dma_start3A_791 : memref<16384xf32, #tpu.memory_space<hbm>>) target_semaphore(%arg18 : memref<!tpu.dma_semaphore, #tpu.memory_space<semaphore_mem>>)
    %dma_wait3A_792 = tpu.memref_slice %arg4[%mul3A_740] : memref<16777216xf32, #tpu.memory_space<hbm>> -> memref<16384xf32, #tpu.memory_space<hbm>>
    %dma_wait3A_793 = tpu.memref_slice %arg4[%mul3A_740] : memref<16777216xf32, #tpu.memory_space<hbm>> -> memref<16384xf32, #tpu.memory_space<hbm>>
    tpu.wait_dma2 semaphore(%arg15 : memref<!tpu.dma_semaphore, #tpu.memory_space<semaphore_mem>>) src(%arg5 : memref<16384xf32, #tpu.memory_space<vmem>>) dst(%dma_wait3A_793 : memref<16384xf32, #tpu.memory_space<hbm>>)
    %dma_wait3A_794 = tpu.memref_slice %arg4[%mul3A_763] : memref<16777216xf32, #tpu.memory_space<hbm>> -> memref<16384xf32, #tpu.memory_space<hbm>>
    %dma_wait3A_795 = tpu.memref_slice %arg4[%mul3A_763] : memref<16777216xf32, #tpu.memory_space<hbm>> -> memref<16384xf32, #tpu.memory_space<hbm>>
    tpu.wait_dma2 semaphore(%arg16 : memref<!tpu.dma_semaphore, #tpu.memory_space<semaphore_mem>>) src(%arg6 : memref<16384xf32, #tpu.memory_space<vmem>>) dst(%dma_wait3A_795 : memref<16384xf32, #tpu.memory_space<hbm>>)
    %dma_wait3A_796 = tpu.memref_slice %arg4[%mul3A_776] : memref<16777216xf32, #tpu.memory_space<hbm>> -> memref<16384xf32, #tpu.memory_space<hbm>>
    %dma_wait3A_797 = tpu.memref_slice %arg4[%mul3A_776] : memref<16777216xf32, #tpu.memory_space<hbm>> -> memref<16384xf32, #tpu.memory_space<hbm>>
    tpu.wait_dma2 semaphore(%arg17 : memref<!tpu.dma_semaphore, #tpu.memory_space<semaphore_mem>>) src(%arg7 : memref<16384xf32, #tpu.memory_space<vmem>>) dst(%dma_wait3A_797 : memref<16384xf32, #tpu.memory_space<hbm>>)
    %dma_wait3A_798 = tpu.memref_slice %arg4[%mul3A_789] : memref<16777216xf32, #tpu.memory_space<hbm>> -> memref<16384xf32, #tpu.memory_space<hbm>>
    %dma_wait3A_799 = tpu.memref_slice %arg4[%mul3A_789] : memref<16777216xf32, #tpu.memory_space<hbm>> -> memref<16384xf32, #tpu.memory_space<hbm>>
    tpu.wait_dma2 semaphore(%arg18 : memref<!tpu.dma_semaphore, #tpu.memory_space<semaphore_mem>>) src(%arg8 : memref<16384xf32, #tpu.memory_space<vmem>>) dst(%dma_wait3A_799 : memref<16384xf32, #tpu.memory_space<hbm>>)
    return
  }
}

</mosaic_0001>

<sc_bundles>
// kernel: kernel.3.cloned.1.call-start
scs
__scs_entry_jumppad:
0x0: {  	(pc) =	sbr.rel $0x88, $3  }
0x1: {  	(tag) =	ssettag $0x0;
	lr =	simm.s32 $0x1  }
0x2: {  	[smem:$0x3F9F] =	sst lr;
	_ =	strace $0xD0000000  }
0x3: {  	_ = 	snop  }
0x4: {  	_ = 	snop  }
0x5: {  	_ = 	snop  }
0x6: {  	_ = 	snop  }
0x7: {  	_ = 	snop  }
__scs_overlays_trampoline_lowered:
0x8: {  	[smem:$0x3FAE] =	sst s0  }
0x9: {  	[smem:$0x3FAF] =	sst s1  }
0xa: {  	[smem:$0x3FB0] =	sst s2  }
0xb: {  	[smem:$0x3FB1] =	sst s3  }
0xc: {  	[smem:$0x3FB2] =	sst s4  }
0xd: {  	[smem:$0x3FB3] =	sst s5  }
0xe: {  	[smem:$0x3FB4] =	sst s6  }
0xf: {  	[smem:$0x3FB5] =	sst s7  }
0x10: {  	[smem:$0x3FB6] =	sst s8  }
0x11: {  	[smem:$0x3FB7] =	sst s9;
	s0 =	simm.s32 @!p0 $0x0  }
0x12: {  	s1 =	sld [smem:$0x3F9D];
	s0 =	simm.s32 @p0 $0x1  }
0x13: {  	[smem:$0x3FB8] =	sst s0;
	s0 =	simm.s32 @!p1 $0x0  }
0x14: {  	s2 =	sld [smem:$0x3F9C];
	s0 =	simm.s32 @p1 $0x1  }
0x15: {  	[smem:$0x3FB9] =	sst s0;
	s0 =	simm.s32 @!p2 $0x0  }
0x16: {  	s3 =	sld [smem:$0x3FDB];
	s0 =	simm.s32 @p2 $0x1  }
0x17: {  	s4 =	simm.s32 $0x1BF5;
	[smem:$0x3FBB] =	sst s0  }
0x18: {  	s0 =	sld [smem:$0x3F9E];
	_ =	swait.ge [sflag:s4], $0x0  }
0x19: {  	s7 =	sld [smem:$0x3F9F]  }
0x1a: {  	s8 =	sadd.s32 $0xFFFFE003, lr  }
0x1b: {  	s9 =	sadd.s32 $0xFFFFFEF7, lr;
	s5 =	simm.s32 $0xFFFFFFFF;
	p2 =	slt.u32 s8, $0xFFFFF086  }
0x1c: {  	p1 =	slt.u32 s9, $0xF7A;
	s5 =	simm.s32 @!p2 $0x0  }
0x1d: {  	s5 =	simm.s32 @p1 $0x1;
	p0 =	seq.s32 s7, s2  }
0x1e: {  	s7 =	smul.u32 @!p0 $0xF7A, s2;
	p2 =	seq.s32 @!p0 s5, $0x0  }
0x1f: {  	s9 =	smul.u32 $0xF7A, s1;
	s8 =	simm.s32 @!p0 $0x1BF5;
	p2 =	por !p2, p0  }
0x20: {  	[sflag:s8] =	ssyncset.s32 @!p0 $0xFFFFF086;
	s6 =	sadd.s32 @!p0 s3, s7;
	s7 =	simm.s32 @!p0 $0x108  }
0x21: {  	s3 =	sadd.s32 s3, s9;
	s6 =	sadd.s32 @!p0 $0x88, s6;
	s7 =	simm.s32 @p2 $0x1082  }
0x22: {  	[simem:s7], [sflag:s8] =	dma.local @!p0 [hbm:s6], $0xF7A  }
0x23: {  	s9 =	sor.u32 $0xD0000000, s2;
	s6 =	simm.s32 $0x108;
	_ =	swait.ge @!p0 [sflag:s8], $0x0  }
0x24: {  	s3 =	sadd.s32 $0x88, s3;
	s6 =	simm.s32 @!p1 $0x1082;
	[sflag:s4] =	ssyncset.s32 $0xFFFFF086  }
0x25: {  	[simem:s6], [sflag:s4] =	dma.local [hbm:s3], $0xF7A  }
0x26: {  	[smem:$0x3F9F] =	sst s1;
	(tag) =	ssettag s2;
	_ =	strace s9  }
0x27: {  	s1 =	sld [smem:$0x3FAF]  }
0x28: {  	s2 =	sld [smem:$0x3FB0]  }
0x29: {  	s4 =	sld [smem:$0x3FB2]  }
0x2a: {  	p0 =	seq.s32 s5, $0x0;
	s5 =	sld [smem:$0x3FB3]  }
0x2b: {  	s6 =	sld [smem:$0x3FB4]  }
0x2c: {  	s7 =	sld [smem:$0x3FB5]  }
0x2d: {  	s3 =	simm.s32 $0x108;
	s8 =	sld [smem:$0x3FB6]  }
0x2e: {  	s3 =	simm.s32 @!p0 $0x1082;
	s9 =	sld [smem:$0x3FB7]  }
0x2f: {  	lr =	sadd.s32 s0, s3;
	s0 =	sld [smem:$0x3FAE]  }
0x30: {  	s3 =	sld [smem:$0x3FB1]  }
0x31: {  	[smem:$0x3FBA] =	sst s10  }
0x32: {  	s10 =	sld [smem:$0x3FB8];
	_ =	sdelay $0x3  }
0x33: {  	p0 =	seq.s32 s10, $0x1;
	s10 =	sld [smem:$0x3FBA];
	_ =	sdelay $0x3  }
0x34: {  	[smem:$0x3FBA] =	sst s10  }
0x35: {  	s10 =	sld [smem:$0x3FB9];
	_ =	sdelay $0x3  }
0x36: {  	p1 =	seq.s32 s10, $0x1;
	s10 =	sld [smem:$0x3FBA];
	_ =	sdelay $0x3  }
0x37: {  	[smem:$0x3FBA] =	sst s10  }
0x38: {  	s10 =	sld [smem:$0x3FBB]  }
0x39: {  	_ = 	snop;
	(pc) =	sbr.ind lr, $3  }
0x3a: {  	_ = 	snop  }
0x3b: {  	_ = 	snop  }
0x3c: {  	p2 =	seq.s32 s10, $0x1;
	s10 =	sld [smem:$0x3FBA]  }
0x3d: {  	_ =	shalt  }
0x3e: {  	_ =	shalt  }
0x3f: {  	_ =	shalt  }
0x40: {  	_ =	shalt  }
0x41: {  	_ =	shalt  }
0x42: {  	_ =	shalt  }
0x43: {  	_ =	shalt  }
0x44: {  	_ =	shalt  }
0x45: {  	_ =	shalt  }
0x46: {  	_ =	shalt  }
0x47: {  	_ =	shalt  }
0x48: {  	_ =	shalt  }
0x49: {  	_ =	shalt  }
0x4a: {  	_ =	shalt  }
0x4b: {  	_ =	shalt  }
0x4c: {  	_ =	shalt  }
0x4d: {  	_ =	shalt  }
0x4e: {  	_ =	shalt  }
0x4f: {  	_ =	shalt  }
0x50: {  	_ =	shalt  }
0x51: {  	_ =	shalt  }
0x52: {  	_ =	shalt  }
0x53: {  	_ =	shalt  }
0x54: {  	_ =	shalt  }
0x55: {  	_ =	shalt  }
0x56: {  	_ =	shalt  }
0x57: {  	_ =	shalt  }
0x58: {  	_ =	shalt  }
0x59: {  	_ =	shalt  }
0x5a: {  	_ =	shalt  }
0x5b: {  	_ =	shalt  }
0x5c: {  	_ =	shalt  }
0x5d: {  	_ =	shalt  }
0x5e: {  	_ =	shalt  }
0x5f: {  	_ =	shalt  }
0x60: {  	_ =	shalt  }
0x61: {  	_ =	shalt  }
0x62: {  	_ =	shalt  }
0x63: {  	_ =	shalt  }
0x64: {  	_ =	shalt  }
0x65: {  	_ =	shalt  }
0x66: {  	_ =	shalt  }
0x67: {  	_ =	shalt  }
0x68: {  	_ =	shalt  }
0x69: {  	_ =	shalt  }
0x6a: {  	_ =	shalt  }
0x6b: {  	_ =	shalt  }
0x6c: {  	_ =	shalt  }
0x6d: {  	_ =	shalt  }
0x6e: {  	_ =	shalt  }
0x6f: {  	_ =	shalt  }
0x70: {  	_ =	shalt  }
0x71: {  	_ =	shalt  }
0x72: {  	_ =	shalt  }
0x73: {  	_ =	shalt  }
0x74: {  	_ =	shalt  }
0x75: {  	_ =	shalt  }
0x76: {  	_ =	shalt  }
0x77: {  	_ =	shalt  }
0x78: {  	_ =	shalt  }
0x79: {  	_ =	shalt  }
0x7a: {  	_ =	shalt  }
0x7b: {  	_ =	shalt  }
0x7c: {  	_ =	shalt  }
0x7d: {  	_ =	shalt  }
0x7e: {  	_ =	shalt  }
0x7f: {  	_ =	shalt  }
0x80: {  	_ =	shalt  }
0x81: {  	_ =	shalt  }
0x82: {  	_ =	shalt  }
0x83: {  	_ =	shalt  }
0x84: {  	_ =	shalt  }
0x85: {  	_ =	shalt  }
0x86: {  	_ =	shalt  }
0x87: {  	_ =	shalt  }
.Lfunc_end0:
.L_simem_size_0:
called_computation.2_lowered:
.L_overlay_start_0:
0x88: {  	s2 =	sld [smem:$0x3FD9]  }
0x89: {  	s3 =	sld [smem:$0x3FFE];
	_ =	sdelay $0x1  }
0x8a: {  	s1 =	srdreg.scid  }
0x8b: {  	s0 =	sand.u32 $0x1, s1  }
0x8c: {  	s17 =	sshll.u32 s0, $0xA;
	s2 =	sadd.s32 s3, s2  }
0x8d: {  	s2 =	sadd.s32 s2, s17  }
0x8e: {  	[smem:$0x3FC6] =	sst s2  }
0x8f: {  	_ = 	snop  }
0x90: {  	s2 =	sld [smem:$0x3FD0];
	(tm) =	ssettm $0x1  }
0x91: {  	s18 =	sld [smem:$0x3FFB];
	_ =	sdelay $0x3  }
0x92: {  	_ =	strace s18  }
0x93: {  	s3 =	sld [smem:$0x3FFC];
	_ =	sdelay $0x3  }
0x94: {  	_ =	strace s3  }
0x95: {  	s3 =	sld [smem:$0x3FFD];
	_ =	sdelay $0x3  }
0x96: {  	_ =	strace s3  }
0x97: {  	_ =	strace $0x8FFFFFFF  }
0x98: {  	s19 =	sld [smem:$0x3FDB];
	_ =	sdelay $0x1  }
0x99: {  	s4 =	simm.s32 $_scs_section_size  }
0x9a: {  	s5 =	simm.s32 $_size__tile_overlayer_lowered;
	s6 =	simm.s32 $_tile_overlayer_lowered  }
0x9b: {  	s22 =	simm.s32 $0x1BFF;
	s21 =	sshll.u32 s6, $0x1;
	s3 =	sadd.s32 s4, s19  }
0x9c: {  	s7 =	simm.s32 $0x0;
	s20 =	sshll.u32 s5, $0x1;
	s5 =	sadd.s32 s21, s3  }
0x9d: {  	[timem:s7], [sflag:s22] =	dma.local [hbm:s5], s20  }
0x9e: {  	_ =	swait.ge [sflag:s22], s20  }
0x9f: {  	s4 =	ssub.s32 $0x0, s20;
	[sflag:s22] =	ssyncset.done $0x0  }
0xa0: {  	[sflag:s22] =	ssyncadd.s32 s4;
	_ =	sdelay $0x1  }
0xa1: {  	s23 =	simm.s32 $0x1B8B  }
0xa2: {  	_ =	swait.ge [sflag:s23], $0x1  }
0xa3: {  	[sflag:s23] =	ssyncset.done $0x0  }
0xa4: {  	s25 =	simm.s32 $0x1B8E;
	s24 =	sld [smem:$0x3FFE];
	[sflag:s23] =	ssyncadd.s32 $0xFFFFFFFF  }
0xa5: {  	s26 =	simm.s32 $execute0_lowered;
	[smem:$0x3FD2] =	sst s25  }
0xa6: {  	s5 =	sshll.u32 s26, $0x1;
	_ =	strace $0x8000004C;
	[dreg:$0x1] =	wrdreg $0xFFFFFFFF  }
0xa7: {  	s28 =	simm.s32 $_size_execute0_lowered;
	s3 =	sadd.s32 s3, s5;
	[dreg:$0x0] =	wrdreg $0x0  }
0xa8: {  	s5 =	sshll.u32 s28, $0x1;
	[dreg:$0x2] =	wrdreg s3  }
0xa9: {  	[dreg:$0x3] =	wrdreg s5  }
0xaa: {  	[dreg:$0x4] =	wrdreg $0xC0  }
0xab: {  	_ =	task [dreg:s7], $0x5FFFF  }
0xac: {  	[dreg:$0x1] =	wrdreg $0xFFFFFFFF  }
0xad: {  	[dreg:$0x0] =	wrdreg $0x60  }
0xae: {  	[dreg:$0x2] =	wrdreg s2  }
0xaf: {  	[dreg:$0x3] =	wrdreg s24  }
0xb0: {  	[dreg:$0x4] =	wrdreg $0x9  }
0xb1: {  	_ =	task.clear_ibuf [dreg:s7], $0x5FFFF;
	_ =	strace $0x9000004C  }
0xb2: {  	s29 =	simm.s32 $0x9;
	_ =	strace $0x8000004E  }
0xb3: {  	_ =	swait.ge [sflag:s29], $0x1  }
0xb4: {  	[sflag:s29] =	ssyncadd.s32 $0xFFFFFFFF  }
0xb5: {  	_ =	strace $0x9000004E  }
0xb6: {  	_ =	sfence  }
0xb7: {  	s30 =	sld [smem:$0x0];
	_ =	sdelay $0x2  }
0xb8: {  	s31 =	sshll.u32 s1, $0xD;
	s1 =	sshrl.u32 s1, $0x2  }
0xb9: {  	s3 =	sand.u32 $0x4000, s31;
	s1 =	sadd.s32 s1, s30  }
0xba: {  	s0 =	sor.u32 s3, s0;
	s1 =	sshll.u32 s1, $0x11  }
0xbb: {  	s0 =	sor.u32 s1, s0  }
0xbc: {  	s0 =	sadd.s32 $0x8F2B, s0  }
0xbd: {  	[sflag:s0] =	ssyncadd.remote.s32 $0x1  }
0xbe: {  	_ =	sfence.sel $0xFFFF  }
0xbf: {  	[dreg:$0x0] =	wrdreg $0xFFFFFFFF;
	(pc) =	sbr.abs _section_cstart, $3  }
0xc0: {  	[dreg:$0x1] =	wrdreg $0xFFFFFFFF  }
0xc1: {  	_ =	task.clear_ibuf [dreg:s7], $0x2FFFF;
	_ =	strace $0x9FFFFFFF  }
0xc2: {  	(tm) =	ssettm $0x7FFFFFFF  }
0xc3: {  	_ =	shalt  }
tec
execute0_lowered:
.L_overlay_start_1:
0x0: {  	(tag) =	ssettag $0x1  }
0x1: {  	s0 =	srdreg.scid  }
0x2: {  	s3 =	stileid.u32;
	s0 =	sand.u32 $0x1, s0  }
0x3: {  	s10 =	rddreg [dreg:$0x0];
	s3 =	sshll.u32 s3, $0xF;
	s4 =	sshll.u32 s0, $0xE  }
0x4: {  	s2 =	rddreg [dreg:$0x1];
	s1 =	simm.s32 $0x0;
	s8 =	sor.u32 s4, s3  }
0x5: {  	s5 =	ssub.s32 $0x2, s0;
	s0 =	sadd.s32 $0xC00, s2;
	s4 =	sor.u32 $0x800, s8  }
0x6: {  	[smem:$0x7FF] =	sst s1;
	s11 =	sor.u32 $0x80000, s8;
	s9 =	sadd.s32 s0, s4  }
0x7: {  	s12 =	sor.u32 $0x100000, s8;
	s6 =	sadd.s32 s10, s11;
	[dreg:$0x3] =	wrdreg s9  }
0x8: {  	s15 =	sor.u32 $0x180000, s8;
	s16 =	sadd.s32 s10, s12;
	[dreg:$0x4] =	wrdreg s6  }
0x9: {  	s13 =	sadd.s32 $0x100C00, s2;
	s17 =	sadd.s32 s10, s15;
	[dreg:$0x5] =	wrdreg s16  }
0xa: {  	s2 =	sadd.s32 s13, s11;
	[dreg:$0x6] =	wrdreg s17  }
0xb: {  	s7 =	sshrl.u32 s5, $0x1;
	s18 =	sadd.s32 s10, s4;
	[dreg:$0x7] =	wrdreg s2  }
0xc: {  	s19 =	sor.u32 $0x80800, s8;
	s3 =	sadd.s32 s13, s12;
	[dreg:$0x8] =	wrdreg s18  }
0xd: {  	s14 =	ssub.s32 s5, s7;
	s20 =	sadd.s32 s10, s19;
	[dreg:$0x9] =	wrdreg s3  }
0xe: {  	s21 =	sor.u32 $0x100800, s8;
	s5 =	sadd.s32 s13, s15;
	[dreg:$0xa] =	wrdreg s20  }
0xf: {  	s23 =	sor.u32 $0x1000, s8;
	s22 =	sadd.s32 s10, s21;
	[dreg:$0xb] =	wrdreg s5  }
0x10: {  	s24 =	sadd.s32 s0, s23;
	[dreg:$0xc] =	wrdreg s22  }
0x11: {  	s25 =	sor.u32 $0x180800, s8;
	s4 =	sadd.s32 s13, s4;
	[dreg:$0xd] =	wrdreg s24  }
0x12: {  	s26 =	sadd.s32 s10, s25;
	[dreg:$0xe] =	wrdreg s4  }
0x13: {  	s7 =	sadd.s32 s13, s21;
	[dreg:$0xf] =	wrdreg s26  }
0x14: {  	s11 =	sadd.s32 s13, s25;
	[dreg:$0x12] =	wrdreg s7  }
0x15: {  	s12 =	sadd.s32 s13, s23;
	[dreg:$0x13] =	wrdreg s11  }
0x16: {  	s2 =	sadd.s32 s13, s19;
	[dreg:$0x14] =	wrdreg s12  }
0x17: {  	s25 =	sor.u32 $0x101800, s8;
	s6 =	sadd.s32 s10, s23;
	[dreg:$0x10] =	wrdreg s2  }
0x18: {  	s4 =	sadd.s32 s10, s25;
	[dreg:$0x11] =	wrdreg s6  }
0x19: {  	s9 =	sor.u32 $0x81000, s8;
	s5 =	sadd.s32 s13, s25;
	[smem:$0x7DD] =	sst s4  }
0x1a: {  	s15 =	sadd.s32 s10, s9;
	[smem:$0x7DE] =	sst s5  }
0x1b: {  	s16 =	sor.u32 $0x101000, s8;
	s2 =	sadd.s32 s13, s9;
	[dreg:$0x15] =	wrdreg s15  }
0x1c: {  	s28 =	simm.s32 $0x7;
	s17 =	sadd.s32 s10, s16;
	[dreg:$0x16] =	wrdreg s2  }
0x1d: {  	s18 =	sor.u32 $0x181000, s8;
	s3 =	sadd.s32 s13, s16;
	[dreg:$0x17] =	wrdreg s17  }
0x1e: {  	s19 =	sor.u32 $0x1800, s8;
	s20 =	sadd.s32 s10, s18;
	[dreg:$0x18] =	wrdreg s3  }
0x1f: {  	s29 =	simm.s32 $0xA;
	s21 =	sadd.s32 s0, s19;
	[dreg:$0x19] =	wrdreg s20  }
0x20: {  	s30 =	simm.s32 $0x8;
	s22 =	sadd.s32 s10, s19;
	[dreg:$0x1b] =	wrdreg s21  }
0x21: {  	s24 =	sor.u32 $0x81800, s8;
	s23 =	sadd.s32 s13, s19;
	[dreg:$0x1c] =	wrdreg s22  }
0x22: {  	s7 =	sor.u32 $0x181800, s8;
	s26 =	sadd.s32 s10, s24;
	[dreg:$0x1d] =	wrdreg s23  }
0x23: {  	s31 =	simm.s32 $0x0;
	s9 =	sadd.s32 s10, s7;
	[dreg:$0x1e] =	wrdreg s26  }
0x24: {  	s14 =	smax.u32 s14, $0x1;
	s2 =	sadd.s32 s13, s18;
	[smem:$0x7DF] =	sst s9  }
0x25: {  	s6 =	sor.u32 $0x2000, s8;
	s3 =	sadd.s32 s13, s7;
	[dreg:$0x1a] =	wrdreg s2  }
0x26: {  	s19 =	sor.u32 $0x182000, s8;
	s11 =	sadd.s32 s0, s6;
	[smem:$0x7E0] =	sst s3  }
0x27: {  	s5 =	sor.u32 $0x182800, s8;
	s12 =	sadd.s32 s10, s6;
	[smem:$0x7E1] =	sst s11  }
0x28: {  	s15 =	sor.u32 $0x82000, s8;
	s20 =	sadd.s32 s10, s19;
	[smem:$0x7E2] =	sst s12  }
0x29: {  	s17 =	sor.u32 $0x102000, s8;
	s7 =	sadd.s32 s13, s5;
	[smem:$0x7E8] =	sst s20  }
0x2a: {  	s21 =	sor.u32 $0x2800, s8;
	s9 =	sadd.s32 s0, s8;
	[smem:$0x7F2] =	sst s7  }
0x2b: {  	s26 =	sor.u32 $0x102800, s8;
	s2 =	sadd.s32 s13, s24;
	[smem:$0x7F3] =	sst s9  }
0x2c: {  	s16 =	sadd.s32 s10, s15;
	s18 =	sadd.s32 s10, s17;
	[dreg:$0x1f] =	wrdreg s2  }
0x2d: {  	s22 =	sadd.s32 s0, s21;
	s23 =	sadd.s32 s10, s21;
	[smem:$0x7E4] =	sst s16  }
0x2e: {  	s24 =	sor.u32 $0x82800, s8;
	s4 =	sadd.s32 s10, s26;
	[smem:$0x7E6] =	sst s18  }
0x2f: {  	s11 =	sor.u32 $0x3000, s8;
	s12 =	sor.u32 $0x3800, s8;
	[smem:$0x7EA] =	sst s22  }
0x30: {  	s20 =	sor.u32 $0x183000, s8;
	s7 =	sadd.s32 s13, s8;
	[smem:$0x7EB] =	sst s23  }
0x31: {  	s2 =	sadd.s32 s13, s6;
	s25 =	sadd.s32 s10, s24;
	[smem:$0x7EF] =	sst s4  }
0x32: {  	s3 =	sadd.s32 s13, s24;
	s6 =	sadd.s32 s10, s5;
	[smem:$0x7E3] =	sst s2  }
0x33: {  	s16 =	sor.u32 $0x83000, s8;
	s22 =	sadd.s32 s10, s20;
	[smem:$0x7ED] =	sst s25  }
0x34: {  	s23 =	sadd.s32 s13, s20;
	s4 =	sadd.s32 s10, s12;
	[smem:$0x7EE] =	sst s3  }
0x35: {  	s5 =	sadd.s32 s13, s12;
	s24 =	sor.u32 $0x83800, s8;
	[smem:$0x7F1] =	sst s6  }
0x36: {  	s20 =	simm.s32 $0x9;
	s2 =	sadd.s32 s13, s15;
	[smem:$0x7FC] =	sst s22  }
0x37: {  	s15 =	sadd.s32 s0, s11;
	s0 =	sadd.s32 s0, s12;
	[smem:$0x7FD] =	sst s23  }
0x38: {  	s18 =	sadd.s32 s10, s16;
	s6 =	sadd.s32 s10, s8;
	[smem:$0x7E5] =	sst s2  }
0x39: {  	s25 =	sor.u32 $0x103800, s8;
	s22 =	simm.s32 $0x2;
	[smem:$0x7F4] =	sst s15  }
0x3a: {  	s23 =	simm.s32 $0x5;
	s2 =	sadd.s32 s13, s17;
	[smem:$0x7F5] =	sst s0  }
0x3b: {  	s17 =	sadd.s32 s10, s11;
	[smem:$0x7F8] =	sst s18;
	s0 =	sadd.s32 s13, s16  }
0x3c: {  	s9 =	sadd.s32 s10, s25;
	s12 =	sadd.s32 s13, s25;
	[smem:$0x7E7] =	sst s2  }
0x3d: {  	s15 =	simm.s32 $0x10000;
	s16 =	simm.s32 $0x14000;
	[smem:$0x7F6] =	sst s17  }
0x3e: {  	s18 =	simm.s32 $0x8000;
	s2 =	sadd.s32 s13, s19;
	[smem:$0x7F9] =	sst s0  }
0x3f: {  	s19 =	sor.u32 $0x103000, s8;
	[smem:$0x7E9] =	sst s2;
	s2 =	sadd.s32 s13, s21  }
0x40: {  	s25 =	simm.s32 $0x6;
	s21 =	sadd.s32 s10, s19;
	[smem:$0x7EC] =	sst s2  }
0x41: {  	s17 =	simm.s32 $0x4000;
	s0 =	sadd.s32 s13, s19;
	[smem:$0x7FA] =	sst s21  }
0x42: {  	s19 =	simm.s32 $0x1;
	s2 =	sadd.s32 s13, s26;
	[smem:$0x7FB] =	sst s0  }
0x43: {  	s26 =	sor.u32 $0x183800, s8;
	s8 =	sadd.s32 s10, s24;
	s21 =	simm.s32 $0xC000  }
0x44: {  	[smem:$0x7F0] =	sst s2;
	s2 =	sadd.s32 s13, s11;
	s10 =	sadd.s32 s10, s26  }
0x45: {  	s11 =	sadd.s32 s13, s24;
	s13 =	sadd.s32 s13, s26;
	[smem:$0x7F7] =	sst s2  }
0x46: {  	s24 =	simm.s32 $0x3;
	s26 =	simm.s32 $0x4;
	_ =	strace $0x8000004D  }
.LBB2_1:
0x47: {  	s0 =	sld [smem:$0x7F3];
	_ =	sdelay $0x2  }
0x48: {  	[tilespmem:s15], [sflag:$0x9] =	stream.linear.gather [hbm4b:s0+s1], $0x4000, $0x38;
	[tilespmem:$0x18000] =	vst v63  }
0x49: {  	s3 =	rddreg [dreg:$0x3]  }
0x4a: {  	[tilespmem:s16], [sflag:$0xA] =	stream.linear.gather [hbm4b:s3+s1], $0x4000, $0x38;
	[tilespmem:$0x18000] =	vst v63  }
0x4b: {  	_ = 	snop  }
0x4c: {  	[tilespmem:s1], [sflag:$0x1] =	stream.linear.gather [hbm4b:s6+s1], $0x4000, $0x38;
	[tilespmem:$0x18000] =	vst v63  }
0x4d: {  	s2 =	rddreg [dreg:$0x4]  }
0x4e: {  	[tilespmem:s17], [sflag:$0x2] =	stream.linear.gather [hbm4b:s2+s1], $0x4000, $0x38;
	[tilespmem:$0x18000] =	vst v63  }
0x4f: {  	s3 =	rddreg [dreg:$0x5]  }
0x50: {  	[tilespmem:s18], [sflag:$0x3] =	stream.linear.gather [hbm4b:s3+s1], $0x4000, $0x38;
	[tilespmem:$0x18000] =	vst v63  }
0x51: {  	_ =	swait.ge [sflag:s19], $0x4000  }
0x52: {  	[sflag:s19] =	ssyncset.done $0x0  }
0x53: {  	[sflag:s19] =	ssyncadd.s32 $0xFFFFC000  }
0x54: {  	_ =	swait.ge [sflag:s20], $0x4000  }
0x55: {  	[sflag:s20] =	ssyncset.done $0x0  }
0x56: {  	s0 =	simm.s32 $0x0;
	[sflag:s20] =	ssyncadd.s32 $0xFFFFC000  }
0x57: {  	v0 =	vld [tilespmem:s0+$0x10070]  }
0x58: {  	v1 =	vld [tilespmem:s0+$0x10000]  }
0x59: {  	v2 =	vld [tilespmem:s0+$0x10010]  }
0x5a: {  	v3 =	vld [tilespmem:s0+$0x10020]  }
0x5b: {  	v4 =	vld [tilespmem:s0+$0x10030]  }
0x5c: {  	v5 =	vld [tilespmem:s0+$0x10040]  }
0x5d: {  	v6 =	vld [tilespmem:s0+$0x10050]  }
0x5e: {  	[tilespmem:s0+$0x70] =	vst.add.f32.msk $0xffff, v0  }
0x5f: {  	v0 =	vld [tilespmem:s0+$0x10060]  }
0x60: {  	[tilespmem:s0+$0x0] =	vst.add.f32.msk $0xffff, v1  }
0x61: {  	[tilespmem:s0+$0x10] =	vst.add.f32.msk $0xffff, v2  }
0x62: {  	[tilespmem:s0+$0x20] =	vst.add.f32.msk $0xffff, v3  }
0x63: {  	[tilespmem:s0+$0x30] =	vst.add.f32.msk $0xffff, v4  }
0x64: {  	[tilespmem:s0+$0x40] =	vst.add.f32.msk $0xffff, v5  }
0x65: {  	s2 =	simm.s32 $0x0;
	s3 =	simm.s32 $0x200;
	[tilespmem:s0+$0x50] =	vst.add.f32.msk $0xffff, v6  }
.LBB2_2:
0x66: {  	s2 =	sadd.s32 $0x80, s2;
	[tilespmem:s0+$0x60] =	vst.add.f32.msk $0xffff, v0;
	s0 =	sshra.s32 s3, $0x2  }
0x67: {  	v0 =	vld [tilespmem:s0+$0x10070];
	p0 =	slt.u32 s2, $0x3F80  }
0x68: {  	v1 =	vld [tilespmem:s0+$0x10000]  }
0x69: {  	v2 =	vld [tilespmem:s0+$0x10010]  }
0x6a: {  	v3 =	vld [tilespmem:s0+$0x10020]  }
0x6b: {  	v4 =	vld [tilespmem:s0+$0x10030]  }
0x6c: {  	[tilespmem:s0+$0x70] =	vst.add.f32.msk $0xffff, v0  }
0x6d: {  	v5 =	vld [tilespmem:s0+$0x10040]  }
0x6e: {  	v6 =	vld [tilespmem:s0+$0x10050]  }
0x6f: {  	v0 =	vld [tilespmem:s0+$0x10060]  }
0x70: {  	[tilespmem:s0+$0x0] =	vst.add.f32.msk $0xffff, v1  }
.Ltmp0:
0x71: {  	[tilespmem:s0+$0x10] =	vst.add.f32.msk $0xffff, v2;
	(pc) =	sbr.rel @p0 .LBB2_2-.Ltmp0, $4  }
0x72: {  	[tilespmem:s0+$0x20] =	vst.add.f32.msk $0xffff, v3  }
0x73: {  	[tilespmem:s0+$0x30] =	vst.add.f32.msk $0xffff, v4  }
0x74: {  	[tilespmem:s0+$0x40] =	vst.add.f32.msk $0xffff, v5  }
0x75: {  	s3 =	sadd.s32 $0x200, s3;
	[tilespmem:s0+$0x50] =	vst.add.f32.msk $0xffff, v6  }
0x76: {  	[tilespmem:s0+$0x60] =	vst.add.f32.msk $0xffff, v0;
	s3 =	simm.s32 $0x0  }
0x77: {  	[hbm4b:s7+s3] =	stream.linear.scatter [tilespmem:s3], [sflag:$0x5], $0x4000, $0x38;
	[tilespmem:$0x18000] =	vst v63  }
0x78: {  	s2 =	rddreg [dreg:$0x6]  }
0x79: {  	[tilespmem:s21], [sflag:$0x4] =	stream.linear.gather [hbm4b:s2+s3], $0x4000, $0x38;
	[tilespmem:$0x18000] =	vst v63  }
0x7a: {  	_ =	swait.ge [sflag:s22], $0x4000  }
0x7b: {  	[sflag:s22] =	ssyncset.done $0x0  }
0x7c: {  	s0 =	simm.s32 $0x0;
	[sflag:s22] =	ssyncadd.s32 $0xFFFFC000  }
0x7d: {  	v0 =	vld [tilespmem:s0+$0x10070]  }
0x7e: {  	v1 =	vld [tilespmem:s0+$0x10000]  }
0x7f: {  	v2 =	vld [tilespmem:s0+$0x10010]  }
0x80: {  	v3 =	vld [tilespmem:s0+$0x10020]  }
0x81: {  	v4 =	vld [tilespmem:s0+$0x10030]  }
0x82: {  	v5 =	vld [tilespmem:s0+$0x10040]  }
0x83: {  	v6 =	vld [tilespmem:s0+$0x10050]  }
0x84: {  	[tilespmem:s0+$0x4070] =	vst.add.f32.msk $0xffff, v0  }
0x85: {  	v0 =	vld [tilespmem:s0+$0x10060]  }
0x86: {  	[tilespmem:s0+$0x4000] =	vst.add.f32.msk $0xffff, v1  }
0x87: {  	[tilespmem:s0+$0x4010] =	vst.add.f32.msk $0xffff, v2  }
0x88: {  	[tilespmem:s0+$0x4020] =	vst.add.f32.msk $0xffff, v3  }
0x89: {  	[tilespmem:s0+$0x4030] =	vst.add.f32.msk $0xffff, v4  }
0x8a: {  	[tilespmem:s0+$0x4040] =	vst.add.f32.msk $0xffff, v5  }
0x8b: {  	s2 =	simm.s32 $0x0;
	s3 =	simm.s32 $0x200;
	[tilespmem:s0+$0x4050] =	vst.add.f32.msk $0xffff, v6  }
.LBB2_4:
0x8c: {  	s2 =	sadd.s32 $0x80, s2;
	[tilespmem:s0+$0x4060] =	vst.add.f32.msk $0xffff, v0;
	s0 =	sshra.s32 s3, $0x2  }
0x8d: {  	v0 =	vld [tilespmem:s0+$0x10070];
	p0 =	slt.u32 s2, $0x3F80  }
0x8e: {  	v1 =	vld [tilespmem:s0+$0x10000]  }
0x8f: {  	v2 =	vld [tilespmem:s0+$0x10010]  }
0x90: {  	v3 =	vld [tilespmem:s0+$0x10020]  }
0x91: {  	v4 =	vld [tilespmem:s0+$0x10030]  }
0x92: {  	[tilespmem:s0+$0x4070] =	vst.add.f32.msk $0xffff, v0  }
0x93: {  	v5 =	vld [tilespmem:s0+$0x10040]  }
0x94: {  	v6 =	vld [tilespmem:s0+$0x10050]  }
0x95: {  	v0 =	vld [tilespmem:s0+$0x10060]  }
0x96: {  	[tilespmem:s0+$0x4000] =	vst.add.f32.msk $0xffff, v1  }
.Ltmp1:
0x97: {  	[tilespmem:s0+$0x4010] =	vst.add.f32.msk $0xffff, v2;
	(pc) =	sbr.rel @p0 .LBB2_4-.Ltmp1, $4  }
0x98: {  	[tilespmem:s0+$0x4020] =	vst.add.f32.msk $0xffff, v3  }
0x99: {  	[tilespmem:s0+$0x4030] =	vst.add.f32.msk $0xffff, v4  }
0x9a: {  	[tilespmem:s0+$0x4040] =	vst.add.f32.msk $0xffff, v5  }
0x9b: {  	s3 =	sadd.s32 $0x200, s3;
	[tilespmem:s0+$0x4050] =	vst.add.f32.msk $0xffff, v6  }
0x9c: {  	[tilespmem:s0+$0x4060] =	vst.add.f32.msk $0xffff, v0  }
0x9d: {  	s0 =	simm.s32 $0x0;
	s2 =	rddreg [dreg:$0x7]  }
0x9e: {  	[hbm4b:s2+s0] =	stream.linear.scatter [tilespmem:s17], [sflag:$0x6], $0x4000, $0x38;
	[tilespmem:$0x18000] =	vst v63  }
0x9f: {  	_ =	swait.ge [sflag:s23], $0x4000  }
0xa0: {  	[sflag:s23] =	ssyncset.done $0x0  }
0xa1: {  	s3 =	rddreg [dreg:$0x8];
	[sflag:s23] =	ssyncadd.s32 $0xFFFFC000  }
0xa2: {  	[tilespmem:s0], [sflag:$0x1] =	stream.linear.gather [hbm4b:s3+s0], $0x4000, $0x38;
	[tilespmem:$0x18000] =	vst v63  }
0xa3: {  	_ =	swait.ge [sflag:s24], $0x4000  }
0xa4: {  	[sflag:s24] =	ssyncset.done $0x0  }
0xa5: {  	s0 =	simm.s32 $0x0;
	[sflag:s24] =	ssyncadd.s32 $0xFFFFC000  }
0xa6: {  	v0 =	vld [tilespmem:s0+$0x10070]  }
0xa7: {  	v1 =	vld [tilespmem:s0+$0x10000]  }
0xa8: {  	v2 =	vld [tilespmem:s0+$0x10010]  }
0xa9: {  	v3 =	vld [tilespmem:s0+$0x10020]  }
0xaa: {  	v4 =	vld [tilespmem:s0+$0x10030]  }
0xab: {  	v5 =	vld [tilespmem:s0+$0x10040]  }
0xac: {  	v6 =	vld [tilespmem:s0+$0x10050]  }
0xad: {  	[tilespmem:s0+$0x8070] =	vst.add.f32.msk $0xffff, v0  }
0xae: {  	v0 =	vld [tilespmem:s0+$0x10060]  }
0xaf: {  	[tilespmem:s0+$0x8000] =	vst.add.f32.msk $0xffff, v1  }
0xb0: {  	[tilespmem:s0+$0x8010] =	vst.add.f32.msk $0xffff, v2  }
0xb1: {  	[tilespmem:s0+$0x8020] =	vst.add.f32.msk $0xffff, v3  }
0xb2: {  	[tilespmem:s0+$0x8030] =	vst.add.f32.msk $0xffff, v4  }
0xb3: {  	[tilespmem:s0+$0x8040] =	vst.add.f32.msk $0xffff, v5  }
0xb4: {  	s2 =	simm.s32 $0x0;
	s3 =	simm.s32 $0x200;
	[tilespmem:s0+$0x8050] =	vst.add.f32.msk $0xffff, v6  }
.LBB2_6:
0xb5: {  	s2 =	sadd.s32 $0x80, s2;
	[tilespmem:s0+$0x8060] =	vst.add.f32.msk $0xffff, v0;
	s0 =	sshra.s32 s3, $0x2  }
0xb6: {  	v0 =	vld [tilespmem:s0+$0x10070];
	p0 =	slt.u32 s2, $0x3F80  }
0xb7: {  	v1 =	vld [tilespmem:s0+$0x10000]  }
0xb8: {  	v2 =	vld [tilespmem:s0+$0x10010]  }
0xb9: {  	v3 =	vld [tilespmem:s0+$0x10020]  }
0xba: {  	v4 =	vld [tilespmem:s0+$0x10030]  }
0xbb: {  	[tilespmem:s0+$0x8070] =	vst.add.f32.msk $0xffff, v0  }
0xbc: {  	v5 =	vld [tilespmem:s0+$0x10040]  }
0xbd: {  	v6 =	vld [tilespmem:s0+$0x10050]  }
0xbe: {  	v0 =	vld [tilespmem:s0+$0x10060]  }
0xbf: {  	[tilespmem:s0+$0x8000] =	vst.add.f32.msk $0xffff, v1  }
.Ltmp2:
0xc0: {  	[tilespmem:s0+$0x8010] =	vst.add.f32.msk $0xffff, v2;
	(pc) =	sbr.rel @p0 .LBB2_6-.Ltmp2, $4  }
0xc1: {  	[tilespmem:s0+$0x8020] =	vst.add.f32.msk $0xffff, v3  }
0xc2: {  	[tilespmem:s0+$0x8030] =	vst.add.f32.msk $0xffff, v4  }
0xc3: {  	[tilespmem:s0+$0x8040] =	vst.add.f32.msk $0xffff, v5  }
0xc4: {  	s3 =	sadd.s32 $0x200, s3;
	[tilespmem:s0+$0x8050] =	vst.add.f32.msk $0xffff, v6  }
0xc5: {  	[tilespmem:s0+$0x8060] =	vst.add.f32.msk $0xffff, v0  }
0xc6: {  	s0 =	simm.s32 $0x0;
	s2 =	rddreg [dreg:$0x9]  }
0xc7: {  	[hbm4b:s2+s0] =	stream.linear.scatter [tilespmem:s18], [sflag:$0x7], $0x4000, $0x38;
	[tilespmem:$0x18000] =	vst v63  }
0xc8: {  	_ =	swait.ge [sflag:s25], $0x4000  }
0xc9: {  	[sflag:s25] =	ssyncset.done $0x0  }
0xca: {  	s3 =	rddreg [dreg:$0xa];
	[sflag:s25] =	ssyncadd.s32 $0xFFFFC000  }
0xcb: {  	[tilespmem:s17], [sflag:$0x2] =	stream.linear.gather [hbm4b:s3+s0], $0x4000, $0x38;
	[tilespmem:$0x18000] =	vst v63  }
0xcc: {  	_ =	swait.ge [sflag:s26], $0x4000  }
0xcd: {  	[sflag:s26] =	ssyncset.done $0x0  }
0xce: {  	s0 =	simm.s32 $0x0;
	[sflag:s26] =	ssyncadd.s32 $0xFFFFC000  }
0xcf: {  	v0 =	vld [tilespmem:s0+$0x10070]  }
0xd0: {  	v1 =	vld [tilespmem:s0+$0x10000]  }
0xd1: {  	v2 =	vld [tilespmem:s0+$0x10010]  }
0xd2: {  	v3 =	vld [tilespmem:s0+$0x10020]  }
0xd3: {  	v4 =	vld [tilespmem:s0+$0x10030]  }
0xd4: {  	v5 =	vld [tilespmem:s0+$0x10040]  }
0xd5: {  	v6 =	vld [tilespmem:s0+$0x10050]  }
0xd6: {  	[tilespmem:s0+$0xC070] =	vst.add.f32.msk $0xffff, v0  }
0xd7: {  	v0 =	vld [tilespmem:s0+$0x10060]  }
0xd8: {  	[tilespmem:s0+$0xC000] =	vst.add.f32.msk $0xffff, v1  }
0xd9: {  	[tilespmem:s0+$0xC010] =	vst.add.f32.msk $0xffff, v2  }
0xda: {  	[tilespmem:s0+$0xC020] =	vst.add.f32.msk $0xffff, v3  }
0xdb: {  	[tilespmem:s0+$0xC030] =	vst.add.f32.msk $0xffff, v4  }
0xdc: {  	[tilespmem:s0+$0xC040] =	vst.add.f32.msk $0xffff, v5  }
0xdd: {  	s2 =	simm.s32 $0x0;
	s3 =	simm.s32 $0x200;
	[tilespmem:s0+$0xC050] =	vst.add.f32.msk $0xffff, v6  }
.LBB2_8:
0xde: {  	s2 =	sadd.s32 $0x80, s2;
	[tilespmem:s0+$0xC060] =	vst.add.f32.msk $0xffff, v0;
	s0 =	sshra.s32 s3, $0x2  }
0xdf: {  	v0 =	vld [tilespmem:s0+$0x10070];
	p0 =	slt.u32 s2, $0x3F80  }
0xe0: {  	v1 =	vld [tilespmem:s0+$0x10000]  }
0xe1: {  	v2 =	vld [tilespmem:s0+$0x10010]  }
0xe2: {  	v3 =	vld [tilespmem:s0+$0x10020]  }
0xe3: {  	v4 =	vld [tilespmem:s0+$0x10030]  }
0xe4: {  	[tilespmem:s0+$0xC070] =	vst.add.f32.msk $0xffff, v0  }
0xe5: {  	v5 =	vld [tilespmem:s0+$0x10040]  }
0xe6: {  	v6 =	vld [tilespmem:s0+$0x10050]  }
0xe7: {  	v0 =	vld [tilespmem:s0+$0x10060]  }
0xe8: {  	[tilespmem:s0+$0xC000] =	vst.add.f32.msk $0xffff, v1  }
.Ltmp3:
0xe9: {  	[tilespmem:s0+$0xC010] =	vst.add.f32.msk $0xffff, v2;
	(pc) =	sbr.rel @p0 .LBB2_8-.Ltmp3, $4  }
0xea: {  	[tilespmem:s0+$0xC020] =	vst.add.f32.msk $0xffff, v3  }
0xeb: {  	[tilespmem:s0+$0xC030] =	vst.add.f32.msk $0xffff, v4  }
0xec: {  	[tilespmem:s0+$0xC040] =	vst.add.f32.msk $0xffff, v5  }
0xed: {  	s3 =	sadd.s32 $0x200, s3;
	[tilespmem:s0+$0xC050] =	vst.add.f32.msk $0xffff, v6  }
0xee: {  	[tilespmem:s0+$0xC060] =	vst.add.f32.msk $0xffff, v0  }
0xef: {  	s0 =	simm.s32 $0x0;
	s2 =	rddreg [dreg:$0xb]  }
0xf0: {  	[hbm4b:s2+s0] =	stream.linear.scatter [tilespmem:s21], [sflag:$0x8], $0x4000, $0x38;
	[tilespmem:$0x18000] =	vst v63  }
0xf1: {  	_ =	swait.ge [sflag:s28], $0x4000  }
0xf2: {  	[sflag:s28] =	ssyncset.done $0x0  }
0xf3: {  	s3 =	rddreg [dreg:$0xc];
	[sflag:s28] =	ssyncadd.s32 $0xFFFFC000  }
0xf4: {  	[tilespmem:s18], [sflag:$0x3] =	stream.linear.gather [hbm4b:s3+s0], $0x4000, $0x38;
	[tilespmem:$0x18000] =	vst v63  }
0xf5: {  	s3 =	rddreg [dreg:$0xd]  }
0xf6: {  	[tilespmem:s15], [sflag:$0x9] =	stream.linear.gather [hbm4b:s3+s0], $0x4000, $0x38;
	[tilespmem:$0x18000] =	vst v63  }
0xf7: {  	_ =	swait.ge [sflag:s19], $0x4000  }
0xf8: {  	[sflag:s19] =	ssyncset.done $0x0  }
0xf9: {  	[sflag:s19] =	ssyncadd.s32 $0xFFFFC000  }
0xfa: {  	_ =	swait.ge [sflag:s29], $0x4000  }
0xfb: {  	[sflag:s29] =	ssyncset.done $0x0  }
0xfc: {  	s0 =	simm.s32 $0x0;
	[sflag:s29] =	ssyncadd.s32 $0xFFFFC000  }
0xfd: {  	v0 =	vld [tilespmem:s0+$0x14070]  }
0xfe: {  	v1 =	vld [tilespmem:s0+$0x14000]  }
0xff: {  	v2 =	vld [tilespmem:s0+$0x14010]  }
0x100: {  	v3 =	vld [tilespmem:s0+$0x14020]  }
0x101: {  	v4 =	vld [tilespmem:s0+$0x14030]  }
0x102: {  	v5 =	vld [tilespmem:s0+$0x14040]  }
0x103: {  	v6 =	vld [tilespmem:s0+$0x14050]  }
0x104: {  	[tilespmem:s0+$0x70] =	vst.add.f32.msk $0xffff, v0  }
0x105: {  	v0 =	vld [tilespmem:s0+$0x14060]  }
0x106: {  	[tilespmem:s0+$0x0] =	vst.add.f32.msk $0xffff, v1  }
0x107: {  	[tilespmem:s0+$0x10] =	vst.add.f32.msk $0xffff, v2  }
0x108: {  	[tilespmem:s0+$0x20] =	vst.add.f32.msk $0xffff, v3  }
0x109: {  	[tilespmem:s0+$0x30] =	vst.add.f32.msk $0xffff, v4  }
0x10a: {  	[tilespmem:s0+$0x40] =	vst.add.f32.msk $0xffff, v5  }
0x10b: {  	s2 =	simm.s32 $0x0;
	s3 =	simm.s32 $0x200;
	[tilespmem:s0+$0x50] =	vst.add.f32.msk $0xffff, v6  }
.LBB2_10:
0x10c: {  	s2 =	sadd.s32 $0x80, s2;
	[tilespmem:s0+$0x60] =	vst.add.f32.msk $0xffff, v0;
	s0 =	sshra.s32 s3, $0x2  }
0x10d: {  	v0 =	vld [tilespmem:s0+$0x14070];
	p0 =	slt.u32 s2, $0x3F80  }
0x10e: {  	v1 =	vld [tilespmem:s0+$0x14000]  }
0x10f: {  	v2 =	vld [tilespmem:s0+$0x14010]  }
0x110: {  	v3 =	vld [tilespmem:s0+$0x14020]  }
0x111: {  	v4 =	vld [tilespmem:s0+$0x14030]  }
0x112: {  	[tilespmem:s0+$0x70] =	vst.add.f32.msk $0xffff, v0  }
0x113: {  	v5 =	vld [tilespmem:s0+$0x14040]  }
0x114: {  	v6 =	vld [tilespmem:s0+$0x14050]  }
0x115: {  	v0 =	vld [tilespmem:s0+$0x14060]  }
0x116: {  	[tilespmem:s0+$0x0] =	vst.add.f32.msk $0xffff, v1  }
.Ltmp4:
0x117: {  	[tilespmem:s0+$0x10] =	vst.add.f32.msk $0xffff, v2;
	(pc) =	sbr.rel @p0 .LBB2_10-.Ltmp4, $4  }
0x118: {  	[tilespmem:s0+$0x20] =	vst.add.f32.msk $0xffff, v3  }
0x119: {  	[tilespmem:s0+$0x30] =	vst.add.f32.msk $0xffff, v4  }
0x11a: {  	[tilespmem:s0+$0x40] =	vst.add.f32.msk $0xffff, v5  }
0x11b: {  	s3 =	sadd.s32 $0x200, s3;
	[tilespmem:s0+$0x50] =	vst.add.f32.msk $0xffff, v6  }
0x11c: {  	[tilespmem:s0+$0x60] =	vst.add.f32.msk $0xffff, v0  }
0x11d: {  	s0 =	simm.s32 $0x0;
	s2 =	rddreg [dreg:$0xe]  }
0x11e: {  	[hbm4b:s2+s0] =	stream.linear.scatter [tilespmem:s0], [sflag:$0x5], $0x4000, $0x38;
	[tilespmem:$0x18000] =	vst v63  }
0x11f: {  	_ =	swait.ge [sflag:s30], $0x4000  }
0x120: {  	[sflag:s30] =	ssyncset.done $0x0  }
0x121: {  	s3 =	rddreg [dreg:$0xf];
	[sflag:s30] =	ssyncadd.s32 $0xFFFFC000  }
0x122: {  	[tilespmem:s21], [sflag:$0x4] =	stream.linear.gather [hbm4b:s3+s0], $0x4000, $0x38;
	[tilespmem:$0x18000] =	vst v63  }
0x123: {  	_ =	swait.ge [sflag:s22], $0x4000  }
0x124: {  	[sflag:s22] =	ssyncset.done $0x0  }
0x125: {  	s0 =	simm.s32 $0x0;
	[sflag:s22] =	ssyncadd.s32 $0xFFFFC000  }
0x126: {  	v0 =	vld [tilespmem:s0+$0x14070]  }
0x127: {  	v1 =	vld [tilespmem:s0+$0x14000]  }
0x128: {  	v2 =	vld [tilespmem:s0+$0x14010]  }
0x129: {  	v3 =	vld [tilespmem:s0+$0x14020]  }
0x12a: {  	v4 =	vld [tilespmem:s0+$0x14030]  }
0x12b: {  	v5 =	vld [tilespmem:s0+$0x14040]  }
0x12c: {  	v6 =	vld [tilespmem:s0+$0x14050]  }
0x12d: {  	[tilespmem:s0+$0x4070] =	vst.add.f32.msk $0xffff, v0  }
0x12e: {  	v0 =	vld [tilespmem:s0+$0x14060]  }
0x12f: {  	[tilespmem:s0+$0x4000] =	vst.add.f32.msk $0xffff, v1  }
0x130: {  	[tilespmem:s0+$0x4010] =	vst.add.f32.msk $0xffff, v2  }
0x131: {  	[tilespmem:s0+$0x4020] =	vst.add.f32.msk $0xffff, v3  }
0x132: {  	[tilespmem:s0+$0x4030] =	vst.add.f32.msk $0xffff, v4  }
0x133: {  	[tilespmem:s0+$0x4040] =	vst.add.f32.msk $0xffff, v5  }
0x134: {  	s2 =	simm.s32 $0x0;
	s3 =	simm.s32 $0x200;
	[tilespmem:s0+$0x4050] =	vst.add.f32.msk $0xffff, v6  }
.LBB2_12:
0x135: {  	s2 =	sadd.s32 $0x80, s2;
	[tilespmem:s0+$0x4060] =	vst.add.f32.msk $0xffff, v0;
	s0 =	sshra.s32 s3, $0x2  }
0x136: {  	v0 =	vld [tilespmem:s0+$0x14070];
	p0 =	slt.u32 s2, $0x3F80  }
0x137: {  	v1 =	vld [tilespmem:s0+$0x14000]  }
0x138: {  	v2 =	vld [tilespmem:s0+$0x14010]  }
0x139: {  	v3 =	vld [tilespmem:s0+$0x14020]  }
0x13a: {  	v4 =	vld [tilespmem:s0+$0x14030]  }
0x13b: {  	[tilespmem:s0+$0x4070] =	vst.add.f32.msk $0xffff, v0  }
0x13c: {  	v5 =	vld [tilespmem:s0+$0x14040]  }
0x13d: {  	v6 =	vld [tilespmem:s0+$0x14050]  }
0x13e: {  	v0 =	vld [tilespmem:s0+$0x14060]  }
0x13f: {  	[tilespmem:s0+$0x4000] =	vst.add.f32.msk $0xffff, v1  }
.Ltmp5:
0x140: {  	[tilespmem:s0+$0x4010] =	vst.add.f32.msk $0xffff, v2;
	(pc) =	sbr.rel @p0 .LBB2_12-.Ltmp5, $4  }
0x141: {  	[tilespmem:s0+$0x4020] =	vst.add.f32.msk $0xffff, v3  }
0x142: {  	[tilespmem:s0+$0x4030] =	vst.add.f32.msk $0xffff, v4  }
0x143: {  	[tilespmem:s0+$0x4040] =	vst.add.f32.msk $0xffff, v5  }
0x144: {  	s3 =	sadd.s32 $0x200, s3;
	[tilespmem:s0+$0x4050] =	vst.add.f32.msk $0xffff, v6  }
0x145: {  	[tilespmem:s0+$0x4060] =	vst.add.f32.msk $0xffff, v0  }
0x146: {  	s0 =	simm.s32 $0x0;
	s2 =	rddreg [dreg:$0x10]  }
0x147: {  	[hbm4b:s2+s0] =	stream.linear.scatter [tilespmem:s17], [sflag:$0x6], $0x4000, $0x38;
	[tilespmem:$0x18000] =	vst v63  }
0x148: {  	_ =	swait.ge [sflag:s23], $0x4000  }
0x149: {  	[sflag:s23] =	ssyncset.done $0x0  }
0x14a: {  	s3 =	rddreg [dreg:$0x11];
	[sflag:s23] =	ssyncadd.s32 $0xFFFFC000  }
0x14b: {  	[tilespmem:s0], [sflag:$0x1] =	stream.linear.gather [hbm4b:s3+s0], $0x4000, $0x38;
	[tilespmem:$0x18000] =	vst v63  }
0x14c: {  	_ =	swait.ge [sflag:s24], $0x4000  }
0x14d: {  	[sflag:s24] =	ssyncset.done $0x0  }
0x14e: {  	s0 =	simm.s32 $0x0;
	[sflag:s24] =	ssyncadd.s32 $0xFFFFC000  }
0x14f: {  	v0 =	vld [tilespmem:s0+$0x14070]  }
0x150: {  	v1 =	vld [tilespmem:s0+$0x14000]  }
0x151: {  	v2 =	vld [tilespmem:s0+$0x14010]  }
0x152: {  	v3 =	vld [tilespmem:s0+$0x14020]  }
0x153: {  	v4 =	vld [tilespmem:s0+$0x14030]  }
0x154: {  	v5 =	vld [tilespmem:s0+$0x14040]  }
0x155: {  	v6 =	vld [tilespmem:s0+$0x14050]  }
0x156: {  	[tilespmem:s0+$0x8070] =	vst.add.f32.msk $0xffff, v0  }
0x157: {  	v0 =	vld [tilespmem:s0+$0x14060]  }
0x158: {  	[tilespmem:s0+$0x8000] =	vst.add.f32.msk $0xffff, v1  }
0x159: {  	[tilespmem:s0+$0x8010] =	vst.add.f32.msk $0xffff, v2  }
0x15a: {  	[tilespmem:s0+$0x8020] =	vst.add.f32.msk $0xffff, v3  }
0x15b: {  	[tilespmem:s0+$0x8030] =	vst.add.f32.msk $0xffff, v4  }
0x15c: {  	[tilespmem:s0+$0x8040] =	vst.add.f32.msk $0xffff, v5  }
0x15d: {  	s2 =	simm.s32 $0x0;
	s3 =	simm.s32 $0x200;
	[tilespmem:s0+$0x8050] =	vst.add.f32.msk $0xffff, v6  }
.LBB2_14:
0x15e: {  	s2 =	sadd.s32 $0x80, s2;
	[tilespmem:s0+$0x8060] =	vst.add.f32.msk $0xffff, v0;
	s0 =	sshra.s32 s3, $0x2  }
0x15f: {  	v0 =	vld [tilespmem:s0+$0x14070];
	p0 =	slt.u32 s2, $0x3F80  }
0x160: {  	v1 =	vld [tilespmem:s0+$0x14000]  }
0x161: {  	v2 =	vld [tilespmem:s0+$0x14010]  }
0x162: {  	v3 =	vld [tilespmem:s0+$0x14020]  }
0x163: {  	v4 =	vld [tilespmem:s0+$0x14030]  }
0x164: {  	[tilespmem:s0+$0x8070] =	vst.add.f32.msk $0xffff, v0  }
0x165: {  	v5 =	vld [tilespmem:s0+$0x14040]  }
0x166: {  	v6 =	vld [tilespmem:s0+$0x14050]  }
0x167: {  	v0 =	vld [tilespmem:s0+$0x14060]  }
0x168: {  	[tilespmem:s0+$0x8000] =	vst.add.f32.msk $0xffff, v1  }
.Ltmp6:
0x169: {  	[tilespmem:s0+$0x8010] =	vst.add.f32.msk $0xffff, v2;
	(pc) =	sbr.rel @p0 .LBB2_14-.Ltmp6, $4  }
0x16a: {  	[tilespmem:s0+$0x8020] =	vst.add.f32.msk $0xffff, v3  }
0x16b: {  	[tilespmem:s0+$0x8030] =	vst.add.f32.msk $0xffff, v4  }
0x16c: {  	[tilespmem:s0+$0x8040] =	vst.add.f32.msk $0xffff, v5  }
0x16d: {  	s3 =	sadd.s32 $0x200, s3;
	[tilespmem:s0+$0x8050] =	vst.add.f32.msk $0xffff, v6  }
0x16e: {  	[tilespmem:s0+$0x8060] =	vst.add.f32.msk $0xffff, v0  }
0x16f: {  	s0 =	simm.s32 $0x0;
	s2 =	rddreg [dreg:$0x12]  }
0x170: {  	[hbm4b:s2+s0] =	stream.linear.scatter [tilespmem:s18], [sflag:$0x7], $0x4000, $0x38;
	[tilespmem:$0x18000] =	vst v63  }
0x171: {  	_ =	swait.ge [sflag:s25], $0x4000  }
0x172: {  	[sflag:s25] =	ssyncset.done $0x0  }
0x173: {  	s3 =	rddreg [dreg:$0x15];
	[sflag:s25] =	ssyncadd.s32 $0xFFFFC000  }
0x174: {  	[tilespmem:s17], [sflag:$0x2] =	stream.linear.gather [hbm4b:s3+s0], $0x4000, $0x38;
	[tilespmem:$0x18000] =	vst v63  }
0x175: {  	_ =	swait.ge [sflag:s26], $0x4000  }
0x176: {  	[sflag:s26] =	ssyncset.done $0x0  }
0x177: {  	s0 =	simm.s32 $0x0;
	[sflag:s26] =	ssyncadd.s32 $0xFFFFC000  }
0x178: {  	v0 =	vld [tilespmem:s0+$0x14070]  }
0x179: {  	v1 =	vld [tilespmem:s0+$0x14000]  }
0x17a: {  	v2 =	vld [tilespmem:s0+$0x14010]  }
0x17b: {  	v3 =	vld [tilespmem:s0+$0x14020]  }
0x17c: {  	v4 =	vld [tilespmem:s0+$0x14030]  }
0x17d: {  	v5 =	vld [tilespmem:s0+$0x14040]  }
0x17e: {  	v6 =	vld [tilespmem:s0+$0x14050]  }
0x17f: {  	[tilespmem:s0+$0xC070] =	vst.add.f32.msk $0xffff, v0  }
0x180: {  	v0 =	vld [tilespmem:s0+$0x14060]  }
0x181: {  	[tilespmem:s0+$0xC000] =	vst.add.f32.msk $0xffff, v1  }
0x182: {  	[tilespmem:s0+$0xC010] =	vst.add.f32.msk $0xffff, v2  }
0x183: {  	[tilespmem:s0+$0xC020] =	vst.add.f32.msk $0xffff, v3  }
0x184: {  	[tilespmem:s0+$0xC030] =	vst.add.f32.msk $0xffff, v4  }
0x185: {  	[tilespmem:s0+$0xC040] =	vst.add.f32.msk $0xffff, v5  }
0x186: {  	s2 =	simm.s32 $0x0;
	s3 =	simm.s32 $0x200;
	[tilespmem:s0+$0xC050] =	vst.add.f32.msk $0xffff, v6  }
.LBB2_16:
0x187: {  	s2 =	sadd.s32 $0x80, s2;
	[tilespmem:s0+$0xC060] =	vst.add.f32.msk $0xffff, v0;
	s0 =	sshra.s32 s3, $0x2  }
0x188: {  	v0 =	vld [tilespmem:s0+$0x14070];
	p0 =	slt.u32 s2, $0x3F80  }
0x189: {  	v1 =	vld [tilespmem:s0+$0x14000]  }
0x18a: {  	v2 =	vld [tilespmem:s0+$0x14010]  }
0x18b: {  	v3 =	vld [tilespmem:s0+$0x14020]  }
0x18c: {  	v4 =	vld [tilespmem:s0+$0x14030]  }
0x18d: {  	[tilespmem:s0+$0xC070] =	vst.add.f32.msk $0xffff, v0  }
0x18e: {  	v5 =	vld [tilespmem:s0+$0x14040]  }
0x18f: {  	v6 =	vld [tilespmem:s0+$0x14050]  }
0x190: {  	v0 =	vld [tilespmem:s0+$0x14060]  }
0x191: {  	[tilespmem:s0+$0xC000] =	vst.add.f32.msk $0xffff, v1  }
.Ltmp7:
0x192: {  	[tilespmem:s0+$0xC010] =	vst.add.f32.msk $0xffff, v2;
	(pc) =	sbr.rel @p0 .LBB2_16-.Ltmp7, $4  }
0x193: {  	[tilespmem:s0+$0xC020] =	vst.add.f32.msk $0xffff, v3  }
0x194: {  	[tilespmem:s0+$0xC030] =	vst.add.f32.msk $0xffff, v4  }
0x195: {  	[tilespmem:s0+$0xC040] =	vst.add.f32.msk $0xffff, v5  }
0x196: {  	s3 =	sadd.s32 $0x200, s3;
	[tilespmem:s0+$0xC050] =	vst.add.f32.msk $0xffff, v6  }
0x197: {  	[tilespmem:s0+$0xC060] =	vst.add.f32.msk $0xffff, v0  }
0x198: {  	s0 =	simm.s32 $0x0;
	s2 =	rddreg [dreg:$0x13]  }
0x199: {  	[hbm4b:s2+s0] =	stream.linear.scatter [tilespmem:s21], [sflag:$0x8], $0x4000, $0x38;
	[tilespmem:$0x18000] =	vst v63  }
0x19a: {  	_ =	swait.ge [sflag:s28], $0x4000  }
0x19b: {  	[sflag:s28] =	ssyncset.done $0x0  }
0x19c: {  	s3 =	rddreg [dreg:$0x17];
	[sflag:s28] =	ssyncadd.s32 $0xFFFFC000  }
0x19d: {  	[tilespmem:s18], [sflag:$0x3] =	stream.linear.gather [hbm4b:s3+s0], $0x4000, $0x38;
	[tilespmem:$0x18000] =	vst v63  }
0x19e: {  	s3 =	rddreg [dreg:$0x1b]  }
0x19f: {  	[tilespmem:s16], [sflag:$0xA] =	stream.linear.gather [hbm4b:s3+s0], $0x4000, $0x38;
	[tilespmem:$0x18000] =	vst v63  }
0x1a0: {  	_ =	swait.ge [sflag:s19], $0x4000  }
0x1a1: {  	[sflag:s19] =	ssyncset.done $0x0  }
0x1a2: {  	[sflag:s19] =	ssyncadd.s32 $0xFFFFC000  }
0x1a3: {  	_ =	swait.ge [sflag:s20], $0x4000  }
0x1a4: {  	[sflag:s20] =	ssyncset.done $0x0  }
0x1a5: {  	s0 =	simm.s32 $0x0;
	[sflag:s20] =	ssyncadd.s32 $0xFFFFC000  }
0x1a6: {  	v0 =	vld [tilespmem:s0+$0x10070]  }
0x1a7: {  	v1 =	vld [tilespmem:s0+$0x10000]  }
0x1a8: {  	v2 =	vld [tilespmem:s0+$0x10010]  }
0x1a9: {  	v3 =	vld [tilespmem:s0+$0x10020]  }
0x1aa: {  	v4 =	vld [tilespmem:s0+$0x10030]  }
0x1ab: {  	v5 =	vld [tilespmem:s0+$0x10040]  }
0x1ac: {  	v6 =	vld [tilespmem:s0+$0x10050]  }
0x1ad: {  	[tilespmem:s0+$0x70] =	vst.add.f32.msk $0xffff, v0  }
0x1ae: {  	v0 =	vld [tilespmem:s0+$0x10060]  }
0x1af: {  	[tilespmem:s0+$0x0] =	vst.add.f32.msk $0xffff, v1  }
0x1b0: {  	[tilespmem:s0+$0x10] =	vst.add.f32.msk $0xffff, v2  }
0x1b1: {  	[tilespmem:s0+$0x20] =	vst.add.f32.msk $0xffff, v3  }
0x1b2: {  	[tilespmem:s0+$0x30] =	vst.add.f32.msk $0xffff, v4  }
0x1b3: {  	[tilespmem:s0+$0x40] =	vst.add.f32.msk $0xffff, v5  }
0x1b4: {  	s2 =	simm.s32 $0x0;
	s3 =	simm.s32 $0x200;
	[tilespmem:s0+$0x50] =	vst.add.f32.msk $0xffff, v6  }
.LBB2_18:
0x1b5: {  	s2 =	sadd.s32 $0x80, s2;
	[tilespmem:s0+$0x60] =	vst.add.f32.msk $0xffff, v0;
	s0 =	sshra.s32 s3, $0x2  }
0x1b6: {  	v0 =	vld [tilespmem:s0+$0x10070];
	p0 =	slt.u32 s2, $0x3F80  }
0x1b7: {  	v1 =	vld [tilespmem:s0+$0x10000]  }
0x1b8: {  	v2 =	vld [tilespmem:s0+$0x10010]  }
0x1b9: {  	v3 =	vld [tilespmem:s0+$0x10020]  }
0x1ba: {  	v4 =	vld [tilespmem:s0+$0x10030]  }
0x1bb: {  	[tilespmem:s0+$0x70] =	vst.add.f32.msk $0xffff, v0  }
0x1bc: {  	v5 =	vld [tilespmem:s0+$0x10040]  }
0x1bd: {  	v6 =	vld [tilespmem:s0+$0x10050]  }
0x1be: {  	v0 =	vld [tilespmem:s0+$0x10060]  }
0x1bf: {  	[tilespmem:s0+$0x0] =	vst.add.f32.msk $0xffff, v1  }
.Ltmp8:
0x1c0: {  	[tilespmem:s0+$0x10] =	vst.add.f32.msk $0xffff, v2;
	(pc) =	sbr.rel @p0 .LBB2_18-.Ltmp8, $4  }
0x1c1: {  	[tilespmem:s0+$0x20] =	vst.add.f32.msk $0xffff, v3  }
0x1c2: {  	[tilespmem:s0+$0x30] =	vst.add.f32.msk $0xffff, v4  }
0x1c3: {  	[tilespmem:s0+$0x40] =	vst.add.f32.msk $0xffff, v5  }
0x1c4: {  	s3 =	sadd.s32 $0x200, s3;
	[tilespmem:s0+$0x50] =	vst.add.f32.msk $0xffff, v6  }
0x1c5: {  	[tilespmem:s0+$0x60] =	vst.add.f32.msk $0xffff, v0  }
0x1c6: {  	s0 =	simm.s32 $0x0;
	s2 =	rddreg [dreg:$0x14]  }
0x1c7: {  	[hbm4b:s2+s0] =	stream.linear.scatter [tilespmem:s0], [sflag:$0x5], $0x4000, $0x38;
	[tilespmem:$0x18000] =	vst v63  }
0x1c8: {  	_ =	swait.ge [sflag:s30], $0x4000  }
0x1c9: {  	[sflag:s30] =	ssyncset.done $0x0  }
0x1ca: {  	s3 =	rddreg [dreg:$0x19];
	[sflag:s30] =	ssyncadd.s32 $0xFFFFC000  }
0x1cb: {  	[tilespmem:s21], [sflag:$0x4] =	stream.linear.gather [hbm4b:s3+s0], $0x4000, $0x38;
	[tilespmem:$0x18000] =	vst v63  }
0x1cc: {  	_ =	swait.ge [sflag:s22], $0x4000  }
0x1cd: {  	[sflag:s22] =	ssyncset.done $0x0  }
0x1ce: {  	s0 =	simm.s32 $0x0;
	[sflag:s22] =	ssyncadd.s32 $0xFFFFC000  }
0x1cf: {  	v0 =	vld [tilespmem:s0+$0x10070]  }
0x1d0: {  	v1 =	vld [tilespmem:s0+$0x10000]  }
0x1d1: {  	v2 =	vld [tilespmem:s0+$0x10010]  }
0x1d2: {  	v3 =	vld [tilespmem:s0+$0x10020]  }
0x1d3: {  	v4 =	vld [tilespmem:s0+$0x10030]  }
0x1d4: {  	v5 =	vld [tilespmem:s0+$0x10040]  }
0x1d5: {  	v6 =	vld [tilespmem:s0+$0x10050]  }
0x1d6: {  	[tilespmem:s0+$0x4070] =	vst.add.f32.msk $0xffff, v0  }
0x1d7: {  	v0 =	vld [tilespmem:s0+$0x10060]  }
0x1d8: {  	[tilespmem:s0+$0x4000] =	vst.add.f32.msk $0xffff, v1  }
0x1d9: {  	[tilespmem:s0+$0x4010] =	vst.add.f32.msk $0xffff, v2  }
0x1da: {  	[tilespmem:s0+$0x4020] =	vst.add.f32.msk $0xffff, v3  }
0x1db: {  	[tilespmem:s0+$0x4030] =	vst.add.f32.msk $0xffff, v4  }
0x1dc: {  	[tilespmem:s0+$0x4040] =	vst.add.f32.msk $0xffff, v5  }
0x1dd: {  	s2 =	simm.s32 $0x0;
	s3 =	simm.s32 $0x200;
	[tilespmem:s0+$0x4050] =	vst.add.f32.msk $0xffff, v6  }
.LBB2_20:
0x1de: {  	s2 =	sadd.s32 $0x80, s2;
	[tilespmem:s0+$0x4060] =	vst.add.f32.msk $0xffff, v0;
	s0 =	sshra.s32 s3, $0x2  }
0x1df: {  	v0 =	vld [tilespmem:s0+$0x10070];
	p0 =	slt.u32 s2, $0x3F80  }
0x1e0: {  	v1 =	vld [tilespmem:s0+$0x10000]  }
0x1e1: {  	v2 =	vld [tilespmem:s0+$0x10010]  }
0x1e2: {  	v3 =	vld [tilespmem:s0+$0x10020]  }
0x1e3: {  	v4 =	vld [tilespmem:s0+$0x10030]  }
0x1e4: {  	[tilespmem:s0+$0x4070] =	vst.add.f32.msk $0xffff, v0  }
0x1e5: {  	v5 =	vld [tilespmem:s0+$0x10040]  }
0x1e6: {  	v6 =	vld [tilespmem:s0+$0x10050]  }
0x1e7: {  	v0 =	vld [tilespmem:s0+$0x10060]  }
0x1e8: {  	[tilespmem:s0+$0x4000] =	vst.add.f32.msk $0xffff, v1  }
.Ltmp9:
0x1e9: {  	[tilespmem:s0+$0x4010] =	vst.add.f32.msk $0xffff, v2;
	(pc) =	sbr.rel @p0 .LBB2_20-.Ltmp9, $4  }
0x1ea: {  	[tilespmem:s0+$0x4020] =	vst.add.f32.msk $0xffff, v3  }
0x1eb: {  	[tilespmem:s0+$0x4030] =	vst.add.f32.msk $0xffff, v4  }
0x1ec: {  	[tilespmem:s0+$0x4040] =	vst.add.f32.msk $0xffff, v5  }
0x1ed: {  	s3 =	sadd.s32 $0x200, s3;
	[tilespmem:s0+$0x4050] =	vst.add.f32.msk $0xffff, v6  }
0x1ee: {  	[tilespmem:s0+$0x4060] =	vst.add.f32.msk $0xffff, v0  }
0x1ef: {  	s0 =	simm.s32 $0x0;
	s2 =	rddreg [dreg:$0x16]  }
0x1f0: {  	[hbm4b:s2+s0] =	stream.linear.scatter [tilespmem:s17], [sflag:$0x6], $0x4000, $0x38;
	[tilespmem:$0x18000] =	vst v63  }
0x1f1: {  	_ =	swait.ge [sflag:s23], $0x4000  }
0x1f2: {  	[sflag:s23] =	ssyncset.done $0x0  }
0x1f3: {  	s3 =	rddreg [dreg:$0x1c];
	[sflag:s23] =	ssyncadd.s32 $0xFFFFC000  }
0x1f4: {  	[tilespmem:s0], [sflag:$0x1] =	stream.linear.gather [hbm4b:s3+s0], $0x4000, $0x38;
	[tilespmem:$0x18000] =	vst v63  }
0x1f5: {  	_ =	swait.ge [sflag:s24], $0x4000  }
0x1f6: {  	[sflag:s24] =	ssyncset.done $0x0  }
0x1f7: {  	s0 =	simm.s32 $0x0;
	[sflag:s24] =	ssyncadd.s32 $0xFFFFC000  }
0x1f8: {  	v0 =	vld [tilespmem:s0+$0x10070]  }
0x1f9: {  	v1 =	vld [tilespmem:s0+$0x10000]  }
0x1fa: {  	v2 =	vld [tilespmem:s0+$0x10010]  }
0x1fb: {  	v3 =	vld [tilespmem:s0+$0x10020]  }
0x1fc: {  	v4 =	vld [tilespmem:s0+$0x10030]  }
0x1fd: {  	v5 =	vld [tilespmem:s0+$0x10040]  }
0x1fe: {  	v6 =	vld [tilespmem:s0+$0x10050]  }
0x1ff: {  	[tilespmem:s0+$0x8070] =	vst.add.f32.msk $0xffff, v0  }
0x200: {  	v0 =	vld [tilespmem:s0+$0x10060]  }
0x201: {  	[tilespmem:s0+$0x8000] =	vst.add.f32.msk $0xffff, v1  }
0x202: {  	[tilespmem:s0+$0x8010] =	vst.add.f32.msk $0xffff, v2  }
0x203: {  	[tilespmem:s0+$0x8020] =	vst.add.f32.msk $0xffff, v3  }
0x204: {  	[tilespmem:s0+$0x8030] =	vst.add.f32.msk $0xffff, v4  }
0x205: {  	[tilespmem:s0+$0x8040] =	vst.add.f32.msk $0xffff, v5  }
0x206: {  	s2 =	simm.s32 $0x0;
	s3 =	simm.s32 $0x200;
	[tilespmem:s0+$0x8050] =	vst.add.f32.msk $0xffff, v6  }
.LBB2_22:
0x207: {  	s2 =	sadd.s32 $0x80, s2;
	[tilespmem:s0+$0x8060] =	vst.add.f32.msk $0xffff, v0;
	s0 =	sshra.s32 s3, $0x2  }
0x208: {  	v0 =	vld [tilespmem:s0+$0x10070];
	p0 =	slt.u32 s2, $0x3F80  }
0x209: {  	v1 =	vld [tilespmem:s0+$0x10000]  }
0x20a: {  	v2 =	vld [tilespmem:s0+$0x10010]  }
0x20b: {  	v3 =	vld [tilespmem:s0+$0x10020]  }
0x20c: {  	v4 =	vld [tilespmem:s0+$0x10030]  }
0x20d: {  	[tilespmem:s0+$0x8070] =	vst.add.f32.msk $0xffff, v0  }
0x20e: {  	v5 =	vld [tilespmem:s0+$0x10040]  }
0x20f: {  	v6 =	vld [tilespmem:s0+$0x10050]  }
0x210: {  	v0 =	vld [tilespmem:s0+$0x10060]  }
0x211: {  	[tilespmem:s0+$0x8000] =	vst.add.f32.msk $0xffff, v1  }
.Ltmp10:
0x212: {  	[tilespmem:s0+$0x8010] =	vst.add.f32.msk $0xffff, v2;
	(pc) =	sbr.rel @p0 .LBB2_22-.Ltmp10, $4  }
0x213: {  	[tilespmem:s0+$0x8020] =	vst.add.f32.msk $0xffff, v3  }
0x214: {  	[tilespmem:s0+$0x8030] =	vst.add.f32.msk $0xffff, v4  }
0x215: {  	[tilespmem:s0+$0x8040] =	vst.add.f32.msk $0xffff, v5  }
0x216: {  	s3 =	sadd.s32 $0x200, s3;
	[tilespmem:s0+$0x8050] =	vst.add.f32.msk $0xffff, v6  }
0x217: {  	[tilespmem:s0+$0x8060] =	vst.add.f32.msk $0xffff, v0  }
0x218: {  	s0 =	simm.s32 $0x0;
	s2 =	rddreg [dreg:$0x18]  }
0x219: {  	[hbm4b:s2+s0] =	stream.linear.scatter [tilespmem:s18], [sflag:$0x7], $0x4000, $0x38;
	[tilespmem:$0x18000] =	vst v63  }
0x21a: {  	_ =	swait.ge [sflag:s25], $0x4000  }
0x21b: {  	[sflag:s25] =	ssyncset.done $0x0  }
0x21c: {  	s3 =	rddreg [dreg:$0x1e];
	[sflag:s25] =	ssyncadd.s32 $0xFFFFC000  }
0x21d: {  	[tilespmem:s17], [sflag:$0x2] =	stream.linear.gather [hbm4b:s3+s0], $0x4000, $0x38;
	[tilespmem:$0x18000] =	vst v63  }
0x21e: {  	_ =	swait.ge [sflag:s26], $0x4000  }
0x21f: {  	[sflag:s26] =	ssyncset.done $0x0  }
0x220: {  	s0 =	simm.s32 $0x0;
	[sflag:s26] =	ssyncadd.s32 $0xFFFFC000  }
0x221: {  	v0 =	vld [tilespmem:s0+$0x10070]  }
0x222: {  	v1 =	vld [tilespmem:s0+$0x10000]  }
0x223: {  	v2 =	vld [tilespmem:s0+$0x10010]  }
0x224: {  	v3 =	vld [tilespmem:s0+$0x10020]  }
0x225: {  	v4 =	vld [tilespmem:s0+$0x10030]  }
0x226: {  	v5 =	vld [tilespmem:s0+$0x10040]  }
0x227: {  	v6 =	vld [tilespmem:s0+$0x10050]  }
0x228: {  	[tilespmem:s0+$0xC070] =	vst.add.f32.msk $0xffff, v0  }
0x229: {  	v0 =	vld [tilespmem:s0+$0x10060]  }
0x22a: {  	[tilespmem:s0+$0xC000] =	vst.add.f32.msk $0xffff, v1  }
0x22b: {  	[tilespmem:s0+$0xC010] =	vst.add.f32.msk $0xffff, v2  }
0x22c: {  	[tilespmem:s0+$0xC020] =	vst.add.f32.msk $0xffff, v3  }
0x22d: {  	[tilespmem:s0+$0xC030] =	vst.add.f32.msk $0xffff, v4  }
0x22e: {  	[tilespmem:s0+$0xC040] =	vst.add.f32.msk $0xffff, v5  }
0x22f: {  	s2 =	simm.s32 $0x0;
	s3 =	simm.s32 $0x200;
	[tilespmem:s0+$0xC050] =	vst.add.f32.msk $0xffff, v6  }
.LBB2_24:
0x230: {  	s2 =	sadd.s32 $0x80, s2;
	[tilespmem:s0+$0xC060] =	vst.add.f32.msk $0xffff, v0;
	s0 =	sshra.s32 s3, $0x2  }
0x231: {  	v0 =	vld [tilespmem:s0+$0x10070];
	p0 =	slt.u32 s2, $0x3F80  }
0x232: {  	v1 =	vld [tilespmem:s0+$0x10000]  }
0x233: {  	v2 =	vld [tilespmem:s0+$0x10010]  }
0x234: {  	v3 =	vld [tilespmem:s0+$0x10020]  }
0x235: {  	v4 =	vld [tilespmem:s0+$0x10030]  }
0x236: {  	[tilespmem:s0+$0xC070] =	vst.add.f32.msk $0xffff, v0  }
0x237: {  	v5 =	vld [tilespmem:s0+$0x10040]  }
0x238: {  	v6 =	vld [tilespmem:s0+$0x10050]  }
0x239: {  	v0 =	vld [tilespmem:s0+$0x10060]  }
0x23a: {  	[tilespmem:s0+$0xC000] =	vst.add.f32.msk $0xffff, v1  }
.Ltmp11:
0x23b: {  	[tilespmem:s0+$0xC010] =	vst.add.f32.msk $0xffff, v2;
	(pc) =	sbr.rel @p0 .LBB2_24-.Ltmp11, $4  }
0x23c: {  	[tilespmem:s0+$0xC020] =	vst.add.f32.msk $0xffff, v3  }
0x23d: {  	[tilespmem:s0+$0xC030] =	vst.add.f32.msk $0xffff, v4  }
0x23e: {  	[tilespmem:s0+$0xC040] =	vst.add.f32.msk $0xffff, v5  }
0x23f: {  	s3 =	sadd.s32 $0x200, s3;
	[tilespmem:s0+$0xC050] =	vst.add.f32.msk $0xffff, v6  }
0x240: {  	[tilespmem:s0+$0xC060] =	vst.add.f32.msk $0xffff, v0  }
0x241: {  	s0 =	simm.s32 $0x0;
	s2 =	rddreg [dreg:$0x1a]  }
0x242: {  	[hbm4b:s2+s0] =	stream.linear.scatter [tilespmem:s21], [sflag:$0x8], $0x4000, $0x38;
	[tilespmem:$0x18000] =	vst v63  }
0x243: {  	_ =	swait.ge [sflag:s28], $0x4000  }
0x244: {  	s3 =	sld [smem:$0x7DD]  }
0x245: {  	[sflag:s28] =	ssyncset.done $0x0  }
0x246: {  	[sflag:s28] =	ssyncadd.s32 $0xFFFFC000  }
0x247: {  	[tilespmem:s18], [sflag:$0x3] =	stream.linear.gather [hbm4b:s3+s0], $0x4000, $0x38;
	[tilespmem:$0x18000] =	vst v63  }
0x248: {  	s3 =	sld [smem:$0x7E1];
	_ =	sdelay $0x2  }
0x249: {  	[tilespmem:s15], [sflag:$0x9] =	stream.linear.gather [hbm4b:s3+s0], $0x4000, $0x38;
	[tilespmem:$0x18000] =	vst v63  }
0x24a: {  	_ =	swait.ge [sflag:s19], $0x4000  }
0x24b: {  	[sflag:s19] =	ssyncset.done $0x0  }
0x24c: {  	[sflag:s19] =	ssyncadd.s32 $0xFFFFC000  }
0x24d: {  	_ =	swait.ge [sflag:s29], $0x4000  }
0x24e: {  	[sflag:s29] =	ssyncset.done $0x0  }
0x24f: {  	s0 =	simm.s32 $0x0;
	[sflag:s29] =	ssyncadd.s32 $0xFFFFC000  }
0x250: {  	v0 =	vld [tilespmem:s0+$0x14070]  }
0x251: {  	v1 =	vld [tilespmem:s0+$0x14000]  }
0x252: {  	v2 =	vld [tilespmem:s0+$0x14010]  }
0x253: {  	v3 =	vld [tilespmem:s0+$0x14020]  }
0x254: {  	v4 =	vld [tilespmem:s0+$0x14030]  }
0x255: {  	v5 =	vld [tilespmem:s0+$0x14040]  }
0x256: {  	v6 =	vld [tilespmem:s0+$0x14050]  }
0x257: {  	[tilespmem:s0+$0x70] =	vst.add.f32.msk $0xffff, v0  }
0x258: {  	v0 =	vld [tilespmem:s0+$0x14060]  }
0x259: {  	[tilespmem:s0+$0x0] =	vst.add.f32.msk $0xffff, v1  }
0x25a: {  	[tilespmem:s0+$0x10] =	vst.add.f32.msk $0xffff, v2  }
0x25b: {  	[tilespmem:s0+$0x20] =	vst.add.f32.msk $0xffff, v3  }
0x25c: {  	[tilespmem:s0+$0x30] =	vst.add.f32.msk $0xffff, v4  }
0x25d: {  	[tilespmem:s0+$0x40] =	vst.add.f32.msk $0xffff, v5  }
0x25e: {  	s2 =	simm.s32 $0x0;
	s3 =	simm.s32 $0x200;
	[tilespmem:s0+$0x50] =	vst.add.f32.msk $0xffff, v6  }
.LBB2_26:
0x25f: {  	s2 =	sadd.s32 $0x80, s2;
	[tilespmem:s0+$0x60] =	vst.add.f32.msk $0xffff, v0;
	s0 =	sshra.s32 s3, $0x2  }
0x260: {  	v0 =	vld [tilespmem:s0+$0x14070];
	p0 =	slt.u32 s2, $0x3F80  }
0x261: {  	v1 =	vld [tilespmem:s0+$0x14000]  }
0x262: {  	v2 =	vld [tilespmem:s0+$0x14010]  }
0x263: {  	v3 =	vld [tilespmem:s0+$0x14020]  }
0x264: {  	v4 =	vld [tilespmem:s0+$0x14030]  }
0x265: {  	[tilespmem:s0+$0x70] =	vst.add.f32.msk $0xffff, v0  }
0x266: {  	v5 =	vld [tilespmem:s0+$0x14040]  }
0x267: {  	v6 =	vld [tilespmem:s0+$0x14050]  }
0x268: {  	v0 =	vld [tilespmem:s0+$0x14060]  }
0x269: {  	[tilespmem:s0+$0x0] =	vst.add.f32.msk $0xffff, v1  }
.Ltmp12:
0x26a: {  	[tilespmem:s0+$0x10] =	vst.add.f32.msk $0xffff, v2;
	(pc) =	sbr.rel @p0 .LBB2_26-.Ltmp12, $4  }
0x26b: {  	[tilespmem:s0+$0x20] =	vst.add.f32.msk $0xffff, v3  }
0x26c: {  	[tilespmem:s0+$0x30] =	vst.add.f32.msk $0xffff, v4  }
0x26d: {  	[tilespmem:s0+$0x40] =	vst.add.f32.msk $0xffff, v5  }
0x26e: {  	s3 =	sadd.s32 $0x200, s3;
	[tilespmem:s0+$0x50] =	vst.add.f32.msk $0xffff, v6  }
0x26f: {  	[tilespmem:s0+$0x60] =	vst.add.f32.msk $0xffff, v0  }
0x270: {  	s0 =	simm.s32 $0x0;
	s2 =	rddreg [dreg:$0x1d]  }
0x271: {  	[hbm4b:s2+s0] =	stream.linear.scatter [tilespmem:s0], [sflag:$0x5], $0x4000, $0x38;
	[tilespmem:$0x18000] =	vst v63  }
0x272: {  	_ =	swait.ge [sflag:s30], $0x4000  }
0x273: {  	s3 =	sld [smem:$0x7DF]  }
0x274: {  	[sflag:s30] =	ssyncset.done $0x0  }
0x275: {  	[sflag:s30] =	ssyncadd.s32 $0xFFFFC000  }
0x276: {  	[tilespmem:s21], [sflag:$0x4] =	stream.linear.gather [hbm4b:s3+s0], $0x4000, $0x38;
	[tilespmem:$0x18000] =	vst v63  }
0x277: {  	_ =	swait.ge [sflag:s22], $0x4000  }
0x278: {  	[sflag:s22] =	ssyncset.done $0x0  }
0x279: {  	s0 =	simm.s32 $0x0;
	[sflag:s22] =	ssyncadd.s32 $0xFFFFC000  }
0x27a: {  	v0 =	vld [tilespmem:s0+$0x14070]  }
0x27b: {  	v1 =	vld [tilespmem:s0+$0x14000]  }
0x27c: {  	v2 =	vld [tilespmem:s0+$0x14010]  }
0x27d: {  	v3 =	vld [tilespmem:s0+$0x14020]  }
0x27e: {  	v4 =	vld [tilespmem:s0+$0x14030]  }
0x27f: {  	v5 =	vld [tilespmem:s0+$0x14040]  }
0x280: {  	v6 =	vld [tilespmem:s0+$0x14050]  }
0x281: {  	[tilespmem:s0+$0x4070] =	vst.add.f32.msk $0xffff, v0  }
0x282: {  	v0 =	vld [tilespmem:s0+$0x14060]  }
0x283: {  	[tilespmem:s0+$0x4000] =	vst.add.f32.msk $0xffff, v1  }
0x284: {  	[tilespmem:s0+$0x4010] =	vst.add.f32.msk $0xffff, v2  }
0x285: {  	[tilespmem:s0+$0x4020] =	vst.add.f32.msk $0xffff, v3  }
0x286: {  	[tilespmem:s0+$0x4030] =	vst.add.f32.msk $0xffff, v4  }
0x287: {  	[tilespmem:s0+$0x4040] =	vst.add.f32.msk $0xffff, v5  }
0x288: {  	s2 =	simm.s32 $0x0;
	s3 =	simm.s32 $0x200;
	[tilespmem:s0+$0x4050] =	vst.add.f32.msk $0xffff, v6  }
.LBB2_28:
0x289: {  	s2 =	sadd.s32 $0x80, s2;
	[tilespmem:s0+$0x4060] =	vst.add.f32.msk $0xffff, v0;
	s0 =	sshra.s32 s3, $0x2  }
0x28a: {  	v0 =	vld [tilespmem:s0+$0x14070];
	p0 =	slt.u32 s2, $0x3F80  }
0x28b: {  	v1 =	vld [tilespmem:s0+$0x14000]  }
0x28c: {  	v2 =	vld [tilespmem:s0+$0x14010]  }
0x28d: {  	v3 =	vld [tilespmem:s0+$0x14020]  }
0x28e: {  	v4 =	vld [tilespmem:s0+$0x14030]  }
0x28f: {  	[tilespmem:s0+$0x4070] =	vst.add.f32.msk $0xffff, v0  }
0x290: {  	v5 =	vld [tilespmem:s0+$0x14040]  }
0x291: {  	v6 =	vld [tilespmem:s0+$0x14050]  }
0x292: {  	v0 =	vld [tilespmem:s0+$0x14060]  }
0x293: {  	[tilespmem:s0+$0x4000] =	vst.add.f32.msk $0xffff, v1  }
.Ltmp13:
0x294: {  	[tilespmem:s0+$0x4010] =	vst.add.f32.msk $0xffff, v2;
	(pc) =	sbr.rel @p0 .LBB2_28-.Ltmp13, $4  }
0x295: {  	[tilespmem:s0+$0x4020] =	vst.add.f32.msk $0xffff, v3  }
0x296: {  	[tilespmem:s0+$0x4030] =	vst.add.f32.msk $0xffff, v4  }
0x297: {  	[tilespmem:s0+$0x4040] =	vst.add.f32.msk $0xffff, v5  }
0x298: {  	s3 =	sadd.s32 $0x200, s3;
	[tilespmem:s0+$0x4050] =	vst.add.f32.msk $0xffff, v6  }
0x299: {  	[tilespmem:s0+$0x4060] =	vst.add.f32.msk $0xffff, v0  }
0x29a: {  	s0 =	simm.s32 $0x0;
	s2 =	rddreg [dreg:$0x1f]  }
0x29b: {  	[hbm4b:s2+s0] =	stream.linear.scatter [tilespmem:s17], [sflag:$0x6], $0x4000, $0x38;
	[tilespmem:$0x18000] =	vst v63  }
0x29c: {  	_ =	swait.ge [sflag:s23], $0x4000  }
0x29d: {  	s3 =	sld [smem:$0x7E2]  }
0x29e: {  	[sflag:s23] =	ssyncset.done $0x0  }
0x29f: {  	[sflag:s23] =	ssyncadd.s32 $0xFFFFC000  }
0x2a0: {  	[tilespmem:s0], [sflag:$0x1] =	stream.linear.gather [hbm4b:s3+s0], $0x4000, $0x38;
	[tilespmem:$0x18000] =	vst v63  }
0x2a1: {  	_ =	swait.ge [sflag:s24], $0x4000  }
0x2a2: {  	[sflag:s24] =	ssyncset.done $0x0  }
0x2a3: {  	s0 =	simm.s32 $0x0;
	[sflag:s24] =	ssyncadd.s32 $0xFFFFC000  }
0x2a4: {  	v0 =	vld [tilespmem:s0+$0x14070]  }
0x2a5: {  	v1 =	vld [tilespmem:s0+$0x14000]  }
0x2a6: {  	v2 =	vld [tilespmem:s0+$0x14010]  }
0x2a7: {  	v3 =	vld [tilespmem:s0+$0x14020]  }
0x2a8: {  	v4 =	vld [tilespmem:s0+$0x14030]  }
0x2a9: {  	v5 =	vld [tilespmem:s0+$0x14040]  }
0x2aa: {  	v6 =	vld [tilespmem:s0+$0x14050]  }
0x2ab: {  	[tilespmem:s0+$0x8070] =	vst.add.f32.msk $0xffff, v0  }
0x2ac: {  	v0 =	vld [tilespmem:s0+$0x14060]  }
0x2ad: {  	[tilespmem:s0+$0x8000] =	vst.add.f32.msk $0xffff, v1  }
0x2ae: {  	[tilespmem:s0+$0x8010] =	vst.add.f32.msk $0xffff, v2  }
0x2af: {  	[tilespmem:s0+$0x8020] =	vst.add.f32.msk $0xffff, v3  }
0x2b0: {  	[tilespmem:s0+$0x8030] =	vst.add.f32.msk $0xffff, v4  }
0x2b1: {  	[tilespmem:s0+$0x8040] =	vst.add.f32.msk $0xffff, v5  }
0x2b2: {  	s2 =	simm.s32 $0x0;
	s3 =	simm.s32 $0x200;
	[tilespmem:s0+$0x8050] =	vst.add.f32.msk $0xffff, v6  }
.LBB2_30:
0x2b3: {  	s2 =	sadd.s32 $0x80, s2;
	[tilespmem:s0+$0x8060] =	vst.add.f32.msk $0xffff, v0;
	s0 =	sshra.s32 s3, $0x2  }
0x2b4: {  	v0 =	vld [tilespmem:s0+$0x14070];
	p0 =	slt.u32 s2, $0x3F80  }
0x2b5: {  	v1 =	vld [tilespmem:s0+$0x14000]  }
0x2b6: {  	v2 =	vld [tilespmem:s0+$0x14010]  }
0x2b7: {  	v3 =	vld [tilespmem:s0+$0x14020]  }
0x2b8: {  	v4 =	vld [tilespmem:s0+$0x14030]  }
0x2b9: {  	[tilespmem:s0+$0x8070] =	vst.add.f32.msk $0xffff, v0  }
0x2ba: {  	v5 =	vld [tilespmem:s0+$0x14040]  }
0x2bb: {  	v6 =	vld [tilespmem:s0+$0x14050]  }
0x2bc: {  	v0 =	vld [tilespmem:s0+$0x14060]  }
0x2bd: {  	[tilespmem:s0+$0x8000] =	vst.add.f32.msk $0xffff, v1  }
.Ltmp14:
0x2be: {  	[tilespmem:s0+$0x8010] =	vst.add.f32.msk $0xffff, v2;
	(pc) =	sbr.rel @p0 .LBB2_30-.Ltmp14, $4  }
0x2bf: {  	[tilespmem:s0+$0x8020] =	vst.add.f32.msk $0xffff, v3  }
0x2c0: {  	[tilespmem:s0+$0x8030] =	vst.add.f32.msk $0xffff, v4  }
0x2c1: {  	[tilespmem:s0+$0x8040] =	vst.add.f32.msk $0xffff, v5  }
0x2c2: {  	s3 =	sadd.s32 $0x200, s3;
	[tilespmem:s0+$0x8050] =	vst.add.f32.msk $0xffff, v6  }
0x2c3: {  	[tilespmem:s0+$0x8060] =	vst.add.f32.msk $0xffff, v0  }
0x2c4: {  	s2 =	sld [smem:$0x7DE];
	_ =	sdelay $0x1  }
0x2c5: {  	s0 =	simm.s32 $0x0  }
0x2c6: {  	[hbm4b:s2+s0] =	stream.linear.scatter [tilespmem:s18], [sflag:$0x7], $0x4000, $0x38;
	[tilespmem:$0x18000] =	vst v63  }
0x2c7: {  	_ =	swait.ge [sflag:s25], $0x4000  }
0x2c8: {  	s3 =	sld [smem:$0x7E4]  }
0x2c9: {  	[sflag:s25] =	ssyncset.done $0x0  }
0x2ca: {  	[sflag:s25] =	ssyncadd.s32 $0xFFFFC000  }
0x2cb: {  	[tilespmem:s17], [sflag:$0x2] =	stream.linear.gather [hbm4b:s3+s0], $0x4000, $0x38;
	[tilespmem:$0x18000] =	vst v63  }
0x2cc: {  	_ =	swait.ge [sflag:s26], $0x4000  }
0x2cd: {  	[sflag:s26] =	ssyncset.done $0x0  }
0x2ce: {  	s0 =	simm.s32 $0x0;
	[sflag:s26] =	ssyncadd.s32 $0xFFFFC000  }
0x2cf: {  	v0 =	vld [tilespmem:s0+$0x14070]  }
0x2d0: {  	v1 =	vld [tilespmem:s0+$0x14000]  }
0x2d1: {  	v2 =	vld [tilespmem:s0+$0x14010]  }
0x2d2: {  	v3 =	vld [tilespmem:s0+$0x14020]  }
0x2d3: {  	v4 =	vld [tilespmem:s0+$0x14030]  }
0x2d4: {  	v5 =	vld [tilespmem:s0+$0x14040]  }
0x2d5: {  	v6 =	vld [tilespmem:s0+$0x14050]  }
0x2d6: {  	[tilespmem:s0+$0xC070] =	vst.add.f32.msk $0xffff, v0  }
0x2d7: {  	v0 =	vld [tilespmem:s0+$0x14060]  }
0x2d8: {  	[tilespmem:s0+$0xC000] =	vst.add.f32.msk $0xffff, v1  }
0x2d9: {  	[tilespmem:s0+$0xC010] =	vst.add.f32.msk $0xffff, v2  }
0x2da: {  	[tilespmem:s0+$0xC020] =	vst.add.f32.msk $0xffff, v3  }
0x2db: {  	[tilespmem:s0+$0xC030] =	vst.add.f32.msk $0xffff, v4  }
0x2dc: {  	[tilespmem:s0+$0xC040] =	vst.add.f32.msk $0xffff, v5  }
0x2dd: {  	s2 =	simm.s32 $0x0;
	s3 =	simm.s32 $0x200;
	[tilespmem:s0+$0xC050] =	vst.add.f32.msk $0xffff, v6  }
.LBB2_32:
0x2de: {  	s2 =	sadd.s32 $0x80, s2;
	[tilespmem:s0+$0xC060] =	vst.add.f32.msk $0xffff, v0;
	s0 =	sshra.s32 s3, $0x2  }
0x2df: {  	v0 =	vld [tilespmem:s0+$0x14070];
	p0 =	slt.u32 s2, $0x3F80  }
0x2e0: {  	v1 =	vld [tilespmem:s0+$0x14000]  }
0x2e1: {  	v2 =	vld [tilespmem:s0+$0x14010]  }
0x2e2: {  	v3 =	vld [tilespmem:s0+$0x14020]  }
0x2e3: {  	v4 =	vld [tilespmem:s0+$0x14030]  }
0x2e4: {  	[tilespmem:s0+$0xC070] =	vst.add.f32.msk $0xffff, v0  }
0x2e5: {  	v5 =	vld [tilespmem:s0+$0x14040]  }
0x2e6: {  	v6 =	vld [tilespmem:s0+$0x14050]  }
0x2e7: {  	v0 =	vld [tilespmem:s0+$0x14060]  }
0x2e8: {  	[tilespmem:s0+$0xC000] =	vst.add.f32.msk $0xffff, v1  }
.Ltmp15:
0x2e9: {  	[tilespmem:s0+$0xC010] =	vst.add.f32.msk $0xffff, v2;
	(pc) =	sbr.rel @p0 .LBB2_32-.Ltmp15, $4  }
0x2ea: {  	[tilespmem:s0+$0xC020] =	vst.add.f32.msk $0xffff, v3  }
0x2eb: {  	[tilespmem:s0+$0xC030] =	vst.add.f32.msk $0xffff, v4  }
0x2ec: {  	[tilespmem:s0+$0xC040] =	vst.add.f32.msk $0xffff, v5  }
0x2ed: {  	s3 =	sadd.s32 $0x200, s3;
	[tilespmem:s0+$0xC050] =	vst.add.f32.msk $0xffff, v6  }
0x2ee: {  	[tilespmem:s0+$0xC060] =	vst.add.f32.msk $0xffff, v0  }
0x2ef: {  	s2 =	sld [smem:$0x7E0];
	_ =	sdelay $0x1  }
0x2f0: {  	s0 =	simm.s32 $0x0  }
0x2f1: {  	[hbm4b:s2+s0] =	stream.linear.scatter [tilespmem:s21], [sflag:$0x8], $0x4000, $0x38;
	[tilespmem:$0x18000] =	vst v63  }
0x2f2: {  	_ =	swait.ge [sflag:s28], $0x4000  }
0x2f3: {  	s3 =	sld [smem:$0x7E6]  }
0x2f4: {  	[sflag:s28] =	ssyncset.done $0x0  }
0x2f5: {  	[sflag:s28] =	ssyncadd.s32 $0xFFFFC000  }
0x2f6: {  	[tilespmem:s18], [sflag:$0x3] =	stream.linear.gather [hbm4b:s3+s0], $0x4000, $0x38;
	[tilespmem:$0x18000] =	vst v63  }
0x2f7: {  	s3 =	sld [smem:$0x7EA];
	_ =	sdelay $0x2  }
0x2f8: {  	[tilespmem:s16], [sflag:$0xA] =	stream.linear.gather [hbm4b:s3+s0], $0x4000, $0x38;
	[tilespmem:$0x18000] =	vst v63  }
0x2f9: {  	_ =	swait.ge [sflag:s19], $0x4000  }
0x2fa: {  	[sflag:s19] =	ssyncset.done $0x0  }
0x2fb: {  	[sflag:s19] =	ssyncadd.s32 $0xFFFFC000  }
0x2fc: {  	_ =	swait.ge [sflag:s20], $0x4000  }
0x2fd: {  	[sflag:s20] =	ssyncset.done $0x0  }
0x2fe: {  	s0 =	simm.s32 $0x0;
	[sflag:s20] =	ssyncadd.s32 $0xFFFFC000  }
0x2ff: {  	v0 =	vld [tilespmem:s0+$0x10070]  }
0x300: {  	v1 =	vld [tilespmem:s0+$0x10000]  }
0x301: {  	v2 =	vld [tilespmem:s0+$0x10010]  }
0x302: {  	v3 =	vld [tilespmem:s0+$0x10020]  }
0x303: {  	v4 =	vld [tilespmem:s0+$0x10030]  }
0x304: {  	v5 =	vld [tilespmem:s0+$0x10040]  }
0x305: {  	v6 =	vld [tilespmem:s0+$0x10050]  }
0x306: {  	[tilespmem:s0+$0x70] =	vst.add.f32.msk $0xffff, v0  }
0x307: {  	v0 =	vld [tilespmem:s0+$0x10060]  }
0x308: {  	[tilespmem:s0+$0x0] =	vst.add.f32.msk $0xffff, v1  }
0x309: {  	[tilespmem:s0+$0x10] =	vst.add.f32.msk $0xffff, v2  }
0x30a: {  	[tilespmem:s0+$0x20] =	vst.add.f32.msk $0xffff, v3  }
0x30b: {  	[tilespmem:s0+$0x30] =	vst.add.f32.msk $0xffff, v4  }
0x30c: {  	[tilespmem:s0+$0x40] =	vst.add.f32.msk $0xffff, v5  }
0x30d: {  	s2 =	simm.s32 $0x0;
	s3 =	simm.s32 $0x200;
	[tilespmem:s0+$0x50] =	vst.add.f32.msk $0xffff, v6  }
.LBB2_34:
0x30e: {  	s2 =	sadd.s32 $0x80, s2;
	[tilespmem:s0+$0x60] =	vst.add.f32.msk $0xffff, v0;
	s0 =	sshra.s32 s3, $0x2  }
0x30f: {  	v0 =	vld [tilespmem:s0+$0x10070];
	p0 =	slt.u32 s2, $0x3F80  }
0x310: {  	v1 =	vld [tilespmem:s0+$0x10000]  }
0x311: {  	v2 =	vld [tilespmem:s0+$0x10010]  }
0x312: {  	v3 =	vld [tilespmem:s0+$0x10020]  }
0x313: {  	v4 =	vld [tilespmem:s0+$0x10030]  }
0x314: {  	[tilespmem:s0+$0x70] =	vst.add.f32.msk $0xffff, v0  }
0x315: {  	v5 =	vld [tilespmem:s0+$0x10040]  }
0x316: {  	v6 =	vld [tilespmem:s0+$0x10050]  }
0x317: {  	v0 =	vld [tilespmem:s0+$0x10060]  }
0x318: {  	[tilespmem:s0+$0x0] =	vst.add.f32.msk $0xffff, v1  }
.Ltmp16:
0x319: {  	[tilespmem:s0+$0x10] =	vst.add.f32.msk $0xffff, v2;
	(pc) =	sbr.rel @p0 .LBB2_34-.Ltmp16, $4  }
0x31a: {  	[tilespmem:s0+$0x20] =	vst.add.f32.msk $0xffff, v3  }
0x31b: {  	[tilespmem:s0+$0x30] =	vst.add.f32.msk $0xffff, v4  }
0x31c: {  	[tilespmem:s0+$0x40] =	vst.add.f32.msk $0xffff, v5  }
0x31d: {  	s3 =	sadd.s32 $0x200, s3;
	[tilespmem:s0+$0x50] =	vst.add.f32.msk $0xffff, v6  }
0x31e: {  	[tilespmem:s0+$0x60] =	vst.add.f32.msk $0xffff, v0  }
0x31f: {  	s2 =	sld [smem:$0x7E3];
	_ =	sdelay $0x1  }
0x320: {  	s0 =	simm.s32 $0x0  }
0x321: {  	[hbm4b:s2+s0] =	stream.linear.scatter [tilespmem:s0], [sflag:$0x5], $0x4000, $0x38;
	[tilespmem:$0x18000] =	vst v63  }
0x322: {  	_ =	swait.ge [sflag:s30], $0x4000  }
0x323: {  	s3 =	sld [smem:$0x7E8]  }
0x324: {  	[sflag:s30] =	ssyncset.done $0x0  }
0x325: {  	[sflag:s30] =	ssyncadd.s32 $0xFFFFC000  }
0x326: {  	[tilespmem:s21], [sflag:$0x4] =	stream.linear.gather [hbm4b:s3+s0], $0x4000, $0x38;
	[tilespmem:$0x18000] =	vst v63  }
0x327: {  	_ =	swait.ge [sflag:s22], $0x4000  }
0x328: {  	[sflag:s22] =	ssyncset.done $0x0  }
0x329: {  	s0 =	simm.s32 $0x0;
	[sflag:s22] =	ssyncadd.s32 $0xFFFFC000  }
0x32a: {  	v0 =	vld [tilespmem:s0+$0x10070]  }
0x32b: {  	v1 =	vld [tilespmem:s0+$0x10000]  }
0x32c: {  	v2 =	vld [tilespmem:s0+$0x10010]  }
0x32d: {  	v3 =	vld [tilespmem:s0+$0x10020]  }
0x32e: {  	v4 =	vld [tilespmem:s0+$0x10030]  }
0x32f: {  	v5 =	vld [tilespmem:s0+$0x10040]  }
0x330: {  	v6 =	vld [tilespmem:s0+$0x10050]  }
0x331: {  	[tilespmem:s0+$0x4070] =	vst.add.f32.msk $0xffff, v0  }
0x332: {  	v0 =	vld [tilespmem:s0+$0x10060]  }
0x333: {  	[tilespmem:s0+$0x4000] =	vst.add.f32.msk $0xffff, v1  }
0x334: {  	[tilespmem:s0+$0x4010] =	vst.add.f32.msk $0xffff, v2  }
0x335: {  	[tilespmem:s0+$0x4020] =	vst.add.f32.msk $0xffff, v3  }
0x336: {  	[tilespmem:s0+$0x4030] =	vst.add.f32.msk $0xffff, v4  }
0x337: {  	[tilespmem:s0+$0x4040] =	vst.add.f32.msk $0xffff, v5  }
0x338: {  	s2 =	simm.s32 $0x0;
	s3 =	simm.s32 $0x200;
	[tilespmem:s0+$0x4050] =	vst.add.f32.msk $0xffff, v6  }
.LBB2_36:
0x339: {  	s2 =	sadd.s32 $0x80, s2;
	[tilespmem:s0+$0x4060] =	vst.add.f32.msk $0xffff, v0;
	s0 =	sshra.s32 s3, $0x2  }
0x33a: {  	v0 =	vld [tilespmem:s0+$0x10070];
	p0 =	slt.u32 s2, $0x3F80  }
0x33b: {  	v1 =	vld [tilespmem:s0+$0x10000]  }
0x33c: {  	v2 =	vld [tilespmem:s0+$0x10010]  }
0x33d: {  	v3 =	vld [tilespmem:s0+$0x10020]  }
0x33e: {  	v4 =	vld [tilespmem:s0+$0x10030]  }
0x33f: {  	[tilespmem:s0+$0x4070] =	vst.add.f32.msk $0xffff, v0  }
0x340: {  	v5 =	vld [tilespmem:s0+$0x10040]  }
0x341: {  	v6 =	vld [tilespmem:s0+$0x10050]  }
0x342: {  	v0 =	vld [tilespmem:s0+$0x10060]  }
0x343: {  	[tilespmem:s0+$0x4000] =	vst.add.f32.msk $0xffff, v1  }
.Ltmp17:
0x344: {  	[tilespmem:s0+$0x4010] =	vst.add.f32.msk $0xffff, v2;
	(pc) =	sbr.rel @p0 .LBB2_36-.Ltmp17, $4  }
0x345: {  	[tilespmem:s0+$0x4020] =	vst.add.f32.msk $0xffff, v3  }
0x346: {  	[tilespmem:s0+$0x4030] =	vst.add.f32.msk $0xffff, v4  }
0x347: {  	[tilespmem:s0+$0x4040] =	vst.add.f32.msk $0xffff, v5  }
0x348: {  	s3 =	sadd.s32 $0x200, s3;
	[tilespmem:s0+$0x4050] =	vst.add.f32.msk $0xffff, v6  }
0x349: {  	[tilespmem:s0+$0x4060] =	vst.add.f32.msk $0xffff, v0  }
0x34a: {  	s2 =	sld [smem:$0x7E5];
	_ =	sdelay $0x1  }
0x34b: {  	s0 =	simm.s32 $0x0  }
0x34c: {  	[hbm4b:s2+s0] =	stream.linear.scatter [tilespmem:s17], [sflag:$0x6], $0x4000, $0x38;
	[tilespmem:$0x18000] =	vst v63  }
0x34d: {  	_ =	swait.ge [sflag:s23], $0x4000  }
0x34e: {  	s3 =	sld [smem:$0x7EB]  }
0x34f: {  	[sflag:s23] =	ssyncset.done $0x0  }
0x350: {  	[sflag:s23] =	ssyncadd.s32 $0xFFFFC000  }
0x351: {  	[tilespmem:s0], [sflag:$0x1] =	stream.linear.gather [hbm4b:s3+s0], $0x4000, $0x38;
	[tilespmem:$0x18000] =	vst v63  }
0x352: {  	_ =	swait.ge [sflag:s24], $0x4000  }
0x353: {  	[sflag:s24] =	ssyncset.done $0x0  }
0x354: {  	s0 =	simm.s32 $0x0;
	[sflag:s24] =	ssyncadd.s32 $0xFFFFC000  }
0x355: {  	v0 =	vld [tilespmem:s0+$0x10070]  }
0x356: {  	v1 =	vld [tilespmem:s0+$0x10000]  }
0x357: {  	v2 =	vld [tilespmem:s0+$0x10010]  }
0x358: {  	v3 =	vld [tilespmem:s0+$0x10020]  }
0x359: {  	v4 =	vld [tilespmem:s0+$0x10030]  }
0x35a: {  	v5 =	vld [tilespmem:s0+$0x10040]  }
0x35b: {  	v6 =	vld [tilespmem:s0+$0x10050]  }
0x35c: {  	[tilespmem:s0+$0x8070] =	vst.add.f32.msk $0xffff, v0  }
0x35d: {  	v0 =	vld [tilespmem:s0+$0x10060]  }
0x35e: {  	[tilespmem:s0+$0x8000] =	vst.add.f32.msk $0xffff, v1  }
0x35f: {  	[tilespmem:s0+$0x8010] =	vst.add.f32.msk $0xffff, v2  }
0x360: {  	[tilespmem:s0+$0x8020] =	vst.add.f32.msk $0xffff, v3  }
0x361: {  	[tilespmem:s0+$0x8030] =	vst.add.f32.msk $0xffff, v4  }
0x362: {  	[tilespmem:s0+$0x8040] =	vst.add.f32.msk $0xffff, v5  }
0x363: {  	s2 =	simm.s32 $0x0;
	s3 =	simm.s32 $0x200;
	[tilespmem:s0+$0x8050] =	vst.add.f32.msk $0xffff, v6  }
.LBB2_38:
0x364: {  	s2 =	sadd.s32 $0x80, s2;
	[tilespmem:s0+$0x8060] =	vst.add.f32.msk $0xffff, v0;
	s0 =	sshra.s32 s3, $0x2  }
0x365: {  	v0 =	vld [tilespmem:s0+$0x10070];
	p0 =	slt.u32 s2, $0x3F80  }
0x366: {  	v1 =	vld [tilespmem:s0+$0x10000]  }
0x367: {  	v2 =	vld [tilespmem:s0+$0x10010]  }
0x368: {  	v3 =	vld [tilespmem:s0+$0x10020]  }
0x369: {  	v4 =	vld [tilespmem:s0+$0x10030]  }
0x36a: {  	[tilespmem:s0+$0x8070] =	vst.add.f32.msk $0xffff, v0  }
0x36b: {  	v5 =	vld [tilespmem:s0+$0x10040]  }
0x36c: {  	v6 =	vld [tilespmem:s0+$0x10050]  }
0x36d: {  	v0 =	vld [tilespmem:s0+$0x10060]  }
0x36e: {  	[tilespmem:s0+$0x8000] =	vst.add.f32.msk $0xffff, v1  }
.Ltmp18:
0x36f: {  	[tilespmem:s0+$0x8010] =	vst.add.f32.msk $0xffff, v2;
	(pc) =	sbr.rel @p0 .LBB2_38-.Ltmp18, $4  }
0x370: {  	[tilespmem:s0+$0x8020] =	vst.add.f32.msk $0xffff, v3  }
0x371: {  	[tilespmem:s0+$0x8030] =	vst.add.f32.msk $0xffff, v4  }
0x372: {  	[tilespmem:s0+$0x8040] =	vst.add.f32.msk $0xffff, v5  }
0x373: {  	s3 =	sadd.s32 $0x200, s3;
	[tilespmem:s0+$0x8050] =	vst.add.f32.msk $0xffff, v6  }
0x374: {  	[tilespmem:s0+$0x8060] =	vst.add.f32.msk $0xffff, v0  }
0x375: {  	s2 =	sld [smem:$0x7E7];
	_ =	sdelay $0x1  }
0x376: {  	s0 =	simm.s32 $0x0  }
0x377: {  	[hbm4b:s2+s0] =	stream.linear.scatter [tilespmem:s18], [sflag:$0x7], $0x4000, $0x38;
	[tilespmem:$0x18000] =	vst v63  }
0x378: {  	_ =	swait.ge [sflag:s25], $0x4000  }
0x379: {  	s3 =	sld [smem:$0x7ED]  }
0x37a: {  	[sflag:s25] =	ssyncset.done $0x0  }
0x37b: {  	[sflag:s25] =	ssyncadd.s32 $0xFFFFC000  }
0x37c: {  	[tilespmem:s17], [sflag:$0x2] =	stream.linear.gather [hbm4b:s3+s0], $0x4000, $0x38;
	[tilespmem:$0x18000] =	vst v63  }
0x37d: {  	_ =	swait.ge [sflag:s26], $0x4000  }
0x37e: {  	[sflag:s26] =	ssyncset.done $0x0  }
0x37f: {  	s0 =	simm.s32 $0x0;
	[sflag:s26] =	ssyncadd.s32 $0xFFFFC000  }
0x380: {  	v0 =	vld [tilespmem:s0+$0x10070]  }
0x381: {  	v1 =	vld [tilespmem:s0+$0x10000]  }
0x382: {  	v2 =	vld [tilespmem:s0+$0x10010]  }
0x383: {  	v3 =	vld [tilespmem:s0+$0x10020]  }
0x384: {  	v4 =	vld [tilespmem:s0+$0x10030]  }
0x385: {  	v5 =	vld [tilespmem:s0+$0x10040]  }
0x386: {  	v6 =	vld [tilespmem:s0+$0x10050]  }
0x387: {  	[tilespmem:s0+$0xC070] =	vst.add.f32.msk $0xffff, v0  }
0x388: {  	v0 =	vld [tilespmem:s0+$0x10060]  }
0x389: {  	[tilespmem:s0+$0xC000] =	vst.add.f32.msk $0xffff, v1  }
0x38a: {  	[tilespmem:s0+$0xC010] =	vst.add.f32.msk $0xffff, v2  }
0x38b: {  	[tilespmem:s0+$0xC020] =	vst.add.f32.msk $0xffff, v3  }
0x38c: {  	[tilespmem:s0+$0xC030] =	vst.add.f32.msk $0xffff, v4  }
0x38d: {  	[tilespmem:s0+$0xC040] =	vst.add.f32.msk $0xffff, v5  }
0x38e: {  	s2 =	simm.s32 $0x0;
	s3 =	simm.s32 $0x200;
	[tilespmem:s0+$0xC050] =	vst.add.f32.msk $0xffff, v6  }
.LBB2_40:
0x38f: {  	s2 =	sadd.s32 $0x80, s2;
	[tilespmem:s0+$0xC060] =	vst.add.f32.msk $0xffff, v0;
	s0 =	sshra.s32 s3, $0x2  }
0x390: {  	v0 =	vld [tilespmem:s0+$0x10070];
	p0 =	slt.u32 s2, $0x3F80  }
0x391: {  	v1 =	vld [tilespmem:s0+$0x10000]  }
0x392: {  	v2 =	vld [tilespmem:s0+$0x10010]  }
0x393: {  	v3 =	vld [tilespmem:s0+$0x10020]  }
0x394: {  	v4 =	vld [tilespmem:s0+$0x10030]  }
0x395: {  	[tilespmem:s0+$0xC070] =	vst.add.f32.msk $0xffff, v0  }
0x396: {  	v5 =	vld [tilespmem:s0+$0x10040]  }
0x397: {  	v6 =	vld [tilespmem:s0+$0x10050]  }
0x398: {  	v0 =	vld [tilespmem:s0+$0x10060]  }
0x399: {  	[tilespmem:s0+$0xC000] =	vst.add.f32.msk $0xffff, v1  }
.Ltmp19:
0x39a: {  	[tilespmem:s0+$0xC010] =	vst.add.f32.msk $0xffff, v2;
	(pc) =	sbr.rel @p0 .LBB2_40-.Ltmp19, $4  }
0x39b: {  	[tilespmem:s0+$0xC020] =	vst.add.f32.msk $0xffff, v3  }
0x39c: {  	[tilespmem:s0+$0xC030] =	vst.add.f32.msk $0xffff, v4  }
0x39d: {  	[tilespmem:s0+$0xC040] =	vst.add.f32.msk $0xffff, v5  }
0x39e: {  	s3 =	sadd.s32 $0x200, s3;
	[tilespmem:s0+$0xC050] =	vst.add.f32.msk $0xffff, v6  }
0x39f: {  	[tilespmem:s0+$0xC060] =	vst.add.f32.msk $0xffff, v0  }
0x3a0: {  	s2 =	sld [smem:$0x7E9];
	_ =	sdelay $0x1  }
0x3a1: {  	s0 =	simm.s32 $0x0  }
0x3a2: {  	[hbm4b:s2+s0] =	stream.linear.scatter [tilespmem:s21], [sflag:$0x8], $0x4000, $0x38;
	[tilespmem:$0x18000] =	vst v63  }
0x3a3: {  	_ =	swait.ge [sflag:s28], $0x4000  }
0x3a4: {  	s3 =	sld [smem:$0x7EF]  }
0x3a5: {  	[sflag:s28] =	ssyncset.done $0x0  }
0x3a6: {  	[sflag:s28] =	ssyncadd.s32 $0xFFFFC000  }
0x3a7: {  	[tilespmem:s18], [sflag:$0x3] =	stream.linear.gather [hbm4b:s3+s0], $0x4000, $0x38;
	[tilespmem:$0x18000] =	vst v63  }
0x3a8: {  	s3 =	sld [smem:$0x7F4];
	_ =	sdelay $0x2  }
0x3a9: {  	[tilespmem:s15], [sflag:$0x9] =	stream.linear.gather [hbm4b:s3+s0], $0x4000, $0x38;
	[tilespmem:$0x18000] =	vst v63  }
0x3aa: {  	_ =	swait.ge [sflag:s19], $0x4000  }
0x3ab: {  	[sflag:s19] =	ssyncset.done $0x0  }
0x3ac: {  	[sflag:s19] =	ssyncadd.s32 $0xFFFFC000  }
0x3ad: {  	_ =	swait.ge [sflag:s29], $0x4000  }
0x3ae: {  	[sflag:s29] =	ssyncset.done $0x0  }
0x3af: {  	s0 =	simm.s32 $0x0;
	[sflag:s29] =	ssyncadd.s32 $0xFFFFC000  }
0x3b0: {  	v0 =	vld [tilespmem:s0+$0x14070]  }
0x3b1: {  	v1 =	vld [tilespmem:s0+$0x14000]  }
0x3b2: {  	v2 =	vld [tilespmem:s0+$0x14010]  }
0x3b3: {  	v3 =	vld [tilespmem:s0+$0x14020]  }
0x3b4: {  	v4 =	vld [tilespmem:s0+$0x14030]  }
0x3b5: {  	v5 =	vld [tilespmem:s0+$0x14040]  }
0x3b6: {  	v6 =	vld [tilespmem:s0+$0x14050]  }
0x3b7: {  	[tilespmem:s0+$0x70] =	vst.add.f32.msk $0xffff, v0  }
0x3b8: {  	v0 =	vld [tilespmem:s0+$0x14060]  }
0x3b9: {  	[tilespmem:s0+$0x0] =	vst.add.f32.msk $0xffff, v1  }
0x3ba: {  	[tilespmem:s0+$0x10] =	vst.add.f32.msk $0xffff, v2  }
0x3bb: {  	[tilespmem:s0+$0x20] =	vst.add.f32.msk $0xffff, v3  }
0x3bc: {  	[tilespmem:s0+$0x30] =	vst.add.f32.msk $0xffff, v4  }
0x3bd: {  	[tilespmem:s0+$0x40] =	vst.add.f32.msk $0xffff, v5  }
0x3be: {  	s2 =	simm.s32 $0x0;
	s3 =	simm.s32 $0x200;
	[tilespmem:s0+$0x50] =	vst.add.f32.msk $0xffff, v6  }
.LBB2_42:
0x3bf: {  	s2 =	sadd.s32 $0x80, s2;
	[tilespmem:s0+$0x60] =	vst.add.f32.msk $0xffff, v0;
	s0 =	sshra.s32 s3, $0x2  }
0x3c0: {  	v0 =	vld [tilespmem:s0+$0x14070];
	p0 =	slt.u32 s2, $0x3F80  }
0x3c1: {  	v1 =	vld [tilespmem:s0+$0x14000]  }
0x3c2: {  	v2 =	vld [tilespmem:s0+$0x14010]  }
0x3c3: {  	v3 =	vld [tilespmem:s0+$0x14020]  }
0x3c4: {  	v4 =	vld [tilespmem:s0+$0x14030]  }
0x3c5: {  	[tilespmem:s0+$0x70] =	vst.add.f32.msk $0xffff, v0  }
0x3c6: {  	v5 =	vld [tilespmem:s0+$0x14040]  }
0x3c7: {  	v6 =	vld [tilespmem:s0+$0x14050]  }
0x3c8: {  	v0 =	vld [tilespmem:s0+$0x14060]  }
0x3c9: {  	[tilespmem:s0+$0x0] =	vst.add.f32.msk $0xffff, v1  }
.Ltmp20:
0x3ca: {  	[tilespmem:s0+$0x10] =	vst.add.f32.msk $0xffff, v2;
	(pc) =	sbr.rel @p0 .LBB2_42-.Ltmp20, $4  }
0x3cb: {  	[tilespmem:s0+$0x20] =	vst.add.f32.msk $0xffff, v3  }
0x3cc: {  	[tilespmem:s0+$0x30] =	vst.add.f32.msk $0xffff, v4  }
0x3cd: {  	[tilespmem:s0+$0x40] =	vst.add.f32.msk $0xffff, v5  }
0x3ce: {  	s3 =	sadd.s32 $0x200, s3;
	[tilespmem:s0+$0x50] =	vst.add.f32.msk $0xffff, v6  }
0x3cf: {  	[tilespmem:s0+$0x60] =	vst.add.f32.msk $0xffff, v0  }
0x3d0: {  	s2 =	sld [smem:$0x7EC];
	_ =	sdelay $0x1  }
0x3d1: {  	s0 =	simm.s32 $0x0  }
0x3d2: {  	[hbm4b:s2+s0] =	stream.linear.scatter [tilespmem:s0], [sflag:$0x5], $0x4000, $0x38;
	[tilespmem:$0x18000] =	vst v63  }
0x3d3: {  	_ =	swait.ge [sflag:s30], $0x4000  }
0x3d4: {  	s3 =	sld [smem:$0x7F1]  }
0x3d5: {  	[sflag:s30] =	ssyncset.done $0x0  }
0x3d6: {  	[sflag:s30] =	ssyncadd.s32 $0xFFFFC000  }
0x3d7: {  	[tilespmem:s21], [sflag:$0x4] =	stream.linear.gather [hbm4b:s3+s0], $0x4000, $0x38;
	[tilespmem:$0x18000] =	vst v63  }
0x3d8: {  	_ =	swait.ge [sflag:s22], $0x4000  }
0x3d9: {  	[sflag:s22] =	ssyncset.done $0x0  }
0x3da: {  	s0 =	simm.s32 $0x0;
	[sflag:s22] =	ssyncadd.s32 $0xFFFFC000  }
0x3db: {  	v0 =	vld [tilespmem:s0+$0x14070]  }
0x3dc: {  	v1 =	vld [tilespmem:s0+$0x14000]  }
0x3dd: {  	v2 =	vld [tilespmem:s0+$0x14010]  }
0x3de: {  	v3 =	vld [tilespmem:s0+$0x14020]  }
0x3df: {  	v4 =	vld [tilespmem:s0+$0x14030]  }
0x3e0: {  	v5 =	vld [tilespmem:s0+$0x14040]  }
0x3e1: {  	v6 =	vld [tilespmem:s0+$0x14050]  }
0x3e2: {  	[tilespmem:s0+$0x4070] =	vst.add.f32.msk $0xffff, v0  }
0x3e3: {  	v0 =	vld [tilespmem:s0+$0x14060]  }
0x3e4: {  	[tilespmem:s0+$0x4000] =	vst.add.f32.msk $0xffff, v1  }
0x3e5: {  	[tilespmem:s0+$0x4010] =	vst.add.f32.msk $0xffff, v2  }
0x3e6: {  	[tilespmem:s0+$0x4020] =	vst.add.f32.msk $0xffff, v3  }
0x3e7: {  	[tilespmem:s0+$0x4030] =	vst.add.f32.msk $0xffff, v4  }
0x3e8: {  	[tilespmem:s0+$0x4040] =	vst.add.f32.msk $0xffff, v5  }
0x3e9: {  	s2 =	simm.s32 $0x0;
	s3 =	simm.s32 $0x200;
	[tilespmem:s0+$0x4050] =	vst.add.f32.msk $0xffff, v6  }
.LBB2_44:
0x3ea: {  	s2 =	sadd.s32 $0x80, s2;
	[tilespmem:s0+$0x4060] =	vst.add.f32.msk $0xffff, v0;
	s0 =	sshra.s32 s3, $0x2  }
0x3eb: {  	v0 =	vld [tilespmem:s0+$0x14070];
	p0 =	slt.u32 s2, $0x3F80  }
0x3ec: {  	v1 =	vld [tilespmem:s0+$0x14000]  }
0x3ed: {  	v2 =	vld [tilespmem:s0+$0x14010]  }
0x3ee: {  	v3 =	vld [tilespmem:s0+$0x14020]  }
0x3ef: {  	v4 =	vld [tilespmem:s0+$0x14030]  }
0x3f0: {  	[tilespmem:s0+$0x4070] =	vst.add.f32.msk $0xffff, v0  }
0x3f1: {  	v5 =	vld [tilespmem:s0+$0x14040]  }
0x3f2: {  	v6 =	vld [tilespmem:s0+$0x14050]  }
0x3f3: {  	v0 =	vld [tilespmem:s0+$0x14060]  }
0x3f4: {  	[tilespmem:s0+$0x4000] =	vst.add.f32.msk $0xffff, v1  }
.Ltmp21:
0x3f5: {  	[tilespmem:s0+$0x4010] =	vst.add.f32.msk $0xffff, v2;
	(pc) =	sbr.rel @p0 .LBB2_44-.Ltmp21, $4  }
0x3f6: {  	[tilespmem:s0+$0x4020] =	vst.add.f32.msk $0xffff, v3  }
0x3f7: {  	[tilespmem:s0+$0x4030] =	vst.add.f32.msk $0xffff, v4  }
0x3f8: {  	[tilespmem:s0+$0x4040] =	vst.add.f32.msk $0xffff, v5  }
0x3f9: {  	s3 =	sadd.s32 $0x200, s3;
	[tilespmem:s0+$0x4050] =	vst.add.f32.msk $0xffff, v6  }
0x3fa: {  	[tilespmem:s0+$0x4060] =	vst.add.f32.msk $0xffff, v0  }
0x3fb: {  	s2 =	sld [smem:$0x7EE];
	_ =	sdelay $0x1  }
0x3fc: {  	s0 =	simm.s32 $0x0  }
0x3fd: {  	[hbm4b:s2+s0] =	stream.linear.scatter [tilespmem:s17], [sflag:$0x6], $0x4000, $0x38;
	[tilespmem:$0x18000] =	vst v63  }
0x3fe: {  	_ =	swait.ge [sflag:s23], $0x4000  }
0x3ff: {  	s3 =	sld [smem:$0x7F6]  }
0x400: {  	[sflag:s23] =	ssyncset.done $0x0  }
0x401: {  	[sflag:s23] =	ssyncadd.s32 $0xFFFFC000  }
0x402: {  	[tilespmem:s0], [sflag:$0x1] =	stream.linear.gather [hbm4b:s3+s0], $0x4000, $0x38;
	[tilespmem:$0x18000] =	vst v63  }
0x403: {  	_ =	swait.ge [sflag:s24], $0x4000  }
0x404: {  	[sflag:s24] =	ssyncset.done $0x0  }
0x405: {  	s0 =	simm.s32 $0x0;
	[sflag:s24] =	ssyncadd.s32 $0xFFFFC000  }
0x406: {  	v0 =	vld [tilespmem:s0+$0x14070]  }
0x407: {  	v1 =	vld [tilespmem:s0+$0x14000]  }
0x408: {  	v2 =	vld [tilespmem:s0+$0x14010]  }
0x409: {  	v3 =	vld [tilespmem:s0+$0x14020]  }
0x40a: {  	v4 =	vld [tilespmem:s0+$0x14030]  }
0x40b: {  	v5 =	vld [tilespmem:s0+$0x14040]  }
0x40c: {  	v6 =	vld [tilespmem:s0+$0x14050]  }
0x40d: {  	[tilespmem:s0+$0x8070] =	vst.add.f32.msk $0xffff, v0  }
0x40e: {  	v0 =	vld [tilespmem:s0+$0x14060]  }
0x40f: {  	[tilespmem:s0+$0x8000] =	vst.add.f32.msk $0xffff, v1  }
0x410: {  	[tilespmem:s0+$0x8010] =	vst.add.f32.msk $0xffff, v2  }
0x411: {  	[tilespmem:s0+$0x8020] =	vst.add.f32.msk $0xffff, v3  }
0x412: {  	[tilespmem:s0+$0x8030] =	vst.add.f32.msk $0xffff, v4  }
0x413: {  	[tilespmem:s0+$0x8040] =	vst.add.f32.msk $0xffff, v5  }
0x414: {  	s2 =	simm.s32 $0x0;
	s3 =	simm.s32 $0x200;
	[tilespmem:s0+$0x8050] =	vst.add.f32.msk $0xffff, v6  }
.LBB2_46:
0x415: {  	s2 =	sadd.s32 $0x80, s2;
	[tilespmem:s0+$0x8060] =	vst.add.f32.msk $0xffff, v0;
	s0 =	sshra.s32 s3, $0x2  }
0x416: {  	v0 =	vld [tilespmem:s0+$0x14070];
	p0 =	slt.u32 s2, $0x3F80  }
0x417: {  	v1 =	vld [tilespmem:s0+$0x14000]  }
0x418: {  	v2 =	vld [tilespmem:s0+$0x14010]  }
0x419: {  	v3 =	vld [tilespmem:s0+$0x14020]  }
0x41a: {  	v4 =	vld [tilespmem:s0+$0x14030]  }
0x41b: {  	[tilespmem:s0+$0x8070] =	vst.add.f32.msk $0xffff, v0  }
0x41c: {  	v5 =	vld [tilespmem:s0+$0x14040]  }
0x41d: {  	v6 =	vld [tilespmem:s0+$0x14050]  }
0x41e: {  	v0 =	vld [tilespmem:s0+$0x14060]  }
0x41f: {  	[tilespmem:s0+$0x8000] =	vst.add.f32.msk $0xffff, v1  }
.Ltmp22:
0x420: {  	[tilespmem:s0+$0x8010] =	vst.add.f32.msk $0xffff, v2;
	(pc) =	sbr.rel @p0 .LBB2_46-.Ltmp22, $4  }
0x421: {  	[tilespmem:s0+$0x8020] =	vst.add.f32.msk $0xffff, v3  }
0x422: {  	[tilespmem:s0+$0x8030] =	vst.add.f32.msk $0xffff, v4  }
0x423: {  	[tilespmem:s0+$0x8040] =	vst.add.f32.msk $0xffff, v5  }
0x424: {  	s3 =	sadd.s32 $0x200, s3;
	[tilespmem:s0+$0x8050] =	vst.add.f32.msk $0xffff, v6  }
0x425: {  	[tilespmem:s0+$0x8060] =	vst.add.f32.msk $0xffff, v0  }
0x426: {  	s2 =	sld [smem:$0x7F0];
	_ =	sdelay $0x1  }
0x427: {  	s0 =	simm.s32 $0x0  }
0x428: {  	[hbm4b:s2+s0] =	stream.linear.scatter [tilespmem:s18], [sflag:$0x7], $0x4000, $0x38;
	[tilespmem:$0x18000] =	vst v63  }
0x429: {  	_ =	swait.ge [sflag:s25], $0x4000  }
0x42a: {  	s3 =	sld [smem:$0x7F8]  }
0x42b: {  	[sflag:s25] =	ssyncset.done $0x0  }
0x42c: {  	[sflag:s25] =	ssyncadd.s32 $0xFFFFC000  }
0x42d: {  	[tilespmem:s17], [sflag:$0x2] =	stream.linear.gather [hbm4b:s3+s0], $0x4000, $0x38;
	[tilespmem:$0x18000] =	vst v63  }
0x42e: {  	_ =	swait.ge [sflag:s26], $0x4000  }
0x42f: {  	[sflag:s26] =	ssyncset.done $0x0  }
0x430: {  	s0 =	simm.s32 $0x0;
	[sflag:s26] =	ssyncadd.s32 $0xFFFFC000  }
0x431: {  	v0 =	vld [tilespmem:s0+$0x14070]  }
0x432: {  	v1 =	vld [tilespmem:s0+$0x14000]  }
0x433: {  	v2 =	vld [tilespmem:s0+$0x14010]  }
0x434: {  	v3 =	vld [tilespmem:s0+$0x14020]  }
0x435: {  	v4 =	vld [tilespmem:s0+$0x14030]  }
0x436: {  	v5 =	vld [tilespmem:s0+$0x14040]  }
0x437: {  	v6 =	vld [tilespmem:s0+$0x14050]  }
0x438: {  	[tilespmem:s0+$0xC070] =	vst.add.f32.msk $0xffff, v0  }
0x439: {  	v0 =	vld [tilespmem:s0+$0x14060]  }
0x43a: {  	[tilespmem:s0+$0xC000] =	vst.add.f32.msk $0xffff, v1  }
0x43b: {  	[tilespmem:s0+$0xC010] =	vst.add.f32.msk $0xffff, v2  }
0x43c: {  	[tilespmem:s0+$0xC020] =	vst.add.f32.msk $0xffff, v3  }
0x43d: {  	[tilespmem:s0+$0xC030] =	vst.add.f32.msk $0xffff, v4  }
0x43e: {  	[tilespmem:s0+$0xC040] =	vst.add.f32.msk $0xffff, v5  }
0x43f: {  	s2 =	simm.s32 $0x0;
	s3 =	simm.s32 $0x200;
	[tilespmem:s0+$0xC050] =	vst.add.f32.msk $0xffff, v6  }
.LBB2_48:
0x440: {  	s2 =	sadd.s32 $0x80, s2;
	[tilespmem:s0+$0xC060] =	vst.add.f32.msk $0xffff, v0;
	s0 =	sshra.s32 s3, $0x2  }
0x441: {  	v0 =	vld [tilespmem:s0+$0x14070];
	p0 =	slt.u32 s2, $0x3F80  }
0x442: {  	v1 =	vld [tilespmem:s0+$0x14000]  }
0x443: {  	v2 =	vld [tilespmem:s0+$0x14010]  }
0x444: {  	v3 =	vld [tilespmem:s0+$0x14020]  }
0x445: {  	v4 =	vld [tilespmem:s0+$0x14030]  }
0x446: {  	[tilespmem:s0+$0xC070] =	vst.add.f32.msk $0xffff, v0  }
0x447: {  	v5 =	vld [tilespmem:s0+$0x14040]  }
0x448: {  	v6 =	vld [tilespmem:s0+$0x14050]  }
0x449: {  	v0 =	vld [tilespmem:s0+$0x14060]  }
0x44a: {  	[tilespmem:s0+$0xC000] =	vst.add.f32.msk $0xffff, v1  }
.Ltmp23:
0x44b: {  	[tilespmem:s0+$0xC010] =	vst.add.f32.msk $0xffff, v2;
	(pc) =	sbr.rel @p0 .LBB2_48-.Ltmp23, $4  }
0x44c: {  	[tilespmem:s0+$0xC020] =	vst.add.f32.msk $0xffff, v3  }
0x44d: {  	[tilespmem:s0+$0xC030] =	vst.add.f32.msk $0xffff, v4  }
0x44e: {  	[tilespmem:s0+$0xC040] =	vst.add.f32.msk $0xffff, v5  }
0x44f: {  	s3 =	sadd.s32 $0x200, s3;
	[tilespmem:s0+$0xC050] =	vst.add.f32.msk $0xffff, v6  }
0x450: {  	[tilespmem:s0+$0xC060] =	vst.add.f32.msk $0xffff, v0  }
0x451: {  	s2 =	sld [smem:$0x7F2];
	_ =	sdelay $0x1  }
0x452: {  	s0 =	simm.s32 $0x0  }
0x453: {  	[hbm4b:s2+s0] =	stream.linear.scatter [tilespmem:s21], [sflag:$0x8], $0x4000, $0x38;
	[tilespmem:$0x18000] =	vst v63  }
0x454: {  	_ =	swait.ge [sflag:s28], $0x4000  }
0x455: {  	s3 =	sld [smem:$0x7FA]  }
0x456: {  	[sflag:s28] =	ssyncset.done $0x0  }
0x457: {  	[sflag:s28] =	ssyncadd.s32 $0xFFFFC000  }
0x458: {  	[tilespmem:s18], [sflag:$0x3] =	stream.linear.gather [hbm4b:s3+s0], $0x4000, $0x38;
	[tilespmem:$0x18000] =	vst v63  }
0x459: {  	s3 =	sld [smem:$0x7F5];
	_ =	sdelay $0x2  }
0x45a: {  	[tilespmem:s16], [sflag:$0xA] =	stream.linear.gather [hbm4b:s3+s0], $0x4000, $0x38;
	[tilespmem:$0x18000] =	vst v63  }
0x45b: {  	_ =	swait.ge [sflag:s19], $0x4000  }
0x45c: {  	[sflag:s19] =	ssyncset.done $0x0  }
0x45d: {  	[sflag:s19] =	ssyncadd.s32 $0xFFFFC000  }
0x45e: {  	_ =	swait.ge [sflag:s20], $0x4000  }
0x45f: {  	[sflag:s20] =	ssyncset.done $0x0  }
0x460: {  	s0 =	simm.s32 $0x0;
	[sflag:s20] =	ssyncadd.s32 $0xFFFFC000  }
0x461: {  	v0 =	vld [tilespmem:s0+$0x10070]  }
0x462: {  	v1 =	vld [tilespmem:s0+$0x10000]  }
0x463: {  	v2 =	vld [tilespmem:s0+$0x10010]  }
0x464: {  	v3 =	vld [tilespmem:s0+$0x10020]  }
0x465: {  	v4 =	vld [tilespmem:s0+$0x10030]  }
0x466: {  	v5 =	vld [tilespmem:s0+$0x10040]  }
0x467: {  	v6 =	vld [tilespmem:s0+$0x10050]  }
0x468: {  	[tilespmem:s0+$0x70] =	vst.add.f32.msk $0xffff, v0  }
0x469: {  	v0 =	vld [tilespmem:s0+$0x10060]  }
0x46a: {  	[tilespmem:s0+$0x0] =	vst.add.f32.msk $0xffff, v1  }
0x46b: {  	[tilespmem:s0+$0x10] =	vst.add.f32.msk $0xffff, v2  }
0x46c: {  	[tilespmem:s0+$0x20] =	vst.add.f32.msk $0xffff, v3  }
0x46d: {  	[tilespmem:s0+$0x30] =	vst.add.f32.msk $0xffff, v4  }
0x46e: {  	[tilespmem:s0+$0x40] =	vst.add.f32.msk $0xffff, v5  }
0x46f: {  	s2 =	simm.s32 $0x0;
	s3 =	simm.s32 $0x200;
	[tilespmem:s0+$0x50] =	vst.add.f32.msk $0xffff, v6  }
.LBB2_50:
0x470: {  	s2 =	sadd.s32 $0x80, s2;
	[tilespmem:s0+$0x60] =	vst.add.f32.msk $0xffff, v0;
	s0 =	sshra.s32 s3, $0x2  }
0x471: {  	v0 =	vld [tilespmem:s0+$0x10070];
	p0 =	slt.u32 s2, $0x3F80  }
0x472: {  	v1 =	vld [tilespmem:s0+$0x10000]  }
0x473: {  	v2 =	vld [tilespmem:s0+$0x10010]  }
0x474: {  	v3 =	vld [tilespmem:s0+$0x10020]  }
0x475: {  	v4 =	vld [tilespmem:s0+$0x10030]  }
0x476: {  	[tilespmem:s0+$0x70] =	vst.add.f32.msk $0xffff, v0  }
0x477: {  	v5 =	vld [tilespmem:s0+$0x10040]  }
0x478: {  	v6 =	vld [tilespmem:s0+$0x10050]  }
0x479: {  	v0 =	vld [tilespmem:s0+$0x10060]  }
0x47a: {  	[tilespmem:s0+$0x0] =	vst.add.f32.msk $0xffff, v1  }
.Ltmp24:
0x47b: {  	[tilespmem:s0+$0x10] =	vst.add.f32.msk $0xffff, v2;
	(pc) =	sbr.rel @p0 .LBB2_50-.Ltmp24, $4  }
0x47c: {  	[tilespmem:s0+$0x20] =	vst.add.f32.msk $0xffff, v3  }
0x47d: {  	[tilespmem:s0+$0x30] =	vst.add.f32.msk $0xffff, v4  }
0x47e: {  	[tilespmem:s0+$0x40] =	vst.add.f32.msk $0xffff, v5  }
0x47f: {  	s3 =	sadd.s32 $0x200, s3;
	[tilespmem:s0+$0x50] =	vst.add.f32.msk $0xffff, v6  }
0x480: {  	[tilespmem:s0+$0x60] =	vst.add.f32.msk $0xffff, v0  }
0x481: {  	s2 =	sld [smem:$0x7F7];
	_ =	sdelay $0x1  }
0x482: {  	s0 =	simm.s32 $0x0  }
0x483: {  	[hbm4b:s2+s0] =	stream.linear.scatter [tilespmem:s0], [sflag:$0x5], $0x4000, $0x38;
	[tilespmem:$0x18000] =	vst v63  }
0x484: {  	_ =	swait.ge [sflag:s30], $0x4000  }
0x485: {  	s3 =	sld [smem:$0x7FC]  }
0x486: {  	[sflag:s30] =	ssyncset.done $0x0  }
0x487: {  	[sflag:s30] =	ssyncadd.s32 $0xFFFFC000  }
0x488: {  	[tilespmem:s21], [sflag:$0x4] =	stream.linear.gather [hbm4b:s3+s0], $0x4000, $0x38;
	[tilespmem:$0x18000] =	vst v63  }
0x489: {  	_ =	swait.ge [sflag:s22], $0x4000  }
0x48a: {  	[sflag:s22] =	ssyncset.done $0x0  }
0x48b: {  	s0 =	simm.s32 $0x0;
	[sflag:s22] =	ssyncadd.s32 $0xFFFFC000  }
0x48c: {  	v0 =	vld [tilespmem:s0+$0x10070]  }
0x48d: {  	v1 =	vld [tilespmem:s0+$0x10000]  }
0x48e: {  	v2 =	vld [tilespmem:s0+$0x10010]  }
0x48f: {  	v3 =	vld [tilespmem:s0+$0x10020]  }
0x490: {  	v4 =	vld [tilespmem:s0+$0x10030]  }
0x491: {  	v5 =	vld [tilespmem:s0+$0x10040]  }
0x492: {  	v6 =	vld [tilespmem:s0+$0x10050]  }
0x493: {  	[tilespmem:s0+$0x4070] =	vst.add.f32.msk $0xffff, v0  }
0x494: {  	v0 =	vld [tilespmem:s0+$0x10060]  }
0x495: {  	[tilespmem:s0+$0x4000] =	vst.add.f32.msk $0xffff, v1  }
0x496: {  	[tilespmem:s0+$0x4010] =	vst.add.f32.msk $0xffff, v2  }
0x497: {  	[tilespmem:s0+$0x4020] =	vst.add.f32.msk $0xffff, v3  }
0x498: {  	[tilespmem:s0+$0x4030] =	vst.add.f32.msk $0xffff, v4  }
0x499: {  	[tilespmem:s0+$0x4040] =	vst.add.f32.msk $0xffff, v5  }
0x49a: {  	s2 =	simm.s32 $0x0;
	s3 =	simm.s32 $0x200;
	[tilespmem:s0+$0x4050] =	vst.add.f32.msk $0xffff, v6  }
.LBB2_52:
0x49b: {  	s2 =	sadd.s32 $0x80, s2;
	[tilespmem:s0+$0x4060] =	vst.add.f32.msk $0xffff, v0;
	s0 =	sshra.s32 s3, $0x2  }
0x49c: {  	v0 =	vld [tilespmem:s0+$0x10070];
	p0 =	slt.u32 s2, $0x3F80  }
0x49d: {  	v1 =	vld [tilespmem:s0+$0x10000]  }
0x49e: {  	v2 =	vld [tilespmem:s0+$0x10010]  }
0x49f: {  	v3 =	vld [tilespmem:s0+$0x10020]  }
0x4a0: {  	v4 =	vld [tilespmem:s0+$0x10030]  }
0x4a1: {  	[tilespmem:s0+$0x4070] =	vst.add.f32.msk $0xffff, v0  }
0x4a2: {  	v5 =	vld [tilespmem:s0+$0x10040]  }
0x4a3: {  	v6 =	vld [tilespmem:s0+$0x10050]  }
0x4a4: {  	v0 =	vld [tilespmem:s0+$0x10060]  }
0x4a5: {  	[tilespmem:s0+$0x4000] =	vst.add.f32.msk $0xffff, v1  }
.Ltmp25:
0x4a6: {  	[tilespmem:s0+$0x4010] =	vst.add.f32.msk $0xffff, v2;
	(pc) =	sbr.rel @p0 .LBB2_52-.Ltmp25, $4  }
0x4a7: {  	[tilespmem:s0+$0x4020] =	vst.add.f32.msk $0xffff, v3  }
0x4a8: {  	[tilespmem:s0+$0x4030] =	vst.add.f32.msk $0xffff, v4  }
0x4a9: {  	[tilespmem:s0+$0x4040] =	vst.add.f32.msk $0xffff, v5  }
0x4aa: {  	s3 =	sadd.s32 $0x200, s3;
	[tilespmem:s0+$0x4050] =	vst.add.f32.msk $0xffff, v6  }
0x4ab: {  	[tilespmem:s0+$0x4060] =	vst.add.f32.msk $0xffff, v0  }
0x4ac: {  	s2 =	sld [smem:$0x7F9];
	_ =	sdelay $0x1  }
0x4ad: {  	s3 =	simm.s32 $0x0  }
0x4ae: {  	[hbm4b:s2+s3] =	stream.linear.scatter [tilespmem:s17], [sflag:$0x6], $0x4000, $0x38;
	[tilespmem:$0x18000] =	vst v63  }
0x4af: {  	_ =	swait.ge [sflag:s23], $0x4000  }
0x4b0: {  	[sflag:s23] =	ssyncset.done $0x0  }
0x4b1: {  	[sflag:s23] =	ssyncadd.s32 $0xFFFFC000  }
0x4b2: {  	[tilespmem:s3], [sflag:$0x1] =	stream.linear.gather [hbm4b:s4+s3], $0x4000, $0x38;
	[tilespmem:$0x18000] =	vst v63  }
0x4b3: {  	_ =	swait.ge [sflag:s24], $0x4000  }
0x4b4: {  	[sflag:s24] =	ssyncset.done $0x0  }
0x4b5: {  	s0 =	simm.s32 $0x0;
	[sflag:s24] =	ssyncadd.s32 $0xFFFFC000  }
0x4b6: {  	v0 =	vld [tilespmem:s0+$0x10070]  }
0x4b7: {  	v1 =	vld [tilespmem:s0+$0x10000]  }
0x4b8: {  	v2 =	vld [tilespmem:s0+$0x10010]  }
0x4b9: {  	v3 =	vld [tilespmem:s0+$0x10020]  }
0x4ba: {  	v4 =	vld [tilespmem:s0+$0x10030]  }
0x4bb: {  	v5 =	vld [tilespmem:s0+$0x10040]  }
0x4bc: {  	v6 =	vld [tilespmem:s0+$0x10050]  }
0x4bd: {  	[tilespmem:s0+$0x8070] =	vst.add.f32.msk $0xffff, v0  }
0x4be: {  	v0 =	vld [tilespmem:s0+$0x10060]  }
0x4bf: {  	[tilespmem:s0+$0x8000] =	vst.add.f32.msk $0xffff, v1  }
0x4c0: {  	[tilespmem:s0+$0x8010] =	vst.add.f32.msk $0xffff, v2  }
0x4c1: {  	[tilespmem:s0+$0x8020] =	vst.add.f32.msk $0xffff, v3  }
0x4c2: {  	[tilespmem:s0+$0x8030] =	vst.add.f32.msk $0xffff, v4  }
0x4c3: {  	[tilespmem:s0+$0x8040] =	vst.add.f32.msk $0xffff, v5  }
0x4c4: {  	s2 =	simm.s32 $0x0;
	s3 =	simm.s32 $0x200;
	[tilespmem:s0+$0x8050] =	vst.add.f32.msk $0xffff, v6  }
.LBB2_54:
0x4c5: {  	s2 =	sadd.s32 $0x80, s2;
	[tilespmem:s0+$0x8060] =	vst.add.f32.msk $0xffff, v0;
	s0 =	sshra.s32 s3, $0x2  }
0x4c6: {  	v0 =	vld [tilespmem:s0+$0x10070];
	p0 =	slt.u32 s2, $0x3F80  }
0x4c7: {  	v1 =	vld [tilespmem:s0+$0x10000]  }
0x4c8: {  	v2 =	vld [tilespmem:s0+$0x10010]  }
0x4c9: {  	v3 =	vld [tilespmem:s0+$0x10020]  }
0x4ca: {  	v4 =	vld [tilespmem:s0+$0x10030]  }
0x4cb: {  	[tilespmem:s0+$0x8070] =	vst.add.f32.msk $0xffff, v0  }
0x4cc: {  	v5 =	vld [tilespmem:s0+$0x10040]  }
0x4cd: {  	v6 =	vld [tilespmem:s0+$0x10050]  }
0x4ce: {  	v0 =	vld [tilespmem:s0+$0x10060]  }
0x4cf: {  	[tilespmem:s0+$0x8000] =	vst.add.f32.msk $0xffff, v1  }
.Ltmp26:
0x4d0: {  	[tilespmem:s0+$0x8010] =	vst.add.f32.msk $0xffff, v2;
	(pc) =	sbr.rel @p0 .LBB2_54-.Ltmp26, $4  }
0x4d1: {  	[tilespmem:s0+$0x8020] =	vst.add.f32.msk $0xffff, v3  }
0x4d2: {  	[tilespmem:s0+$0x8030] =	vst.add.f32.msk $0xffff, v4  }
0x4d3: {  	[tilespmem:s0+$0x8040] =	vst.add.f32.msk $0xffff, v5  }
0x4d4: {  	s3 =	sadd.s32 $0x200, s3;
	[tilespmem:s0+$0x8050] =	vst.add.f32.msk $0xffff, v6  }
0x4d5: {  	[tilespmem:s0+$0x8060] =	vst.add.f32.msk $0xffff, v0  }
0x4d6: {  	s2 =	sld [smem:$0x7FB];
	_ =	sdelay $0x1  }
0x4d7: {  	s3 =	simm.s32 $0x0  }
0x4d8: {  	[hbm4b:s2+s3] =	stream.linear.scatter [tilespmem:s18], [sflag:$0x7], $0x4000, $0x38;
	[tilespmem:$0x18000] =	vst v63  }
0x4d9: {  	_ =	swait.ge [sflag:s25], $0x4000  }
0x4da: {  	[sflag:s25] =	ssyncset.done $0x0  }
0x4db: {  	[sflag:s25] =	ssyncadd.s32 $0xFFFFC000  }
0x4dc: {  	[tilespmem:s17], [sflag:$0x2] =	stream.linear.gather [hbm4b:s8+s3], $0x4000, $0x38;
	[tilespmem:$0x18000] =	vst v63  }
0x4dd: {  	_ =	swait.ge [sflag:s26], $0x4000  }
0x4de: {  	[sflag:s26] =	ssyncset.done $0x0  }
0x4df: {  	s0 =	simm.s32 $0x0;
	[sflag:s26] =	ssyncadd.s32 $0xFFFFC000  }
0x4e0: {  	v0 =	vld [tilespmem:s0+$0x10070]  }
0x4e1: {  	v1 =	vld [tilespmem:s0+$0x10000]  }
0x4e2: {  	v2 =	vld [tilespmem:s0+$0x10010]  }
0x4e3: {  	v3 =	vld [tilespmem:s0+$0x10020]  }
0x4e4: {  	v4 =	vld [tilespmem:s0+$0x10030]  }
0x4e5: {  	v5 =	vld [tilespmem:s0+$0x10040]  }
0x4e6: {  	v6 =	vld [tilespmem:s0+$0x10050]  }
0x4e7: {  	[tilespmem:s0+$0xC070] =	vst.add.f32.msk $0xffff, v0  }
0x4e8: {  	v0 =	vld [tilespmem:s0+$0x10060]  }
0x4e9: {  	[tilespmem:s0+$0xC000] =	vst.add.f32.msk $0xffff, v1  }
0x4ea: {  	[tilespmem:s0+$0xC010] =	vst.add.f32.msk $0xffff, v2  }
0x4eb: {  	[tilespmem:s0+$0xC020] =	vst.add.f32.msk $0xffff, v3  }
0x4ec: {  	[tilespmem:s0+$0xC030] =	vst.add.f32.msk $0xffff, v4  }
0x4ed: {  	[tilespmem:s0+$0xC040] =	vst.add.f32.msk $0xffff, v5  }
0x4ee: {  	s2 =	simm.s32 $0x0;
	s3 =	simm.s32 $0x200;
	[tilespmem:s0+$0xC050] =	vst.add.f32.msk $0xffff, v6  }
.LBB2_56:
0x4ef: {  	s2 =	sadd.s32 $0x80, s2;
	[tilespmem:s0+$0xC060] =	vst.add.f32.msk $0xffff, v0;
	s0 =	sshra.s32 s3, $0x2  }
0x4f0: {  	v0 =	vld [tilespmem:s0+$0x10070];
	p0 =	slt.u32 s2, $0x3F80  }
0x4f1: {  	v1 =	vld [tilespmem:s0+$0x10000]  }
0x4f2: {  	v2 =	vld [tilespmem:s0+$0x10010]  }
0x4f3: {  	v3 =	vld [tilespmem:s0+$0x10020]  }
0x4f4: {  	v4 =	vld [tilespmem:s0+$0x10030]  }
0x4f5: {  	[tilespmem:s0+$0xC070] =	vst.add.f32.msk $0xffff, v0  }
0x4f6: {  	v5 =	vld [tilespmem:s0+$0x10040]  }
0x4f7: {  	v6 =	vld [tilespmem:s0+$0x10050]  }
0x4f8: {  	v0 =	vld [tilespmem:s0+$0x10060]  }
0x4f9: {  	[tilespmem:s0+$0xC000] =	vst.add.f32.msk $0xffff, v1  }
.Ltmp27:
0x4fa: {  	[tilespmem:s0+$0xC010] =	vst.add.f32.msk $0xffff, v2;
	(pc) =	sbr.rel @p0 .LBB2_56-.Ltmp27, $4  }
0x4fb: {  	[tilespmem:s0+$0xC020] =	vst.add.f32.msk $0xffff, v3  }
0x4fc: {  	[tilespmem:s0+$0xC030] =	vst.add.f32.msk $0xffff, v4  }
0x4fd: {  	[tilespmem:s0+$0xC040] =	vst.add.f32.msk $0xffff, v5  }
0x4fe: {  	s3 =	sadd.s32 $0x200, s3;
	[tilespmem:s0+$0xC050] =	vst.add.f32.msk $0xffff, v6  }
0x4ff: {  	[tilespmem:s0+$0xC060] =	vst.add.f32.msk $0xffff, v0  }
0x500: {  	s2 =	sld [smem:$0x7FD];
	_ =	sdelay $0x1  }
0x501: {  	s3 =	simm.s32 $0x0  }
0x502: {  	[hbm4b:s2+s3] =	stream.linear.scatter [tilespmem:s21], [sflag:$0x8], $0x4000, $0x38;
	[tilespmem:$0x18000] =	vst v63  }
0x503: {  	_ =	swait.ge [sflag:s28], $0x4000  }
0x504: {  	[sflag:s28] =	ssyncset.done $0x0  }
0x505: {  	[sflag:s28] =	ssyncadd.s32 $0xFFFFC000  }
0x506: {  	[tilespmem:s18], [sflag:$0x3] =	stream.linear.gather [hbm4b:s9+s3], $0x4000, $0x38;
	[tilespmem:$0x18000] =	vst v63  }
0x507: {  	_ =	swait.ge [sflag:s19], $0x4000  }
0x508: {  	[sflag:s19] =	ssyncset.done $0x0  }
0x509: {  	[sflag:s19] =	ssyncadd.s32 $0xFFFFC000  }
0x50a: {  	_ =	swait.ge [sflag:s29], $0x4000  }
0x50b: {  	[sflag:s29] =	ssyncset.done $0x0  }
0x50c: {  	s0 =	simm.s32 $0x0;
	[sflag:s29] =	ssyncadd.s32 $0xFFFFC000  }
0x50d: {  	v0 =	vld [tilespmem:s0+$0x14070]  }
0x50e: {  	v1 =	vld [tilespmem:s0+$0x14000]  }
0x50f: {  	v2 =	vld [tilespmem:s0+$0x14010]  }
0x510: {  	v3 =	vld [tilespmem:s0+$0x14020]  }
0x511: {  	v4 =	vld [tilespmem:s0+$0x14030]  }
0x512: {  	v5 =	vld [tilespmem:s0+$0x14040]  }
0x513: {  	v6 =	vld [tilespmem:s0+$0x14050]  }
0x514: {  	[tilespmem:s0+$0x70] =	vst.add.f32.msk $0xffff, v0  }
0x515: {  	v0 =	vld [tilespmem:s0+$0x14060]  }
0x516: {  	[tilespmem:s0+$0x0] =	vst.add.f32.msk $0xffff, v1  }
0x517: {  	[tilespmem:s0+$0x10] =	vst.add.f32.msk $0xffff, v2  }
0x518: {  	[tilespmem:s0+$0x20] =	vst.add.f32.msk $0xffff, v3  }
0x519: {  	[tilespmem:s0+$0x30] =	vst.add.f32.msk $0xffff, v4  }
0x51a: {  	[tilespmem:s0+$0x40] =	vst.add.f32.msk $0xffff, v5  }
0x51b: {  	s2 =	simm.s32 $0x0;
	s3 =	simm.s32 $0x200;
	[tilespmem:s0+$0x50] =	vst.add.f32.msk $0xffff, v6  }
.LBB2_58:
0x51c: {  	s2 =	sadd.s32 $0x80, s2;
	[tilespmem:s0+$0x60] =	vst.add.f32.msk $0xffff, v0;
	s0 =	sshra.s32 s3, $0x2  }
0x51d: {  	v0 =	vld [tilespmem:s0+$0x14070];
	p0 =	slt.u32 s2, $0x3F80  }
0x51e: {  	v1 =	vld [tilespmem:s0+$0x14000]  }
0x51f: {  	v2 =	vld [tilespmem:s0+$0x14010]  }
0x520: {  	v3 =	vld [tilespmem:s0+$0x14020]  }
0x521: {  	v4 =	vld [tilespmem:s0+$0x14030]  }
0x522: {  	[tilespmem:s0+$0x70] =	vst.add.f32.msk $0xffff, v0  }
0x523: {  	v5 =	vld [tilespmem:s0+$0x14040]  }
0x524: {  	v6 =	vld [tilespmem:s0+$0x14050]  }
0x525: {  	v0 =	vld [tilespmem:s0+$0x14060]  }
0x526: {  	[tilespmem:s0+$0x0] =	vst.add.f32.msk $0xffff, v1  }
.Ltmp28:
0x527: {  	[tilespmem:s0+$0x10] =	vst.add.f32.msk $0xffff, v2;
	(pc) =	sbr.rel @p0 .LBB2_58-.Ltmp28, $4  }
0x528: {  	[tilespmem:s0+$0x20] =	vst.add.f32.msk $0xffff, v3  }
0x529: {  	[tilespmem:s0+$0x30] =	vst.add.f32.msk $0xffff, v4  }
0x52a: {  	[tilespmem:s0+$0x40] =	vst.add.f32.msk $0xffff, v5  }
0x52b: {  	s3 =	sadd.s32 $0x200, s3;
	[tilespmem:s0+$0x50] =	vst.add.f32.msk $0xffff, v6  }
0x52c: {  	[tilespmem:s0+$0x60] =	vst.add.f32.msk $0xffff, v0;
	s3 =	simm.s32 $0x0  }
0x52d: {  	[hbm4b:s5+s3] =	stream.linear.scatter [tilespmem:s3], [sflag:$0x5], $0x4000, $0x38;
	[tilespmem:$0x18000] =	vst v63  }
0x52e: {  	_ =	swait.ge [sflag:s30], $0x4000  }
0x52f: {  	[sflag:s30] =	ssyncset.done $0x0  }
0x530: {  	[sflag:s30] =	ssyncadd.s32 $0xFFFFC000  }
0x531: {  	[tilespmem:s21], [sflag:$0x4] =	stream.linear.gather [hbm4b:s10+s3], $0x4000, $0x38;
	[tilespmem:$0x18000] =	vst v63  }
0x532: {  	_ =	swait.ge [sflag:s22], $0x4000  }
0x533: {  	[sflag:s22] =	ssyncset.done $0x0  }
0x534: {  	s0 =	simm.s32 $0x0;
	[sflag:s22] =	ssyncadd.s32 $0xFFFFC000  }
0x535: {  	v0 =	vld [tilespmem:s0+$0x14070]  }
0x536: {  	v1 =	vld [tilespmem:s0+$0x14000]  }
0x537: {  	v2 =	vld [tilespmem:s0+$0x14010]  }
0x538: {  	v3 =	vld [tilespmem:s0+$0x14020]  }
0x539: {  	v4 =	vld [tilespmem:s0+$0x14030]  }
0x53a: {  	v5 =	vld [tilespmem:s0+$0x14040]  }
0x53b: {  	v6 =	vld [tilespmem:s0+$0x14050]  }
0x53c: {  	[tilespmem:s0+$0x4070] =	vst.add.f32.msk $0xffff, v0  }
0x53d: {  	v0 =	vld [tilespmem:s0+$0x14060]  }
0x53e: {  	[tilespmem:s0+$0x4000] =	vst.add.f32.msk $0xffff, v1  }
0x53f: {  	[tilespmem:s0+$0x4010] =	vst.add.f32.msk $0xffff, v2  }
0x540: {  	[tilespmem:s0+$0x4020] =	vst.add.f32.msk $0xffff, v3  }
0x541: {  	[tilespmem:s0+$0x4030] =	vst.add.f32.msk $0xffff, v4  }
0x542: {  	[tilespmem:s0+$0x4040] =	vst.add.f32.msk $0xffff, v5  }
0x543: {  	s2 =	simm.s32 $0x0;
	s3 =	simm.s32 $0x200;
	[tilespmem:s0+$0x4050] =	vst.add.f32.msk $0xffff, v6  }
.LBB2_60:
0x544: {  	s2 =	sadd.s32 $0x80, s2;
	[tilespmem:s0+$0x4060] =	vst.add.f32.msk $0xffff, v0;
	s0 =	sshra.s32 s3, $0x2  }
0x545: {  	v0 =	vld [tilespmem:s0+$0x14070];
	p0 =	slt.u32 s2, $0x3F80  }
0x546: {  	v1 =	vld [tilespmem:s0+$0x14000]  }
0x547: {  	v2 =	vld [tilespmem:s0+$0x14010]  }
0x548: {  	v3 =	vld [tilespmem:s0+$0x14020]  }
0x549: {  	v4 =	vld [tilespmem:s0+$0x14030]  }
0x54a: {  	[tilespmem:s0+$0x4070] =	vst.add.f32.msk $0xffff, v0  }
0x54b: {  	v5 =	vld [tilespmem:s0+$0x14040]  }
0x54c: {  	v6 =	vld [tilespmem:s0+$0x14050]  }
0x54d: {  	v0 =	vld [tilespmem:s0+$0x14060]  }
0x54e: {  	[tilespmem:s0+$0x4000] =	vst.add.f32.msk $0xffff, v1  }
.Ltmp29:
0x54f: {  	[tilespmem:s0+$0x4010] =	vst.add.f32.msk $0xffff, v2;
	(pc) =	sbr.rel @p0 .LBB2_60-.Ltmp29, $4  }
0x550: {  	[tilespmem:s0+$0x4020] =	vst.add.f32.msk $0xffff, v3  }
0x551: {  	[tilespmem:s0+$0x4030] =	vst.add.f32.msk $0xffff, v4  }
0x552: {  	[tilespmem:s0+$0x4040] =	vst.add.f32.msk $0xffff, v5  }
0x553: {  	s3 =	sadd.s32 $0x200, s3;
	[tilespmem:s0+$0x4050] =	vst.add.f32.msk $0xffff, v6  }
0x554: {  	[tilespmem:s0+$0x4060] =	vst.add.f32.msk $0xffff, v0;
	s3 =	simm.s32 $0x0  }
0x555: {  	[hbm4b:s11+s3] =	stream.linear.scatter [tilespmem:s17], [sflag:$0x6], $0x4000, $0x38;
	[tilespmem:$0x18000] =	vst v63  }
0x556: {  	_ =	swait.ge [sflag:s24], $0x4000  }
0x557: {  	[sflag:s24] =	ssyncset.done $0x0  }
0x558: {  	s0 =	simm.s32 $0x0;
	[sflag:s24] =	ssyncadd.s32 $0xFFFFC000  }
0x559: {  	v0 =	vld [tilespmem:s0+$0x14070]  }
0x55a: {  	v1 =	vld [tilespmem:s0+$0x14000]  }
0x55b: {  	v2 =	vld [tilespmem:s0+$0x14010]  }
0x55c: {  	v3 =	vld [tilespmem:s0+$0x14020]  }
0x55d: {  	v4 =	vld [tilespmem:s0+$0x14030]  }
0x55e: {  	v5 =	vld [tilespmem:s0+$0x14040]  }
0x55f: {  	v6 =	vld [tilespmem:s0+$0x14050]  }
0x560: {  	[tilespmem:s0+$0x8070] =	vst.add.f32.msk $0xffff, v0  }
0x561: {  	v0 =	vld [tilespmem:s0+$0x14060]  }
0x562: {  	[tilespmem:s0+$0x8000] =	vst.add.f32.msk $0xffff, v1  }
0x563: {  	[tilespmem:s0+$0x8010] =	vst.add.f32.msk $0xffff, v2  }
0x564: {  	[tilespmem:s0+$0x8020] =	vst.add.f32.msk $0xffff, v3  }
0x565: {  	[tilespmem:s0+$0x8030] =	vst.add.f32.msk $0xffff, v4  }
0x566: {  	[tilespmem:s0+$0x8040] =	vst.add.f32.msk $0xffff, v5  }
0x567: {  	s2 =	simm.s32 $0x0;
	s3 =	simm.s32 $0x200;
	[tilespmem:s0+$0x8050] =	vst.add.f32.msk $0xffff, v6  }
.LBB2_62:
0x568: {  	s2 =	sadd.s32 $0x80, s2;
	[tilespmem:s0+$0x8060] =	vst.add.f32.msk $0xffff, v0;
	s0 =	sshra.s32 s3, $0x2  }
0x569: {  	v0 =	vld [tilespmem:s0+$0x14070];
	p0 =	slt.u32 s2, $0x3F80  }
0x56a: {  	v1 =	vld [tilespmem:s0+$0x14000]  }
0x56b: {  	v2 =	vld [tilespmem:s0+$0x14010]  }
0x56c: {  	v3 =	vld [tilespmem:s0+$0x14020]  }
0x56d: {  	v4 =	vld [tilespmem:s0+$0x14030]  }
0x56e: {  	[tilespmem:s0+$0x8070] =	vst.add.f32.msk $0xffff, v0  }
0x56f: {  	v5 =	vld [tilespmem:s0+$0x14040]  }
0x570: {  	v6 =	vld [tilespmem:s0+$0x14050]  }
0x571: {  	v0 =	vld [tilespmem:s0+$0x14060]  }
0x572: {  	[tilespmem:s0+$0x8000] =	vst.add.f32.msk $0xffff, v1  }
.Ltmp30:
0x573: {  	[tilespmem:s0+$0x8010] =	vst.add.f32.msk $0xffff, v2;
	(pc) =	sbr.rel @p0 .LBB2_62-.Ltmp30, $4  }
0x574: {  	[tilespmem:s0+$0x8020] =	vst.add.f32.msk $0xffff, v3  }
0x575: {  	[tilespmem:s0+$0x8030] =	vst.add.f32.msk $0xffff, v4  }
0x576: {  	[tilespmem:s0+$0x8040] =	vst.add.f32.msk $0xffff, v5  }
0x577: {  	s3 =	sadd.s32 $0x200, s3;
	[tilespmem:s0+$0x8050] =	vst.add.f32.msk $0xffff, v6  }
0x578: {  	[tilespmem:s0+$0x8060] =	vst.add.f32.msk $0xffff, v0;
	s3 =	simm.s32 $0x0  }
0x579: {  	[hbm4b:s12+s3] =	stream.linear.scatter [tilespmem:s18], [sflag:$0x7], $0x4000, $0x38;
	[tilespmem:$0x18000] =	vst v63  }
0x57a: {  	_ =	swait.ge [sflag:s26], $0x4000  }
0x57b: {  	[sflag:s26] =	ssyncset.done $0x0  }
0x57c: {  	s0 =	simm.s32 $0x0;
	[sflag:s26] =	ssyncadd.s32 $0xFFFFC000  }
0x57d: {  	v0 =	vld [tilespmem:s0+$0x14070]  }
0x57e: {  	v1 =	vld [tilespmem:s0+$0x14000]  }
0x57f: {  	v2 =	vld [tilespmem:s0+$0x14010]  }
0x580: {  	v3 =	vld [tilespmem:s0+$0x14020]  }
0x581: {  	v4 =	vld [tilespmem:s0+$0x14030]  }
0x582: {  	v5 =	vld [tilespmem:s0+$0x14040]  }
0x583: {  	v6 =	vld [tilespmem:s0+$0x14050]  }
0x584: {  	[tilespmem:s0+$0xC070] =	vst.add.f32.msk $0xffff, v0  }
0x585: {  	v0 =	vld [tilespmem:s0+$0x14060]  }
0x586: {  	[tilespmem:s0+$0xC000] =	vst.add.f32.msk $0xffff, v1  }
0x587: {  	[tilespmem:s0+$0xC010] =	vst.add.f32.msk $0xffff, v2  }
0x588: {  	[tilespmem:s0+$0xC020] =	vst.add.f32.msk $0xffff, v3  }
0x589: {  	[tilespmem:s0+$0xC030] =	vst.add.f32.msk $0xffff, v4  }
0x58a: {  	[tilespmem:s0+$0xC040] =	vst.add.f32.msk $0xffff, v5  }
0x58b: {  	s2 =	simm.s32 $0x0;
	s3 =	simm.s32 $0x200;
	[tilespmem:s0+$0xC050] =	vst.add.f32.msk $0xffff, v6  }
.LBB2_64:
0x58c: {  	s2 =	sadd.s32 $0x80, s2;
	[tilespmem:s0+$0xC060] =	vst.add.f32.msk $0xffff, v0;
	s0 =	sshra.s32 s3, $0x2  }
0x58d: {  	v0 =	vld [tilespmem:s0+$0x14070];
	p0 =	slt.u32 s2, $0x3F80  }
0x58e: {  	v1 =	vld [tilespmem:s0+$0x14000]  }
0x58f: {  	v2 =	vld [tilespmem:s0+$0x14010]  }
0x590: {  	v3 =	vld [tilespmem:s0+$0x14020]  }
0x591: {  	v4 =	vld [tilespmem:s0+$0x14030]  }
0x592: {  	[tilespmem:s0+$0xC070] =	vst.add.f32.msk $0xffff, v0  }
0x593: {  	v5 =	vld [tilespmem:s0+$0x14040]  }
0x594: {  	v6 =	vld [tilespmem:s0+$0x14050]  }
0x595: {  	v0 =	vld [tilespmem:s0+$0x14060]  }
0x596: {  	[tilespmem:s0+$0xC000] =	vst.add.f32.msk $0xffff, v1  }
.Ltmp31:
0x597: {  	[tilespmem:s0+$0xC010] =	vst.add.f32.msk $0xffff, v2;
	(pc) =	sbr.rel @p0 .LBB2_64-.Ltmp31, $4  }
0x598: {  	[tilespmem:s0+$0xC020] =	vst.add.f32.msk $0xffff, v3  }
0x599: {  	[tilespmem:s0+$0xC030] =	vst.add.f32.msk $0xffff, v4  }
0x59a: {  	[tilespmem:s0+$0xC040] =	vst.add.f32.msk $0xffff, v5  }
0x59b: {  	s3 =	sadd.s32 $0x200, s3;
	[tilespmem:s0+$0xC050] =	vst.add.f32.msk $0xffff, v6  }
0x59c: {  	[tilespmem:s0+$0xC060] =	vst.add.f32.msk $0xffff, v0  }
0x59d: {  	[hbm4b:s13+s1] =	stream.linear.scatter [tilespmem:s21], [sflag:$0x8], $0x4000, $0x38;
	[tilespmem:$0x18000] =	vst v63  }
0x59e: {  	_ =	swait.ge [sflag:s23], $0x4000  }
0x59f: {  	[sflag:s23] =	ssyncset.done $0x0  }
0x5a0: {  	[sflag:s23] =	ssyncadd.s32 $0xFFFFC000  }
0x5a1: {  	_ =	swait.ge [sflag:s25], $0x4000  }
0x5a2: {  	[sflag:s25] =	ssyncset.done $0x0  }
0x5a3: {  	s31 =	sadd.s32 $0x1, s31;
	[sflag:s25] =	ssyncadd.s32 $0xFFFFC000  }
0x5a4: {  	p0 =	sne.s32 s31, s14;
	_ =	swait.ge [sflag:s28], $0x4000  }
.Ltmp32:
0x5a5: {  	[sflag:s28] =	ssyncset.done $0x0;
	(pc) =	sbr.rel @p0 .LBB2_1-.Ltmp32, $4  }
0x5a6: {  	[sflag:s28] =	ssyncadd.s32 $0xFFFFC000  }
0x5a7: {  	_ =	swait.ge [sflag:s30], $0x4000  }
0x5a8: {  	[sflag:s30] =	ssyncset.done $0x0  }
0x5a9: {  	[sflag:s30] =	ssyncadd.s32 $0xFFFFC000  }
0x5aa: {  	_ =	sfence.sel $0x180000  }
0x5ab: {  	[bflag:$0x0] =	sbarrier.arrive $0xFFFF  }
0x5ac: {  	_ =	strace $0x9000004D  }
0x5ad: {  	s0 =	stileid.u32;
	[bflag:$0x2] =	sbarrier.arrive $0xFFFF  }
0x5ae: {  	p0 =	sne.s32 s0, $0x0;
	s0 =	rddreg [dreg:$0x2]  }
0x5af: {  	s0 =	sadd.s32 @!p0 $0x100000, s0  }
0x5b0: {  	[sflag:s0] =	ssyncadd.tile.s32 @!p0 $0x1;
	_ =	shalt  }
.Lfunc_end2:
_tile_overlayer_lowered:
.L_overlay_start_2:
0x5b1: {  	(tag) =	ssettag $0x2  }
0x5b2: {  	s0 =	rddreg [dreg:$0x0];
	s2 =	stileid.u32  }
0x5b3: {  	s1 =	rddreg [dreg:$0x1];
	p0 =	sne.s32 s2, $0x0  }
0x5b4: {  	s3 =	rddreg [dreg:$0x2];
	[bflag:$0x3] =	sbarrier.arrive $0xFFFF;
	s2 =	simm.s32 @!p0 $0x1C0B  }
0x5b5: {  	[timem:s3], [sflag:s2] =	dma.local @!p0 [hbm:s0], s1  }
0x5b6: {  	s0 =	simm.s32 @!p0 $0xB  }
0x5b7: {  	_ =	swait.ge @!p0 [sflag:s0], s1  }
0x5b8: {  	s1 =	ssub.s32 @!p0 $0x0, s1;
	[sflag:s0] =	ssyncset.done @!p0 $0x0  }
0x5b9: {  	[sflag:s0] =	ssyncadd.s32 @!p0 s1  }
0x5ba: {  	[bflag:$0x3] =	sbarrier.arrive $0xFFFF  }
0x5bb: {  	_ =	shalt  }

// kernel: sparse-core-data-format-call.1.cloned.1.call-start
scs
called_computation.1_lowered:
.L_overlay_start_0:
0x0: {  	s2 =	sld [smem:$0x3FD9]  }
0x1: {  	s3 =	sld [smem:$0x3FFE];
	_ =	sdelay $0x1  }
0x2: {  	s1 =	srdreg.scid  }
0x3: {  	s0 =	sand.u32 $0x1, s1  }
0x4: {  	s19 =	sshll.u32 s0, $0xA;
	s2 =	sadd.s32 s3, s2  }
0x5: {  	s2 =	sadd.s32 s2, s19  }
0x6: {  	[smem:$0x3FC6] =	sst s2  }
0x7: {  	_ = 	snop  }
0x8: {  	s20 =	sld [smem:$0x3FC9]  }
0x9: {  	s4 =	sld [smem:$0x3FD0];
	(tm) =	ssettm $0x1  }
0xa: {  	s21 =	sld [smem:$0x3FFB];
	_ =	sdelay $0x3  }
0xb: {  	_ =	strace s21  }
0xc: {  	s2 =	sld [smem:$0x3FFC];
	_ =	sdelay $0x3  }
0xd: {  	_ =	strace s2  }
0xe: {  	s2 =	sld [smem:$0x3FFD];
	_ =	sdelay $0x3  }
0xf: {  	_ =	strace s2  }
0x10: {  	_ =	strace $0x8FFFFFFF  }
0x11: {  	s22 =	sld [smem:$0x3FDB];
	_ =	sdelay $0x1  }
0x12: {  	s5 =	simm.s32 $_scs_section_size  }
0x13: {  	s6 =	simm.s32 $_size__tile_overlayer_lowered;
	s7 =	simm.s32 $_tile_overlayer_lowered  }
0x14: {  	s8 =	simm.s32 $0x1BFF;
	s23 =	sshll.u32 s7, $0x1;
	s5 =	sadd.s32 s5, s22  }
0x15: {  	s24 =	simm.s32 $0x0;
	s6 =	sshll.u32 s6, $0x1;
	s7 =	sadd.s32 s23, s5  }
0x16: {  	[timem:s24], [sflag:s8] =	dma.local [hbm:s7], s6  }
0x17: {  	_ =	swait.ge [sflag:s8], s6  }
0x18: {  	s6 =	ssub.s32 $0x0, s6;
	[sflag:s8] =	ssyncset.done $0x0  }
0x19: {  	[sflag:s8] =	ssyncadd.s32 s6;
	_ =	sdelay $0x1  }
0x1a: {  	s25 =	simm.s32 $0x1B8B  }
0x1b: {  	_ =	swait.ge [sflag:s25], $0x1  }
0x1c: {  	[sflag:s25] =	ssyncset.done $0x0  }
0x1d: {  	[sflag:s25] =	ssyncadd.s32 $0xFFFFFFFF  }
0x1e: {  	s6 =	sld [smem:$0x0]  }
0x1f: {  	s7 =	sand.u32 $0xFFFFFFFE, s1  }
0x20: {  	p0 =	sne.s32 s1, s7  }
0x21: {  	s7 =	sshll.u32 @p0 s7, $0xE  }
0x22: {  	s7 =	sadd.s32 @p0 $0x11B8D, s7;
	s8 =	sshll.u32 @p0 s6, $0x11  }
0x23: {  	s7 =	sor.u32 @p0 s8, s7  }
0x24: {  	[sflag:s7] =	ssyncadd.remote.s32 @p0 $0x1;
	_ =	sdelay $0x1  }
0x25: {  	s7 =	simm.s32 @p0 $0x1B8D  }
0x26: {  	_ =	swait.eq @p0 [sflag:s7], $0x1  }
0x27: {  	[sflag:s7] =	ssyncadd.s32 @p0 $0xFFFFFFFF  }
0x28: {  	s8 =	sshll.u32 @!p0 s1, $0xE  }
0x29: {  	s8 =	sor.u32 @!p0 $0x4000, s8;
	s7 =	simm.s32 @!p0 $0x1B8D  }
0x2a: {  	s6 =	sshll.u32 @!p0 s6, $0x11;
	s8 =	sadd.s32 @!p0 $0x11B8D, s8;
	_ =	swait.eq @!p0 [sflag:s7], $0x1  }
0x2b: {  	s6 =	sor.u32 @!p0 s6, s8;
	[sflag:s7] =	ssyncadd.s32 @!p0 $0xFFFFFFFF  }
0x2c: {  	s26 =	simm.s32 $0x1B8E;
	[sflag:s6] =	ssyncadd.remote.s32 @!p0 $0x1  }
0x2d: {  	s27 =	simm.s32 $execute0_lowered;
	[smem:$0x3FD2] =	sst s26  }
0x2e: {  	s6 =	sshll.u32 s27, $0x1;
	_ =	strace $0x80000049;
	[dreg:$0x1] =	wrdreg $0xFFFFFFFF  }
0x2f: {  	s28 =	simm.s32 $_size_execute0_lowered;
	s5 =	sadd.s32 s5, s6;
	[dreg:$0x0] =	wrdreg $0x0  }
0x30: {  	s6 =	sshll.u32 s28, $0x1;
	[dreg:$0x2] =	wrdreg s5  }
0x31: {  	[dreg:$0x3] =	wrdreg s6  }
0x32: {  	[dreg:$0x4] =	wrdreg $0xC0  }
0x33: {  	_ =	task [dreg:s24], $0x5FFFF  }
0x34: {  	[dreg:$0x1] =	wrdreg $0xFFFFFFFF  }
0x35: {  	[dreg:$0x0] =	wrdreg $0x60  }
0x36: {  	[dreg:$0x2] =	wrdreg s20  }
0x37: {  	[dreg:$0x3] =	wrdreg s4  }
0x38: {  	[dreg:$0x4] =	wrdreg $0xA  }
0x39: {  	_ =	task.clear_ibuf [dreg:s24], $0x5FFFF;
	_ =	strace $0x90000049  }
0x3a: {  	s29 =	simm.s32 $0xA;
	_ =	strace $0x8000004B  }
0x3b: {  	_ =	swait.ge [sflag:s29], $0x1  }
0x3c: {  	[sflag:s29] =	ssyncadd.s32 $0xFFFFFFFF  }
0x3d: {  	_ =	strace $0x9000004B  }
0x3e: {  	_ =	sfence  }
0x3f: {  	s30 =	sld [smem:$0x0];
	_ =	sdelay $0x2  }
0x40: {  	s31 =	sshll.u32 s1, $0xD;
	s1 =	sshrl.u32 s1, $0x2  }
0x41: {  	s4 =	sand.u32 $0x4000, s31;
	s1 =	sadd.s32 s1, s30  }
0x42: {  	s0 =	sor.u32 s4, s0;
	s1 =	sshll.u32 s1, $0x11  }
0x43: {  	s0 =	sor.u32 s1, s0  }
0x44: {  	s0 =	sadd.s32 $0x8F2B, s0  }
0x45: {  	[sflag:s0] =	ssyncadd.remote.s32 $0x1  }
0x46: {  	_ =	sfence.sel $0xFFFF  }
0x47: {  	[dreg:$0x0] =	wrdreg $0xFFFFFFFF;
	(pc) =	sbr.abs _section_cstart, $3  }
0x48: {  	[dreg:$0x1] =	wrdreg $0xFFFFFFFF  }
0x49: {  	_ =	task.clear_ibuf [dreg:s24], $0x2FFFF;
	_ =	strace $0x9FFFFFFF  }
0x4a: {  	(tm) =	ssettm $0x7FFFFFFF  }
0x4b: {  	_ =	shalt  }
tec
execute0_lowered:
.L_overlay_start_1:
0x0: {  	(tag) =	ssettag $0x1  }
0x1: {  	s0 =	srdreg.scid  }
0x2: {  	s1 =	sshll.u32 s0, $0x4  }
0x3: {  	s2 =	rddreg [dreg:$0x0];
	s0 =	stileid.u32;
	s1 =	sand.u32 $0x10, s1  }
0x4: {  	s4 =	rddreg [dreg:$0x1];
	s1 =	sor.u32 s0, s1  }
0x5: {  	s7 =	simm.s32 $0x1;
	s8 =	simm.s32 $0x2;
	s3 =	sshll.u32 s1, $0x1  }
0x6: {  	s9 =	simm.s32 $0x0;
	s12 =	simm.s32 $0x0;
	s6 =	ssub.s32 $0x800, s3  }
.Ltmp0:
0x7: {  	s11 =	simm.s32 $0x0;
	s5 =	sand.u32 $0x3E, s6;
	(pc) =	sbr.rel .LBB1_1-.Ltmp0, $4  }
0x8: {  	s1 =	rddreg [dreg:$0x2];
	_ =	strace $0x8000004A;
	p0 =	sne.s32 s5, $0x0  }
0x9: {  	s6 =	sshrl.u32 s6, $0x6;
	s5 =	simm.s32 $0x1;
	s7 =	simm.s32 @!p0 $0x0  }
0xa: {  	s10 =	smov.u32 s3;
	[sflag:s5] =	ssyncpa.u1 $0x0;
	s6 =	sadd.s32 s7, s6  }
0xb: {  	[sflag:s8] =	ssyncpa.u1 $0x0;
	s8 =	simm.s32 $0x0;
	s7 =	sadd.s32 $0x1, s6  }
.LBB1_9:
0xc: {  	s14 =	sadd.s32 $0x40, s10  }
0xd: {  	p1 =	sgt.s32 s14, $0x7FF  }
0xe: {  	s14 =	smov.u32 @p1 s3;
	p1 =	sne.s32 s11, s7  }
.Ltmp1:
0xf: {  	p0 =	slt.u32 s11, $0x2;
	(pc) =	sbr.rel @!p1 .LBB1_10-.Ltmp1, $4  }
0x10: {  	s13 =	simm.s32 @!p0 $0x2  }
0x11: {  	s15 =	sadd.s32 $0x1, s11;
	_ =	swait.ge @!p0 [sflag:s13], $0x4000  }
0x12: {  	s12 =	smov.u32 s10;
	s9 =	sadd.s32 $0x4000, s9;
	[sflag:s13] =	ssyncset.done @!p0 $0x0  }
0x13: {  	s11 =	smov.u32 s15;
	s10 =	smov.u32 s14;
	[sflag:s13] =	ssyncadd.s32 @!p0 $0xFFFFC000  }
.LBB1_1:
0x14: {  	p0 =	sge.u32 s11, s6  }
0x15: {  	s13 =	sxor.u32 @!p0 $0xFFFFFFFF, s11  }
0x16: {  	s31 =	sadd.s32 $0xFFFFFFFF, s11;
	s14 =	sshll.u32 @!p0 s10, $0xA;
	s13 =	sshll.u32 @!p0 s13, $0xE  }
0x17: {  	s15 =	simm.s32 @!p0 $0x0;
	s14 =	sadd.s32 @!p0 s2, s14;
	s13 =	sand.u32 @!p0 $0x4000, s13  }
0x18: {  	[tilespmem:s13], [sflag:$0x1] =	stream.linear.gather @!p0 [hbm4b:s14+s15], $0x4000, $0x38;
	[tilespmem:$0x10000] =	vst v63  }
0x19: {  	p0 =	sge.u32 s31, s6  }
.Ltmp2:
0x1a: {  	_ = 	snop;
	(pc) =	sbr.rel @p0 .LBB1_9-.Ltmp2, $1  }
0x1b: {  	_ =	sdelay $0x3  }
0x1c: {  	s13 =	sshll.u32 s9, $0x2  }
0x1d: {  	_ =	swait.ge [sflag:s5], $0x4000;
	s14 =	sshll.u32 s11, $0xE;
	s16 =	simm.s32 $0x0  }
0x1e: {  	p1 =	por $0x1, $0x1;
	s13 =	sand.u32 $0x10000, s13;
	[sflag:s5] =	ssyncset.done $0x0  }
0x1f: {  	s14 =	sand.u32 $0x4000, s14;
	s15 =	sshrl.u32 s13, $0x2;
	[sflag:s5] =	ssyncadd.s32 $0xFFFFC000  }
0x20: {  	s13 =	sor.u32 $0x8000, s14;
	s14 =	sadd.s32 $0x8040, s15;
	s15 =	sadd.s32 $0x40, s15  }
.LBB1_3:
0x21: {  	s16 =	sshll.u32 s16, $0x2  }
0x22: {  	p0 =	por p1, p1;
	s17 =	sshra.s32 s16, $0x2  }
0x23: {  	s18 =	simm.s32 $0x0;
	s16 =	sadd.s32 s17, s14;
	s17 =	sadd.s32 s17, s15  }
.LBB1_4:
0x24: {  	v0 =	vmov s17;
	_ =	sdelay $0x3  }
0x25: {  	s20 =	simm.s32 $0x0  }
0x26: {  	v6 =	vld.idx.msk [tilespmem:v0+s20+$0x30 ss:$0x1], $0xffff  }
0x27: {  	v7 =	vld.idx.msk [tilespmem:v0+s20+$0xFFFFFFC0 ss:$0x1], $0xffff  }
0x28: {  	v5 =	vld.idx.msk [tilespmem:v0+s20+$0xFFFFFFD0 ss:$0x1], $0xffff  }
0x29: {  	v4 =	vld.idx.msk [tilespmem:v0+s20+$0xFFFFFFE0 ss:$0x1], $0xffff  }
0x2a: {  	v3 =	vld.idx.msk [tilespmem:v0+s20+$0xFFFFFFF0 ss:$0x1], $0xffff  }
0x2b: {  	v1 =	vld.idx.msk [tilespmem:v0+s20+$0x0 ss:$0x1], $0xffff  }
0x2c: {  	v2 =	vld.idx.msk [tilespmem:v0+s20+$0x10 ss:$0x1], $0xffff;
	[tilespmem:s16+$0x30] =	vst v6  }
0x2d: {  	s19 =	simm.s32 $0x80;
	s21 =	simm.s32 $0x400;
	[tilespmem:s16+$0xFFFFFFC0] =	vst v7;
	v6 =	vld.idx.msk [tilespmem:v0+s20+$0x20 ss:$0x1], $0xffff;
	s20 =	smov.u32 s16  }
.LBB1_5:
0x2e: {  	p1 =	sne.s32 s21, $0xE00;
	v7 =	vld.idx.msk [tilespmem:v0+s19+$0x30 ss:$0x1], $0xffff;
	[tilespmem:s20+$0xFFFFFFD0] =	vst v5  }
0x2f: {  	v8 =	vld.idx.msk [tilespmem:v0+s19+$0xFFFFFFC0 ss:$0x1], $0xffff;
	[tilespmem:s20+$0xFFFFFFE0] =	vst v4  }
0x30: {  	v5 =	vld.idx.msk [tilespmem:v0+s19+$0xFFFFFFD0 ss:$0x1], $0xffff;
	[tilespmem:s20+$0xFFFFFFF0] =	vst v3  }
.Ltmp3:
0x31: {  	v4 =	vld.idx.msk [tilespmem:v0+s19+$0xFFFFFFE0 ss:$0x1], $0xffff;
	[tilespmem:s20+$0x0] =	vst v1;
	(pc) =	sbr.rel @p1 .LBB1_5-.Ltmp3, $4  }
0x32: {  	v3 =	vld.idx.msk [tilespmem:v0+s19+$0xFFFFFFF0 ss:$0x1], $0xffff;
	[tilespmem:s20+$0x10] =	vst v2  }
0x33: {  	v1 =	vld.idx.msk [tilespmem:v0+s19+$0x0 ss:$0x1], $0xffff;
	[tilespmem:s20+$0x20] =	vst v6;
	s20 =	sadd.s32 $0x400, s20  }
0x34: {  	v2 =	vld.idx.msk [tilespmem:v0+s19+$0x10 ss:$0x1], $0xffff;
	[tilespmem:s20+$0x30] =	vst v7  }
0x35: {  	[tilespmem:s20+$0xFFFFFFC0] =	vst v8;
	v6 =	vld.idx.msk [tilespmem:v0+s19+$0x20 ss:$0x1], $0xffff;
	s19 =	sshra.s32 s21, $0x2;
	s21 =	sadd.s32 $0x200, s21  }
0x36: {  	_ =	sdelay $0x2  }
0x37: {  	[tilespmem:s20+$0xFFFFFFD0] =	vst v5  }
0x38: {  	v56 =	vld.idx.msk [tilespmem:v0+s19+$0x30 ss:$0x1], $0xffff;
	[tilespmem:s20+$0xFFFFFFE0] =	vst v4  }
0x39: {  	v57 =	vld.idx.msk [tilespmem:v0+s19+$0xFFFFFFC0 ss:$0x1], $0xffff;
	[tilespmem:s20+$0xFFFFFFF0] =	vst v3  }
0x3a: {  	v58 =	vld.idx.msk [tilespmem:v0+s19+$0xFFFFFFD0 ss:$0x1], $0xffff;
	[tilespmem:s20+$0x0] =	vst v1  }
0x3b: {  	v59 =	vld.idx.msk [tilespmem:v0+s19+$0xFFFFFFE0 ss:$0x1], $0xffff;
	[tilespmem:s20+$0x10] =	vst v2  }
0x3c: {  	v60 =	vld.idx.msk [tilespmem:v0+s19+$0xFFFFFFF0 ss:$0x1], $0xffff;
	s31 =	sadd.s32 $0x400, s20;
	[tilespmem:s20+$0x20] =	vst v6  }
0x3d: {  	v61 =	vld.idx.msk [tilespmem:v0+s19+$0x0 ss:$0x1], $0xffff;
	[tilespmem:s31+$0x30] =	vst v56  }
0x3e: {  	v62 =	vld.idx.msk [tilespmem:v0+s19+$0x10 ss:$0x1], $0xffff;
	s18 =	sadd.s32 $0x1, s18;
	[tilespmem:s31+$0xFFFFFFC0] =	vst v57  }
0x3f: {  	v63 =	vld.idx.msk [tilespmem:v0+s19+$0x20 ss:$0x1], $0xffff;
	p1 =	sne.s32 s18, $0x8;
	[tilespmem:s31+$0xFFFFFFD0] =	vst v58  }
.Ltmp4:
0x40: {  	[tilespmem:s31+$0xFFFFFFE0] =	vst v59;
	(pc) =	sbr.rel @p1 .LBB1_4-.Ltmp4, $4  }
0x41: {  	[tilespmem:s31+$0xFFFFFFF0] =	vst v60  }
0x42: {  	[tilespmem:s31+$0x0] =	vst v61  }
0x43: {  	[tilespmem:s31+$0x10] =	vst v62  }
0x44: {  	s16 =	sadd.s32 $0x80, s16;
	s17 =	sadd.s32 $0x400, s17;
	[tilespmem:s31+$0x20] =	vst v63  }
.Ltmp5:
0x45: {  	(pc) =	sbr.rel @p0 .LBB1_3-.Ltmp5, $2  }
0x46: {  	_ =	sdelay $0x2  }
0x47: {  	s16 =	simm.s32 $0x2000;
	p1 =	por $0x0, $0x0  }
.Ltmp6:
0x48: {  	(pc) =	sbr.rel .LBB1_9-.Ltmp6, $4  }
0x49: {  	_ = 	snop  }
0x4a: {  	s12 =	sshll.u32 s12, $0xA  }
0x4b: {  	s12 =	sadd.s32 s4, s12  }
0x4c: {  	[hbm4b:s12+s8] =	stream.linear.scatter [tilespmem:s13], [sflag:$0x2], $0x4000, $0x38;
	[tilespmem:$0x10000] =	vst v63  }
.LBB1_10:
0x4d: {  	_ =	sfence.sel $0x180000  }
0x4e: {  	s2 =	simm.s32 $0x1;
	[bflag:$0x0] =	sbarrier.arrive $0xFFFF  }
0x4f: {  	s31 =	simm.s32 $0x2;
	[sflag:s2] =	ssyncpa.u1 $0x1  }
0x50: {  	[sflag:s31] =	ssyncpa.u1 $0x1  }
0x51: {  	p0 =	sne.s32 s0, $0x0;
	_ =	strace $0x9000004A  }
0x52: {  	s0 =	sadd.s32 @!p0 $0x100000, s1;
	[bflag:$0x2] =	sbarrier.arrive $0xFFFF  }
0x53: {  	[sflag:s0] =	ssyncadd.tile.s32 @!p0 $0x1;
	_ =	shalt  }
.Lfunc_end1:
_tile_overlayer_lowered:
.L_overlay_start_2:
0x54: {  	(tag) =	ssettag $0x2  }
0x55: {  	s0 =	rddreg [dreg:$0x0];
	s2 =	stileid.u32  }
0x56: {  	s1 =	rddreg [dreg:$0x1];
	p0 =	sne.s32 s2, $0x0  }
0x57: {  	s3 =	rddreg [dreg:$0x2];
	[bflag:$0x3] =	sbarrier.arrive $0xFFFF;
	s2 =	simm.s32 @!p0 $0x1C01  }
0x58: {  	[timem:s3], [sflag:s2] =	dma.local @!p0 [hbm:s0], s1  }
0x59: {  	s0 =	simm.s32 @!p0 $0x1  }
0x5a: {  	_ =	swait.ge @!p0 [sflag:s0], s1  }
0x5b: {  	s1 =	ssub.s32 @!p0 $0x0, s1;
	[sflag:s0] =	ssyncset.done @!p0 $0x0  }
0x5c: {  	[sflag:s0] =	ssyncadd.s32 @!p0 s1  }
0x5d: {  	[bflag:$0x3] =	sbarrier.arrive $0xFFFF  }
0x5e: {  	_ =	shalt  }

// kernel: sparse-core-data-format-call.cloned.1.call-start
scs
called_computation_lowered:
.L_overlay_start_0:
0x0: {  	s2 =	sld [smem:$0x3FD9]  }
0x1: {  	s3 =	sld [smem:$0x3FFE];
	_ =	sdelay $0x1  }
0x2: {  	s1 =	srdreg.scid  }
0x3: {  	s0 =	sand.u32 $0x1, s1  }
0x4: {  	s18 =	sshll.u32 s0, $0xA;
	s2 =	sadd.s32 s3, s2  }
0x5: {  	s2 =	sadd.s32 s2, s18  }
0x6: {  	[smem:$0x3FC6] =	sst s2  }
0x7: {  	_ = 	snop  }
0x8: {  	s2 =	sld [smem:$0x3FC8];
	(tm) =	ssettm $0x1  }
0x9: {  	s19 =	sld [smem:$0x3FFB];
	_ =	sdelay $0x3  }
0xa: {  	_ =	strace s19  }
0xb: {  	s3 =	sld [smem:$0x3FFC];
	_ =	sdelay $0x3  }
0xc: {  	_ =	strace s3  }
0xd: {  	s3 =	sld [smem:$0x3FFD];
	_ =	sdelay $0x3  }
0xe: {  	_ =	strace s3  }
0xf: {  	_ =	strace $0x8FFFFFFF  }
0x10: {  	s20 =	sld [smem:$0x3FDB];
	_ =	sdelay $0x1  }
0x11: {  	s4 =	simm.s32 $_scs_section_size  }
0x12: {  	s5 =	simm.s32 $_size__tile_overlayer_lowered;
	s6 =	simm.s32 $_tile_overlayer_lowered  }
0x13: {  	s23 =	simm.s32 $0x1BFF;
	s22 =	sshll.u32 s6, $0x1;
	s3 =	sadd.s32 s4, s20  }
0x14: {  	s7 =	simm.s32 $0x0;
	s21 =	sshll.u32 s5, $0x1;
	s5 =	sadd.s32 s22, s3  }
0x15: {  	[timem:s7], [sflag:s23] =	dma.local [hbm:s5], s21  }
0x16: {  	_ =	swait.ge [sflag:s23], s21  }
0x17: {  	s4 =	ssub.s32 $0x0, s21;
	[sflag:s23] =	ssyncset.done $0x0  }
0x18: {  	[sflag:s23] =	ssyncadd.s32 s4;
	_ =	sdelay $0x1  }
0x19: {  	s24 =	simm.s32 $0x1B8B  }
0x1a: {  	_ =	swait.ge [sflag:s24], $0x1  }
0x1b: {  	[sflag:s24] =	ssyncset.done $0x0  }
0x1c: {  	s26 =	simm.s32 $0x1B8E;
	s25 =	sld [smem:$0x3FFE];
	[sflag:s24] =	ssyncadd.s32 $0xFFFFFFFF  }
0x1d: {  	s27 =	simm.s32 $execute0_lowered;
	[smem:$0x3FD2] =	sst s26  }
0x1e: {  	s5 =	sshll.u32 s27, $0x1;
	_ =	strace $0x80000046;
	[dreg:$0x1] =	wrdreg $0xFFFFFFFF  }
0x1f: {  	s28 =	simm.s32 $_size_execute0_lowered;
	s3 =	sadd.s32 s3, s5;
	[dreg:$0x0] =	wrdreg $0x0  }
0x20: {  	s5 =	sshll.u32 s28, $0x1;
	[dreg:$0x2] =	wrdreg s3  }
0x21: {  	[dreg:$0x3] =	wrdreg s5  }
0x22: {  	[dreg:$0x4] =	wrdreg $0xC0  }
0x23: {  	_ =	task [dreg:s7], $0x5FFFF  }
0x24: {  	[dreg:$0x1] =	wrdreg $0xFFFFFFFF  }
0x25: {  	[dreg:$0x0] =	wrdreg $0x60  }
0x26: {  	[dreg:$0x2] =	wrdreg s2  }
0x27: {  	[dreg:$0x3] =	wrdreg s25  }
0x28: {  	[dreg:$0x4] =	wrdreg $0x9  }
0x29: {  	_ =	task.clear_ibuf [dreg:s7], $0x5FFFF;
	_ =	strace $0x90000046  }
0x2a: {  	s29 =	simm.s32 $0x9;
	_ =	strace $0x80000048  }
0x2b: {  	_ =	swait.ge [sflag:s29], $0x1  }
0x2c: {  	[sflag:s29] =	ssyncadd.s32 $0xFFFFFFFF  }
0x2d: {  	_ =	strace $0x90000048  }
0x2e: {  	_ =	sfence  }
0x2f: {  	s30 =	sld [smem:$0x0];
	_ =	sdelay $0x2  }
0x30: {  	s31 =	sshll.u32 s1, $0xD;
	s1 =	sshrl.u32 s1, $0x2  }
0x31: {  	s3 =	sand.u32 $0x4000, s31;
	s1 =	sadd.s32 s1, s30  }
0x32: {  	s0 =	sor.u32 s3, s0;
	s1 =	sshll.u32 s1, $0x11  }
0x33: {  	s0 =	sor.u32 s1, s0  }
0x34: {  	s0 =	sadd.s32 $0x8F2B, s0  }
0x35: {  	[sflag:s0] =	ssyncadd.remote.s32 $0x1  }
0x36: {  	_ =	sfence.sel $0xFFFF  }
0x37: {  	[dreg:$0x0] =	wrdreg $0xFFFFFFFF;
	(pc) =	sbr.abs _section_cstart, $3  }
0x38: {  	[dreg:$0x1] =	wrdreg $0xFFFFFFFF  }
0x39: {  	_ =	task.clear_ibuf [dreg:s7], $0x2FFFF;
	_ =	strace $0x9FFFFFFF  }
0x3a: {  	(tm) =	ssettm $0x7FFFFFFF  }
0x3b: {  	_ =	shalt  }
tec
execute0_lowered:
.L_overlay_start_1:
0x0: {  	(tag) =	ssettag $0x1  }
0x1: {  	s0 =	srdreg.scid  }
0x2: {  	s1 =	sshll.u32 s0, $0x4  }
0x3: {  	s2 =	rddreg [dreg:$0x0];
	s0 =	stileid.u32;
	s1 =	sand.u32 $0x10, s1  }
0x4: {  	s4 =	rddreg [dreg:$0x1];
	s7 =	simm.s32 $0x1;
	s1 =	sor.u32 s0, s1  }
0x5: {  	s8 =	simm.s32 $0x2;
	s9 =	simm.s32 $0x0;
	s3 =	sshll.u32 s1, $0x1  }
0x6: {  	s12 =	simm.s32 $0x0;
	s11 =	simm.s32 $0x0;
	s6 =	ssub.s32 $0x400, s3  }
.Ltmp0:
0x7: {  	s4 =	sadd.s32 $0xC00, s4;
	s5 =	sand.u32 $0x3E, s6;
	(pc) =	sbr.rel .LBB1_1-.Ltmp0, $4  }
0x8: {  	s1 =	rddreg [dreg:$0x2];
	_ =	strace $0x80000047;
	p0 =	sne.s32 s5, $0x0  }
0x9: {  	s6 =	sshrl.u32 s6, $0x6;
	s5 =	simm.s32 $0x1;
	s7 =	simm.s32 @!p0 $0x0  }
0xa: {  	s10 =	smov.u32 s3;
	[sflag:s5] =	ssyncpa.u1 $0x0;
	s6 =	sadd.s32 s7, s6  }
0xb: {  	[sflag:s8] =	ssyncpa.u1 $0x0;
	s8 =	simm.s32 $0x0;
	s7 =	sadd.s32 $0x1, s6  }
.LBB1_9:
0xc: {  	s14 =	sadd.s32 $0x40, s10  }
0xd: {  	p1 =	sgt.s32 s14, $0x3FF  }
0xe: {  	s14 =	smov.u32 @p1 s3;
	p1 =	sne.s32 s11, s7  }
.Ltmp1:
0xf: {  	p0 =	slt.u32 s11, $0x2;
	(pc) =	sbr.rel @!p1 .LBB1_10-.Ltmp1, $4  }
0x10: {  	s13 =	simm.s32 @!p0 $0x2  }
0x11: {  	s15 =	sadd.s32 $0x1, s11;
	_ =	swait.ge @!p0 [sflag:s13], $0x4000  }
0x12: {  	s12 =	smov.u32 s10;
	s9 =	sadd.s32 $0x4000, s9;
	[sflag:s13] =	ssyncset.done @!p0 $0x0  }
0x13: {  	s11 =	smov.u32 s15;
	s10 =	smov.u32 s14;
	[sflag:s13] =	ssyncadd.s32 @!p0 $0xFFFFC000  }
.LBB1_1:
0x14: {  	p0 =	sge.u32 s11, s6  }
0x15: {  	s13 =	sxor.u32 @!p0 $0xFFFFFFFF, s11  }
0x16: {  	s31 =	sadd.s32 $0xFFFFFFFF, s11;
	s14 =	sshll.u32 @!p0 s10, $0xA;
	s13 =	sshll.u32 @!p0 s13, $0xE  }
0x17: {  	s15 =	simm.s32 @!p0 $0x0;
	s14 =	sadd.s32 @!p0 s2, s14;
	s13 =	sand.u32 @!p0 $0x4000, s13  }
0x18: {  	[tilespmem:s13], [sflag:$0x1] =	stream.linear.gather @!p0 [hbm4b:s14+s15], $0x4000, $0x38;
	[tilespmem:$0x10000] =	vst v63  }
0x19: {  	p0 =	sge.u32 s31, s6  }
.Ltmp2:
0x1a: {  	_ = 	snop;
	(pc) =	sbr.rel @p0 .LBB1_9-.Ltmp2, $1  }
0x1b: {  	_ =	sdelay $0x3  }
0x1c: {  	s13 =	sshll.u32 s9, $0x2  }
0x1d: {  	_ =	swait.ge [sflag:s5], $0x4000;
	s14 =	sshll.u32 s11, $0xE;
	s16 =	simm.s32 $0x0  }
0x1e: {  	p1 =	por $0x1, $0x1;
	s13 =	sand.u32 $0x10000, s13;
	[sflag:s5] =	ssyncset.done $0x0  }
0x1f: {  	s14 =	sand.u32 $0x4000, s14;
	s15 =	sshrl.u32 s13, $0x2;
	[sflag:s5] =	ssyncadd.s32 $0xFFFFC000  }
0x20: {  	s13 =	sor.u32 $0x8000, s14;
	s14 =	sadd.s32 $0x8040, s15;
	s15 =	sadd.s32 $0x40, s15  }
.LBB1_3:
0x21: {  	s16 =	sshll.u32 s16, $0x2  }
0x22: {  	p0 =	por p1, p1;
	s17 =	sshra.s32 s16, $0x2  }
0x23: {  	s18 =	simm.s32 $0x0;
	s16 =	sadd.s32 s17, s14;
	s17 =	sadd.s32 s17, s15  }
.LBB1_4:
0x24: {  	v0 =	vmov s17;
	_ =	sdelay $0x3  }
0x25: {  	s20 =	simm.s32 $0x0  }
0x26: {  	v6 =	vld.idx.msk [tilespmem:v0+s20+$0x30 ss:$0x1], $0xffff  }
0x27: {  	v7 =	vld.idx.msk [tilespmem:v0+s20+$0xFFFFFFC0 ss:$0x1], $0xffff  }
0x28: {  	v5 =	vld.idx.msk [tilespmem:v0+s20+$0xFFFFFFD0 ss:$0x1], $0xffff  }
0x29: {  	v4 =	vld.idx.msk [tilespmem:v0+s20+$0xFFFFFFE0 ss:$0x1], $0xffff  }
0x2a: {  	v3 =	vld.idx.msk [tilespmem:v0+s20+$0xFFFFFFF0 ss:$0x1], $0xffff  }
0x2b: {  	v1 =	vld.idx.msk [tilespmem:v0+s20+$0x0 ss:$0x1], $0xffff  }
0x2c: {  	v2 =	vld.idx.msk [tilespmem:v0+s20+$0x10 ss:$0x1], $0xffff;
	[tilespmem:s16+$0x30] =	vst v6  }
0x2d: {  	s19 =	simm.s32 $0x80;
	s21 =	simm.s32 $0x400;
	[tilespmem:s16+$0xFFFFFFC0] =	vst v7;
	v6 =	vld.idx.msk [tilespmem:v0+s20+$0x20 ss:$0x1], $0xffff;
	s20 =	smov.u32 s16  }
.LBB1_5:
0x2e: {  	p1 =	sne.s32 s21, $0xE00;
	v7 =	vld.idx.msk [tilespmem:v0+s19+$0x30 ss:$0x1], $0xffff;
	[tilespmem:s20+$0xFFFFFFD0] =	vst v5  }
0x2f: {  	v8 =	vld.idx.msk [tilespmem:v0+s19+$0xFFFFFFC0 ss:$0x1], $0xffff;
	[tilespmem:s20+$0xFFFFFFE0] =	vst v4  }
0x30: {  	v5 =	vld.idx.msk [tilespmem:v0+s19+$0xFFFFFFD0 ss:$0x1], $0xffff;
	[tilespmem:s20+$0xFFFFFFF0] =	vst v3  }
.Ltmp3:
0x31: {  	v4 =	vld.idx.msk [tilespmem:v0+s19+$0xFFFFFFE0 ss:$0x1], $0xffff;
	[tilespmem:s20+$0x0] =	vst v1;
	(pc) =	sbr.rel @p1 .LBB1_5-.Ltmp3, $4  }
0x32: {  	v3 =	vld.idx.msk [tilespmem:v0+s19+$0xFFFFFFF0 ss:$0x1], $0xffff;
	[tilespmem:s20+$0x10] =	vst v2  }
0x33: {  	v1 =	vld.idx.msk [tilespmem:v0+s19+$0x0 ss:$0x1], $0xffff;
	[tilespmem:s20+$0x20] =	vst v6;
	s20 =	sadd.s32 $0x400, s20  }
0x34: {  	v2 =	vld.idx.msk [tilespmem:v0+s19+$0x10 ss:$0x1], $0xffff;
	[tilespmem:s20+$0x30] =	vst v7  }
0x35: {  	[tilespmem:s20+$0xFFFFFFC0] =	vst v8;
	v6 =	vld.idx.msk [tilespmem:v0+s19+$0x20 ss:$0x1], $0xffff;
	s19 =	sshra.s32 s21, $0x2;
	s21 =	sadd.s32 $0x200, s21  }
0x36: {  	_ =	sdelay $0x2  }
0x37: {  	[tilespmem:s20+$0xFFFFFFD0] =	vst v5  }
0x38: {  	v56 =	vld.idx.msk [tilespmem:v0+s19+$0x30 ss:$0x1], $0xffff;
	[tilespmem:s20+$0xFFFFFFE0] =	vst v4  }
0x39: {  	v57 =	vld.idx.msk [tilespmem:v0+s19+$0xFFFFFFC0 ss:$0x1], $0xffff;
	[tilespmem:s20+$0xFFFFFFF0] =	vst v3  }
0x3a: {  	v58 =	vld.idx.msk [tilespmem:v0+s19+$0xFFFFFFD0 ss:$0x1], $0xffff;
	[tilespmem:s20+$0x0] =	vst v1  }
0x3b: {  	v59 =	vld.idx.msk [tilespmem:v0+s19+$0xFFFFFFE0 ss:$0x1], $0xffff;
	[tilespmem:s20+$0x10] =	vst v2  }
0x3c: {  	v60 =	vld.idx.msk [tilespmem:v0+s19+$0xFFFFFFF0 ss:$0x1], $0xffff;
	s31 =	sadd.s32 $0x400, s20;
	[tilespmem:s20+$0x20] =	vst v6  }
0x3d: {  	v61 =	vld.idx.msk [tilespmem:v0+s19+$0x0 ss:$0x1], $0xffff;
	[tilespmem:s31+$0x30] =	vst v56  }
0x3e: {  	v62 =	vld.idx.msk [tilespmem:v0+s19+$0x10 ss:$0x1], $0xffff;
	s18 =	sadd.s32 $0x1, s18;
	[tilespmem:s31+$0xFFFFFFC0] =	vst v57  }
0x3f: {  	v63 =	vld.idx.msk [tilespmem:v0+s19+$0x20 ss:$0x1], $0xffff;
	p1 =	sne.s32 s18, $0x8;
	[tilespmem:s31+$0xFFFFFFD0] =	vst v58  }
.Ltmp4:
0x40: {  	[tilespmem:s31+$0xFFFFFFE0] =	vst v59;
	(pc) =	sbr.rel @p1 .LBB1_4-.Ltmp4, $4  }
0x41: {  	[tilespmem:s31+$0xFFFFFFF0] =	vst v60  }
0x42: {  	[tilespmem:s31+$0x0] =	vst v61  }
0x43: {  	[tilespmem:s31+$0x10] =	vst v62  }
0x44: {  	s16 =	sadd.s32 $0x80, s16;
	s17 =	sadd.s32 $0x400, s17;
	[tilespmem:s31+$0x20] =	vst v63  }
.Ltmp5:
0x45: {  	(pc) =	sbr.rel @p0 .LBB1_3-.Ltmp5, $2  }
0x46: {  	_ =	sdelay $0x2  }
0x47: {  	s16 =	simm.s32 $0x2000;
	p1 =	por $0x0, $0x0  }
.Ltmp6:
0x48: {  	(pc) =	sbr.rel .LBB1_9-.Ltmp6, $4  }
0x49: {  	_ = 	snop  }
0x4a: {  	s12 =	sshll.u32 s12, $0xA  }
0x4b: {  	s12 =	sadd.s32 s4, s12  }
0x4c: {  	[hbm4b:s12+s8] =	stream.linear.scatter [tilespmem:s13], [sflag:$0x2], $0x4000, $0x38;
	[tilespmem:$0x10000] =	vst v63  }
.LBB1_10:
0x4d: {  	_ =	sfence.sel $0x180000  }
0x4e: {  	s2 =	simm.s32 $0x1;
	[bflag:$0x0] =	sbarrier.arrive $0xFFFF  }
0x4f: {  	s31 =	simm.s32 $0x2;
	[sflag:s2] =	ssyncpa.u1 $0x1  }
0x50: {  	[sflag:s31] =	ssyncpa.u1 $0x1  }
0x51: {  	p0 =	sne.s32 s0, $0x0;
	_ =	strace $0x90000047  }
0x52: {  	s0 =	sadd.s32 @!p0 $0x100000, s1;
	[bflag:$0x2] =	sbarrier.arrive $0xFFFF  }
0x53: {  	[sflag:s0] =	ssyncadd.tile.s32 @!p0 $0x1;
	_ =	shalt  }
.Lfunc_end1:
_tile_overlayer_lowered:
.L_overlay_start_2:
0x54: {  	(tag) =	ssettag $0x2  }
0x55: {  	s0 =	rddreg [dreg:$0x0];
	s2 =	stileid.u32  }
0x56: {  	s1 =	rddreg [dreg:$0x1];
	p0 =	sne.s32 s2, $0x0  }
0x57: {  	s3 =	rddreg [dreg:$0x2];
	[bflag:$0x3] =	sbarrier.arrive $0xFFFF;
	s2 =	simm.s32 @!p0 $0x1C01  }
0x58: {  	[timem:s3], [sflag:s2] =	dma.local @!p0 [hbm:s0], s1  }
0x59: {  	s0 =	simm.s32 @!p0 $0x1  }
0x5a: {  	_ =	swait.ge @!p0 [sflag:s0], s1  }
0x5b: {  	s1 =	ssub.s32 @!p0 $0x0, s1;
	[sflag:s0] =	ssyncset.done @!p0 $0x0  }
0x5c: {  	[sflag:s0] =	ssyncadd.s32 @!p0 s1  }
0x5d: {  	[bflag:$0x3] =	sbarrier.arrive $0xFFFF  }
0x5e: {  	_ =	shalt  }

</sc_bundles>
